<compile_context>
chip_gen: v7x
topology: tpu7x:2x2x1
jax: 0.10.2.dev20260603
libtpu: 0.0.44.dev20260713+nightly
codegen_flags: <defaults>
</compile_context>

<pallas_src>
import functools

import jax
import jax.numpy as jnp
from jax import lax
from jax.experimental import pallas as pl
from jax.experimental.pallas import tpu as pltpu
from jax.experimental.pallas import tpu_sc as plsc

_VOCAB = 100000
_MAXLEN = 200
_EMBED = 128
_BATCH = 1024

_NC, _NS = 2, 16
_NW = _NC * _NS
_ROWS = _BATCH * _MAXLEN
_CHUNK = 128
_NCHUNK = _ROWS // _CHUNK
_CPW = _NCHUNK // _NW
_LANES = 16
_DSL = _EMBED // _LANES
_NBUF = 5
_DIST = _NBUF - 2

_mesh = plsc.VectorSubcoreMesh(
    core_axis_name="c", subcore_axis_name="s",
    num_cores=_NC, num_subcores=_NS,
)


@functools.partial(
    pl.kernel,
    out_type=jax.ShapeDtypeStruct((_NCHUNK, _CHUNK, _EMBED), jnp.float32),
    mesh=_mesh,
    scratch_types=(
        [pltpu.VMEM((_MAXLEN, _EMBED), jnp.float32),
         pltpu.VMEM((_CPW, _CHUNK), jnp.int32)]
        + [pltpu.VMEM((_CHUNK, _EMBED), jnp.float32) for _ in range(_NBUF)]
        + [pltpu.SemaphoreType.DMA for _ in range(2 * _NBUF)]
    ),
)
def _embed_kernel(x_hbm, tok_hbm, pos_hbm, out_hbm, pos_v, idxs_v, *rest):
    bufs = rest[:_NBUF]
    gsems = rest[_NBUF:2 * _NBUF]
    wsems = rest[2 * _NBUF:]

    wid = lax.axis_index("s") * _NC + lax.axis_index("c")
    pltpu.sync_copy(pos_hbm, pos_v)
    pltpu.sync_copy(x_hbm.at[wid], idxs_v)

    out_base = wid * _CPW

    def start_gather(j, b):
        pltpu.async_copy(tok_hbm.at[idxs_v.at[j]], bufs[b], gsems[b])

    def wait_gather(j, b):
        pltpu.make_async_copy(tok_hbm.at[idxs_v.at[j]], bufs[b], gsems[b]).wait()

    def start_wb(j, b):
        pltpu.async_copy(bufs[b], out_hbm.at[out_base + j], wsems[b])

    def wait_wb(j, b):
        pltpu.make_async_copy(bufs[b], out_hbm.at[out_base + j], wsems[b]).wait()

    def add_pos(j, b):
        base_mod = lax.rem((out_base + j) * _CHUNK, _MAXLEN)

        @plsc.parallel_loop(0, _CHUNK)
        def _add(r):
            pr0 = base_mod + r
            pr = pr0 - jnp.where(pr0 >= _MAXLEN, _MAXLEN, 0)
            for d in range(_DSL):
                sl = pl.ds(d * _LANES, _LANES)
                plsc.addupdate(bufs[b].at[r, sl], pos_v[pr, sl])

    for j in range(_DIST):
        start_gather(j, j)

    _NFULL = ((_CPW - _DIST) // _NBUF) * _NBUF

    def body(k, carry):
        for b in range(_NBUF):
            j = _NBUF * k + b

            nb = (b + _DIST) % _NBUF

            @pl.when(j >= 2)
            def _drain():
                wait_wb(j - 2, nb)

            start_gather(j + _DIST, nb)

            wait_gather(j, b)
            add_pos(j, b)
            start_wb(j, b)
        return carry

    lax.fori_loop(0, _NFULL // _NBUF, body, 0)

    for j in range(_NFULL, _CPW):
        b = j % _NBUF
        if j + _DIST < _CPW:
            nb = (j + _DIST) % _NBUF
            wait_wb(j - 2, nb)
            start_gather(j + _DIST, nb)
        wait_gather(j, b)
        add_pos(j, b)
        start_wb(j, b)

    for j in range(_CPW - _NBUF, _CPW):
        wait_wb(j, j % _NBUF)


def kernel(x, token_table, pos_table):
    x3 = x.astype(jnp.int32).reshape(_NW, _CPW, _CHUNK)
    out = _embed_kernel(x3, token_table, pos_table)
    return out.reshape(_BATCH, _MAXLEN, _EMBED)

# --- scband reference (transcript-rebuilt; emitter-appended) ---
"""Pipeline reference for scband-token-and-position-embedding-77721728188771 (READ-ONLY COPY).

The authoritative reference and input builder live on the scoring server;
editing this copy changes nothing except your own understanding.
"""

import jax, jax.numpy as jnp
import numpy as np

VOCAB = 100000
MAXLEN = 200
EMBED = 128
BATCH = 1024

def setup_inputs(seed: int = 0) -> dict:
    key = jax.random.key(seed)
    k1, k2, k3 = jax.random.split(key, 3)
    x = jax.random.randint(k1, (BATCH, MAXLEN), 0, VOCAB, dtype=jnp.int64 if jax.config.jax_enable_x64 else jnp.int32)
    token_table = jax.random.normal(k2, (VOCAB, EMBED), dtype=jnp.float32) * 0.05
    pos_table = jax.random.normal(k3, (MAXLEN, EMBED), dtype=jnp.float32) * 0.05
    return {"x": x, "token_table": token_table, "pos_table": pos_table}

def reference(x, token_table, pos_table):
    # token embedding lookup
    tok = jnp.take(token_table, x, axis=0)            # [B, L, D]
    # position embedding for positions 0..L-1
    positions = jnp.arange(x.shape[-1])
    pos = jnp.take(pos_table, positions, axis=0)      # [L, D]
    return tok + pos[None, :, :]

if __name__ == "__main__":
    import jax
    _d = setup_inputs()
    print(jax.jit(kernel)(*tuple(_d.values())))

</pallas_src>

<mosaic_0001>
#map = affine_map<(d0, d1) -> (0, 0, 0)>
#map1 = affine_map<(d0, d1) -> (0, 0)>
module attributes {stable_mosaic.version = 14 : i64} {
  func.func @_embed_kernel(%arg0: i32, %arg1: i32, %arg2: memref<32x50x128xi32, #tpu.memory_space<hbm>>, %arg3: memref<100000x128xf32, #tpu.memory_space<hbm>>, %arg4: memref<200x128xf32, #tpu.memory_space<hbm>>, %arg5: memref<1600x128x128xf32, #tpu.memory_space<hbm>>, %arg6: memref<200x128xf32, #tpu.memory_space<vmem>>, %arg7: memref<50x128xi32, #tpu.memory_space<vmem>>, %arg8: memref<128x128xf32, #tpu.memory_space<vmem>>, %arg9: memref<128x128xf32, #tpu.memory_space<vmem>>, %arg10: memref<128x128xf32, #tpu.memory_space<vmem>>, %arg11: memref<128x128xf32, #tpu.memory_space<vmem>>, %arg12: memref<128x128xf32, #tpu.memory_space<vmem>>, %arg13: memref<!tpu.dma_semaphore, #tpu.memory_space<semaphore_mem>>, %arg14: memref<!tpu.dma_semaphore, #tpu.memory_space<semaphore_mem>>, %arg15: memref<!tpu.dma_semaphore, #tpu.memory_space<semaphore_mem>>, %arg16: memref<!tpu.dma_semaphore, #tpu.memory_space<semaphore_mem>>, %arg17: memref<!tpu.dma_semaphore, #tpu.memory_space<semaphore_mem>>, %arg18: memref<!tpu.dma_semaphore, #tpu.memory_space<semaphore_mem>>, %arg19: memref<!tpu.dma_semaphore, #tpu.memory_space<semaphore_mem>>, %arg20: memref<!tpu.dma_semaphore, #tpu.memory_space<semaphore_mem>>, %arg21: memref<!tpu.dma_semaphore, #tpu.memory_space<semaphore_mem>>, %arg22: memref<!tpu.dma_semaphore, #tpu.memory_space<semaphore_mem>>) attributes {dimension_semantics = [#tpu.dimension_semantics<core_parallel>, #tpu.dimension_semantics<subcore_parallel>], iteration_bounds = array<i64: 2, 16>, scalar_prefetch = 0 : i64, scratch_operands = 17 : i64, tpu.core_type = #tpu.core_type<sc_vector_subcore>, window_params = [{transform_indices = #map}, {transform_indices = #map1}, {transform_indices = #map1}, {transform_indices = #map}]} {
    %mul3A = arith.constant 2 : i32
    %mul3A_0 = arith.muli %arg1, %mul3A : i32
    %add3A = arith.addi %mul3A_0, %arg0 : i32
    "tpu.region"() ({
      %run_scoped3A = tpu.sem_alloc : memref<!tpu.dma_semaphore, #tpu.memory_space<semaphore_mem>>
      tpu.enqueue_dma source(%arg4 : memref<200x128xf32, #tpu.memory_space<hbm>>) target(%arg6 : memref<200x128xf32, #tpu.memory_space<vmem>>) target_semaphore(%run_scoped3A : memref<!tpu.dma_semaphore, #tpu.memory_space<semaphore_mem>>)
      tpu.wait_dma2 semaphore(%run_scoped3A : memref<!tpu.dma_semaphore, #tpu.memory_space<semaphore_mem>>) src(%arg4 : memref<200x128xf32, #tpu.memory_space<hbm>>) dst(%arg6 : memref<200x128xf32, #tpu.memory_space<vmem>>)
      tpu.yield
    }) : () -> ()
    "tpu.region"() ({
      %run_scoped3A = tpu.sem_alloc : memref<!tpu.dma_semaphore, #tpu.memory_space<semaphore_mem>>
      %dma_start3A_239 = arith.constant 0 : i32
      %dma_start3A_240 = arith.constant 0 : i32
      %dma_start3A_241 = tpu.memref_slice %arg2[%add3A, %dma_start3A_239, %dma_start3A_240] : memref<32x50x128xi32, #tpu.memory_space<hbm>> -> memref<1x50x128xi32, #tpu.memory_space<hbm>>
      %dma_start3A_242 = tpu.memref_squeeze %dma_start3A_241 : memref<1x50x128xi32, #tpu.memory_space<hbm>> -> memref<50x128xi32, #tpu.memory_space<hbm>>
      %dma_start3A_243 = arith.constant 0 : i32
      %dma_start3A_244 = arith.constant 0 : i32
      %dma_start3A_245 = tpu.memref_slice %arg2[%add3A, %dma_start3A_243, %dma_start3A_244] : memref<32x50x128xi32, #tpu.memory_space<hbm>> -> memref<1x50x128xi32, #tpu.memory_space<hbm>>
      %dma_start3A_246 = tpu.memref_squeeze %dma_start3A_245 : memref<1x50x128xi32, #tpu.memory_space<hbm>> -> memref<50x128xi32, #tpu.memory_space<hbm>>
      tpu.enqueue_dma source(%dma_start3A_246 : memref<50x128xi32, #tpu.memory_space<hbm>>) target(%arg7 : memref<50x128xi32, #tpu.memory_space<vmem>>) target_semaphore(%run_scoped3A : memref<!tpu.dma_semaphore, #tpu.memory_space<semaphore_mem>>)
      %dma_wait3A_247 = arith.constant 0 : i32
      %dma_wait3A_248 = arith.constant 0 : i32
      %dma_wait3A_249 = tpu.memref_slice %arg2[%add3A, %dma_wait3A_247, %dma_wait3A_248] : memref<32x50x128xi32, #tpu.memory_space<hbm>> -> memref<1x50x128xi32, #tpu.memory_space<hbm>>
      %dma_wait3A_250 = tpu.memref_squeeze %dma_wait3A_249 : memref<1x50x128xi32, #tpu.memory_space<hbm>> -> memref<50x128xi32, #tpu.memory_space<hbm>>
      %dma_wait3A_251 = arith.constant 0 : i32
      %dma_wait3A_252 = arith.constant 0 : i32
      %dma_wait3A_253 = tpu.memref_slice %arg2[%add3A, %dma_wait3A_251, %dma_wait3A_252] : memref<32x50x128xi32, #tpu.memory_space<hbm>> -> memref<1x50x128xi32, #tpu.memory_space<hbm>>
      %dma_wait3A_254 = tpu.memref_squeeze %dma_wait3A_253 : memref<1x50x128xi32, #tpu.memory_space<hbm>> -> memref<50x128xi32, #tpu.memory_space<hbm>>
      tpu.wait_dma2 semaphore(%run_scoped3A : memref<!tpu.dma_semaphore, #tpu.memory_space<semaphore_mem>>) src(%dma_wait3A_254 : memref<50x128xi32, #tpu.memory_space<hbm>>) dst(%arg7 : memref<50x128xi32, #tpu.memory_space<vmem>>)
      tpu.yield
    }) : () -> ()
    %mul3A_1 = arith.constant 50 : i32
    %mul3A_2 = arith.muli %add3A, %mul3A_1 : i32
    %dma_start3A = arith.constant 0 : i32
    %dma_start3A_3 = arith.constant 0 : i32
    %dma_start3A_4 = tpu.memref_slice %arg7[%dma_start3A, %dma_start3A_3] : memref<50x128xi32, #tpu.memory_space<vmem>> -> memref<1x128xi32, #tpu.memory_space<vmem>>
    %dma_start3A_5 = tpu.memref_squeeze %dma_start3A_4 : memref<1x128xi32, #tpu.memory_space<vmem>> -> memref<128xi32, #tpu.memory_space<vmem>>
    %dma_start3A_6 = arith.constant 0 : i32
    %dma_start3A_7 = arith.constant 0 : i32
    %dma_start3A_8 = tpu.memref_slice %arg3[%dma_start3A_6, %dma_start3A_7] : memref<100000x128xf32, #tpu.memory_space<hbm>> -> memref<100000x128xf32, #tpu.memory_space<hbm>>
    tpu.enqueue_indirect_dma source(%dma_start3A_8 : memref<100000x128xf32, #tpu.memory_space<hbm>>) target(%arg8 : memref<128x128xf32, #tpu.memory_space<vmem>>) offsets(%dma_start3A_5 : memref<128xi32, #tpu.memory_space<vmem>>) semaphore(%arg13 : memref<!tpu.dma_semaphore, #tpu.memory_space<semaphore_mem>>)
    %dma_start3A_9 = arith.constant 1 : i32
    %dma_start3A_10 = arith.constant 0 : i32
    %dma_start3A_11 = tpu.memref_slice %arg7[%dma_start3A_9, %dma_start3A_10] : memref<50x128xi32, #tpu.memory_space<vmem>> -> memref<1x128xi32, #tpu.memory_space<vmem>>
    %dma_start3A_12 = tpu.memref_squeeze %dma_start3A_11 : memref<1x128xi32, #tpu.memory_space<vmem>> -> memref<128xi32, #tpu.memory_space<vmem>>
    %dma_start3A_13 = arith.constant 0 : i32
    %dma_start3A_14 = arith.constant 0 : i32
    %dma_start3A_15 = tpu.memref_slice %arg3[%dma_start3A_13, %dma_start3A_14] : memref<100000x128xf32, #tpu.memory_space<hbm>> -> memref<100000x128xf32, #tpu.memory_space<hbm>>
    tpu.enqueue_indirect_dma source(%dma_start3A_15 : memref<100000x128xf32, #tpu.memory_space<hbm>>) target(%arg9 : memref<128x128xf32, #tpu.memory_space<vmem>>) offsets(%dma_start3A_12 : memref<128xi32, #tpu.memory_space<vmem>>) semaphore(%arg14 : memref<!tpu.dma_semaphore, #tpu.memory_space<semaphore_mem>>)
    %dma_start3A_16 = arith.constant 2 : i32
    %dma_start3A_17 = arith.constant 0 : i32
    %dma_start3A_18 = tpu.memref_slice %arg7[%dma_start3A_16, %dma_start3A_17] : memref<50x128xi32, #tpu.memory_space<vmem>> -> memref<1x128xi32, #tpu.memory_space<vmem>>
    %dma_start3A_19 = tpu.memref_squeeze %dma_start3A_18 : memref<1x128xi32, #tpu.memory_space<vmem>> -> memref<128xi32, #tpu.memory_space<vmem>>
    %dma_start3A_20 = arith.constant 0 : i32
    %dma_start3A_21 = arith.constant 0 : i32
    %dma_start3A_22 = tpu.memref_slice %arg3[%dma_start3A_20, %dma_start3A_21] : memref<100000x128xf32, #tpu.memory_space<hbm>> -> memref<100000x128xf32, #tpu.memory_space<hbm>>
    tpu.enqueue_indirect_dma source(%dma_start3A_22 : memref<100000x128xf32, #tpu.memory_space<hbm>>) target(%arg10 : memref<128x128xf32, #tpu.memory_space<vmem>>) offsets(%dma_start3A_19 : memref<128xi32, #tpu.memory_space<vmem>>) semaphore(%arg15 : memref<!tpu.dma_semaphore, #tpu.memory_space<semaphore_mem>>)
    %scan3A = arith.constant 0 : i32
    %scan3A_23 = arith.constant 0 : i32
    %scan3A_24 = arith.constant 9 : i32
    %scan3A_25 = arith.addi %scan3A_23, %scan3A_24 : i32
    %scan3A_26 = arith.constant 1 : i32
    scf.for %scan3A_239 = %scan3A_23 to %scan3A_25 step %scan3A_26  : i32 {
      %mul3A_240 = arith.constant 5 : i32
      %mul3A_241 = arith.muli %mul3A_240, %scan3A_239 : i32
      %add3A_242 = arith.constant 0 : i32
      %add3A_243 = arith.addi %mul3A_241, %add3A_242 : i32
      %ge3A = arith.constant 2 : i32
      %ge3A_244 = arith.cmpi sge, %add3A_243, %ge3A : i32
      %convert_element_type3A = arith.extui %ge3A_244 : i1 to i32
      %cond3A = arith.constant 0 : i32
      %cond3A_245 = arith.cmpi ne, %convert_element_type3A, %cond3A : i32
      scf.if %cond3A_245 {
        %sub3A = arith.constant 2 : i32
        %sub3A_437 = arith.subi %add3A_243, %sub3A : i32
        %add3A_438 = arith.addi %mul3A_2, %sub3A_437 : i32
        %dma_wait3A_439 = arith.constant 0 : i32
        %dma_wait3A_440 = arith.constant 0 : i32
        %dma_wait3A_441 = tpu.memref_slice %arg5[%add3A_438, %dma_wait3A_439, %dma_wait3A_440] : memref<1600x128x128xf32, #tpu.memory_space<hbm>> -> memref<1x128x128xf32, #tpu.memory_space<hbm>>
        %dma_wait3A_442 = tpu.memref_squeeze %dma_wait3A_441 : memref<1x128x128xf32, #tpu.memory_space<hbm>> -> memref<128x128xf32, #tpu.memory_space<hbm>>
        %dma_wait3A_443 = arith.constant 0 : i32
        %dma_wait3A_444 = arith.constant 0 : i32
        %dma_wait3A_445 = tpu.memref_slice %arg5[%add3A_438, %dma_wait3A_443, %dma_wait3A_444] : memref<1600x128x128xf32, #tpu.memory_space<hbm>> -> memref<1x128x128xf32, #tpu.memory_space<hbm>>
        %dma_wait3A_446 = tpu.memref_squeeze %dma_wait3A_445 : memref<1x128x128xf32, #tpu.memory_space<hbm>> -> memref<128x128xf32, #tpu.memory_space<hbm>>
        tpu.wait_dma2 semaphore(%arg21 : memref<!tpu.dma_semaphore, #tpu.memory_space<semaphore_mem>>) src(%arg11 : memref<128x128xf32, #tpu.memory_space<vmem>>) dst(%dma_wait3A_446 : memref<128x128xf32, #tpu.memory_space<hbm>>)
      } else {
      }
      %add3A_246 = arith.constant 3 : i32
      %add3A_247 = arith.addi %add3A_243, %add3A_246 : i32
      %dma_start3A_248 = arith.constant 0 : i32
      %dma_start3A_249 = tpu.memref_slice %arg7[%add3A_247, %dma_start3A_248] : memref<50x128xi32, #tpu.memory_space<vmem>> -> memref<1x128xi32, #tpu.memory_space<vmem>>
      %dma_start3A_250 = tpu.memref_squeeze %dma_start3A_249 : memref<1x128xi32, #tpu.memory_space<vmem>> -> memref<128xi32, #tpu.memory_space<vmem>>
      %dma_start3A_251 = arith.constant 0 : i32
      %dma_start3A_252 = arith.constant 0 : i32
      %dma_start3A_253 = tpu.memref_slice %arg3[%dma_start3A_251, %dma_start3A_252] : memref<100000x128xf32, #tpu.memory_space<hbm>> -> memref<100000x128xf32, #tpu.memory_space<hbm>>
      tpu.enqueue_indirect_dma source(%dma_start3A_253 : memref<100000x128xf32, #tpu.memory_space<hbm>>) target(%arg11 : memref<128x128xf32, #tpu.memory_space<vmem>>) offsets(%dma_start3A_250 : memref<128xi32, #tpu.memory_space<vmem>>) semaphore(%arg16 : memref<!tpu.dma_semaphore, #tpu.memory_space<semaphore_mem>>)
      %dma_wait3A_254 = arith.constant 0 : i32
      %dma_wait3A_255 = tpu.memref_slice %arg7[%add3A_243, %dma_wait3A_254] : memref<50x128xi32, #tpu.memory_space<vmem>> -> memref<1x128xi32, #tpu.memory_space<vmem>>
      %dma_wait3A_256 = tpu.memref_squeeze %dma_wait3A_255 : memref<1x128xi32, #tpu.memory_space<vmem>> -> memref<128xi32, #tpu.memory_space<vmem>>
      %dma_wait3A_257 = arith.constant 0 : i32
      %dma_wait3A_258 = arith.constant 0 : i32
      %dma_wait3A_259 = tpu.memref_slice %arg3[%dma_wait3A_257, %dma_wait3A_258] : memref<100000x128xf32, #tpu.memory_space<hbm>> -> memref<100000x128xf32, #tpu.memory_space<hbm>>
      tpu.wait_indirect_dma semaphore(%arg13 : memref<!tpu.dma_semaphore, #tpu.memory_space<semaphore_mem>>) src(%dma_wait3A_259 : memref<100000x128xf32, #tpu.memory_space<hbm>>) dst(%arg8 : memref<128x128xf32, #tpu.memory_space<vmem>>)
      %add3A_260 = arith.addi %mul3A_2, %add3A_243 : i32
      %mul3A_261 = arith.constant 128 : i32
      %mul3A_262 = arith.muli %add3A_260, %mul3A_261 : i32
      %rem3A_263 = arith.constant 200 : i32
      %rem3A_264 = arith.remsi %mul3A_262, %rem3A_263 : i32
      %parallel_loop3A_265 = arith.constant 0 : i32
      %parallel_loop3A_266 = arith.constant 128 : i32
      %parallel_loop3A_267 = arith.constant 1 : i32
      scf.for %parallel_loop3A_437 = %parallel_loop3A_265 to %parallel_loop3A_266 step %parallel_loop3A_267  : i32 {
        %parallel_loop3A_438 = arith.addi %rem3A_264, %parallel_loop3A_437 : i32
        %parallel_loop3A_439 = arith.constant 200 : i32
        %parallel_loop3A_440 = arith.cmpi sge, %parallel_loop3A_438, %parallel_loop3A_439 : i32
        %parallel_loop3A_441 = arith.constant 200 : i32
        %parallel_loop3A_442 = arith.constant 0 : i32
        %parallel_loop3A_443 = arith.select %parallel_loop3A_440, %parallel_loop3A_441, %parallel_loop3A_442 : i32
        %parallel_loop3A_444 = arith.subi %parallel_loop3A_438, %parallel_loop3A_443 : i32
        %parallel_loop3A_445 = arith.index_cast %parallel_loop3A_444 : i32 to index
        %parallel_loop3A_446 = arith.constant 0 : index
        %parallel_loop3A_447 = tpu.vector_load %arg6[%parallel_loop3A_445, %parallel_loop3A_446] {strides = array<i32>} : memref<200x128xf32, #tpu.memory_space<vmem>>, vector<1x16xf32>,
        %parallel_loop3A_448 = vector.shape_cast %parallel_loop3A_447 : vector<1x16xf32> to vector<16xf32>
        %parallel_loop3A_449 = arith.index_cast %parallel_loop3A_437 : i32 to index
        %parallel_loop3A_450 = arith.constant 0 : index
        %parallel_loop3A_451 = tpu.vector_load %arg8[%parallel_loop3A_449, %parallel_loop3A_450] {strides = array<i32>} : memref<128x128xf32, #tpu.memory_space<vmem>>, vector<1x16xf32>,
        %parallel_loop3A_452 = vector.shape_cast %parallel_loop3A_451 : vector<1x16xf32> to vector<16xf32>
        %parallel_loop3A_453 = vector.shape_cast %parallel_loop3A_448 : vector<16xf32> to vector<1x16xf32>
        tpu.vector_store %arg8[%parallel_loop3A_449, %parallel_loop3A_450], %parallel_loop3A_453 {add = true, strides = array<i32>} : memref<128x128xf32, #tpu.memory_space<vmem>>, vector<1x16xf32>,
        %parallel_loop3A_454 = arith.index_cast %parallel_loop3A_444 : i32 to index
        %parallel_loop3A_455 = arith.constant 16 : index
        %parallel_loop3A_456 = tpu.vector_load %arg6[%parallel_loop3A_454, %parallel_loop3A_455] {strides = array<i32>} : memref<200x128xf32, #tpu.memory_space<vmem>>, vector<1x16xf32>,
        %parallel_loop3A_457 = vector.shape_cast %parallel_loop3A_456 : vector<1x16xf32> to vector<16xf32>
        %parallel_loop3A_458 = arith.index_cast %parallel_loop3A_437 : i32 to index
        %parallel_loop3A_459 = arith.constant 16 : index
        %parallel_loop3A_460 = tpu.vector_load %arg8[%parallel_loop3A_458, %parallel_loop3A_459] {strides = array<i32>} : memref<128x128xf32, #tpu.memory_space<vmem>>, vector<1x16xf32>,
        %parallel_loop3A_461 = vector.shape_cast %parallel_loop3A_460 : vector<1x16xf32> to vector<16xf32>
        %parallel_loop3A_462 = vector.shape_cast %parallel_loop3A_457 : vector<16xf32> to vector<1x16xf32>
        tpu.vector_store %arg8[%parallel_loop3A_458, %parallel_loop3A_459], %parallel_loop3A_462 {add = true, strides = array<i32>} : memref<128x128xf32, #tpu.memory_space<vmem>>, vector<1x16xf32>,
        %parallel_loop3A_463 = arith.index_cast %parallel_loop3A_444 : i32 to index
        %parallel_loop3A_464 = arith.constant 32 : index
        %parallel_loop3A_465 = tpu.vector_load %arg6[%parallel_loop3A_463, %parallel_loop3A_464] {strides = array<i32>} : memref<200x128xf32, #tpu.memory_space<vmem>>, vector<1x16xf32>,
        %parallel_loop3A_466 = vector.shape_cast %parallel_loop3A_465 : vector<1x16xf32> to vector<16xf32>
        %parallel_loop3A_467 = arith.index_cast %parallel_loop3A_437 : i32 to index
        %parallel_loop3A_468 = arith.constant 32 : index
        %parallel_loop3A_469 = tpu.vector_load %arg8[%parallel_loop3A_467, %parallel_loop3A_468] {strides = array<i32>} : memref<128x128xf32, #tpu.memory_space<vmem>>, vector<1x16xf32>,
        %parallel_loop3A_470 = vector.shape_cast %parallel_loop3A_469 : vector<1x16xf32> to vector<16xf32>
        %parallel_loop3A_471 = vector.shape_cast %parallel_loop3A_466 : vector<16xf32> to vector<1x16xf32>
        tpu.vector_store %arg8[%parallel_loop3A_467, %parallel_loop3A_468], %parallel_loop3A_471 {add = true, strides = array<i32>} : memref<128x128xf32, #tpu.memory_space<vmem>>, vector<1x16xf32>,
        %parallel_loop3A_472 = arith.index_cast %parallel_loop3A_444 : i32 to index
        %parallel_loop3A_473 = arith.constant 48 : index
        %parallel_loop3A_474 = tpu.vector_load %arg6[%parallel_loop3A_472, %parallel_loop3A_473] {strides = array<i32>} : memref<200x128xf32, #tpu.memory_space<vmem>>, vector<1x16xf32>,
        %parallel_loop3A_475 = vector.shape_cast %parallel_loop3A_474 : vector<1x16xf32> to vector<16xf32>
        %parallel_loop3A_476 = arith.index_cast %parallel_loop3A_437 : i32 to index
        %parallel_loop3A_477 = arith.constant 48 : index
        %parallel_loop3A_478 = tpu.vector_load %arg8[%parallel_loop3A_476, %parallel_loop3A_477] {strides = array<i32>} : memref<128x128xf32, #tpu.memory_space<vmem>>, vector<1x16xf32>,
        %parallel_loop3A_479 = vector.shape_cast %parallel_loop3A_478 : vector<1x16xf32> to vector<16xf32>
        %parallel_loop3A_480 = vector.shape_cast %parallel_loop3A_475 : vector<16xf32> to vector<1x16xf32>
        tpu.vector_store %arg8[%parallel_loop3A_476, %parallel_loop3A_477], %parallel_loop3A_480 {add = true, strides = array<i32>} : memref<128x128xf32, #tpu.memory_space<vmem>>, vector<1x16xf32>,
        %parallel_loop3A_481 = arith.index_cast %parallel_loop3A_444 : i32 to index
        %parallel_loop3A_482 = arith.constant 64 : index
        %parallel_loop3A_483 = tpu.vector_load %arg6[%parallel_loop3A_481, %parallel_loop3A_482] {strides = array<i32>} : memref<200x128xf32, #tpu.memory_space<vmem>>, vector<1x16xf32>,
        %parallel_loop3A_484 = vector.shape_cast %parallel_loop3A_483 : vector<1x16xf32> to vector<16xf32>
        %parallel_loop3A_485 = arith.index_cast %parallel_loop3A_437 : i32 to index
        %parallel_loop3A_486 = arith.constant 64 : index
        %parallel_loop3A_487 = tpu.vector_load %arg8[%parallel_loop3A_485, %parallel_loop3A_486] {strides = array<i32>} : memref<128x128xf32, #tpu.memory_space<vmem>>, vector<1x16xf32>,
        %parallel_loop3A_488 = vector.shape_cast %parallel_loop3A_487 : vector<1x16xf32> to vector<16xf32>
        %parallel_loop3A_489 = vector.shape_cast %parallel_loop3A_484 : vector<16xf32> to vector<1x16xf32>
        tpu.vector_store %arg8[%parallel_loop3A_485, %parallel_loop3A_486], %parallel_loop3A_489 {add = true, strides = array<i32>} : memref<128x128xf32, #tpu.memory_space<vmem>>, vector<1x16xf32>,
        %parallel_loop3A_490 = arith.index_cast %parallel_loop3A_444 : i32 to index
        %parallel_loop3A_491 = arith.constant 80 : index
        %parallel_loop3A_492 = tpu.vector_load %arg6[%parallel_loop3A_490, %parallel_loop3A_491] {strides = array<i32>} : memref<200x128xf32, #tpu.memory_space<vmem>>, vector<1x16xf32>,
        %parallel_loop3A_493 = vector.shape_cast %parallel_loop3A_492 : vector<1x16xf32> to vector<16xf32>
        %parallel_loop3A_494 = arith.index_cast %parallel_loop3A_437 : i32 to index
        %parallel_loop3A_495 = arith.constant 80 : index
        %parallel_loop3A_496 = tpu.vector_load %arg8[%parallel_loop3A_494, %parallel_loop3A_495] {strides = array<i32>} : memref<128x128xf32, #tpu.memory_space<vmem>>, vector<1x16xf32>,
        %parallel_loop3A_497 = vector.shape_cast %parallel_loop3A_496 : vector<1x16xf32> to vector<16xf32>
        %parallel_loop3A_498 = vector.shape_cast %parallel_loop3A_493 : vector<16xf32> to vector<1x16xf32>
        tpu.vector_store %arg8[%parallel_loop3A_494, %parallel_loop3A_495], %parallel_loop3A_498 {add = true, strides = array<i32>} : memref<128x128xf32, #tpu.memory_space<vmem>>, vector<1x16xf32>,
        %parallel_loop3A_499 = arith.index_cast %parallel_loop3A_444 : i32 to index
        %parallel_loop3A_500 = arith.constant 96 : index
        %parallel_loop3A_501 = tpu.vector_load %arg6[%parallel_loop3A_499, %parallel_loop3A_500] {strides = array<i32>} : memref<200x128xf32, #tpu.memory_space<vmem>>, vector<1x16xf32>,
        %parallel_loop3A_502 = vector.shape_cast %parallel_loop3A_501 : vector<1x16xf32> to vector<16xf32>
        %parallel_loop3A_503 = arith.index_cast %parallel_loop3A_437 : i32 to index
        %parallel_loop3A_504 = arith.constant 96 : index
        %parallel_loop3A_505 = tpu.vector_load %arg8[%parallel_loop3A_503, %parallel_loop3A_504] {strides = array<i32>} : memref<128x128xf32, #tpu.memory_space<vmem>>, vector<1x16xf32>,
        %parallel_loop3A_506 = vector.shape_cast %parallel_loop3A_505 : vector<1x16xf32> to vector<16xf32>
        %parallel_loop3A_507 = vector.shape_cast %parallel_loop3A_502 : vector<16xf32> to vector<1x16xf32>
        tpu.vector_store %arg8[%parallel_loop3A_503, %parallel_loop3A_504], %parallel_loop3A_507 {add = true, strides = array<i32>} : memref<128x128xf32, #tpu.memory_space<vmem>>, vector<1x16xf32>,
        %parallel_loop3A_508 = arith.index_cast %parallel_loop3A_444 : i32 to index
        %parallel_loop3A_509 = arith.constant 112 : index
        %parallel_loop3A_510 = tpu.vector_load %arg6[%parallel_loop3A_508, %parallel_loop3A_509] {strides = array<i32>} : memref<200x128xf32, #tpu.memory_space<vmem>>, vector<1x16xf32>,
        %parallel_loop3A_511 = vector.shape_cast %parallel_loop3A_510 : vector<1x16xf32> to vector<16xf32>
        %parallel_loop3A_512 = arith.index_cast %parallel_loop3A_437 : i32 to index
        %parallel_loop3A_513 = arith.constant 112 : index
        %parallel_loop3A_514 = tpu.vector_load %arg8[%parallel_loop3A_512, %parallel_loop3A_513] {strides = array<i32>} : memref<128x128xf32, #tpu.memory_space<vmem>>, vector<1x16xf32>,
        %parallel_loop3A_515 = vector.shape_cast %parallel_loop3A_514 : vector<1x16xf32> to vector<16xf32>
        %parallel_loop3A_516 = vector.shape_cast %parallel_loop3A_511 : vector<16xf32> to vector<1x16xf32>
        tpu.vector_store %arg8[%parallel_loop3A_512, %parallel_loop3A_513], %parallel_loop3A_516 {add = true, strides = array<i32>} : memref<128x128xf32, #tpu.memory_space<vmem>>, vector<1x16xf32>,
      } {sc.loop_unroll_factor = 1 : i64, sc.parallel_access}
      %add3A_268 = arith.addi %mul3A_2, %add3A_243 : i32
      %dma_start3A_269 = arith.constant 0 : i32
      %dma_start3A_270 = arith.constant 0 : i32
      %dma_start3A_271 = tpu.memref_slice %arg5[%add3A_268, %dma_start3A_269, %dma_start3A_270] : memref<1600x128x128xf32, #tpu.memory_space<hbm>> -> memref<1x128x128xf32, #tpu.memory_space<hbm>>
      %dma_start3A_272 = tpu.memref_squeeze %dma_start3A_271 : memref<1x128x128xf32, #tpu.memory_space<hbm>> -> memref<128x128xf32, #tpu.memory_space<hbm>>
      %dma_start3A_273 = arith.constant 0 : i32
      %dma_start3A_274 = arith.constant 0 : i32
      %dma_start3A_275 = tpu.memref_slice %arg5[%add3A_268, %dma_start3A_273, %dma_start3A_274] : memref<1600x128x128xf32, #tpu.memory_space<hbm>> -> memref<1x128x128xf32, #tpu.memory_space<hbm>>
      %dma_start3A_276 = tpu.memref_squeeze %dma_start3A_275 : memref<1x128x128xf32, #tpu.memory_space<hbm>> -> memref<128x128xf32, #tpu.memory_space<hbm>>
      tpu.enqueue_dma source(%arg8 : memref<128x128xf32, #tpu.memory_space<vmem>>) target(%dma_start3A_276 : memref<128x128xf32, #tpu.memory_space<hbm>>) target_semaphore(%arg18 : memref<!tpu.dma_semaphore, #tpu.memory_space<semaphore_mem>>)
      %mul3A_277 = arith.constant 5 : i32
      %mul3A_278 = arith.muli %mul3A_277, %scan3A_239 : i32
      %add3A_279 = arith.constant 1 : i32
      %add3A_280 = arith.addi %mul3A_278, %add3A_279 : i32
      %ge3A_281 = arith.constant 2 : i32
      %ge3A_282 = arith.cmpi sge, %add3A_280, %ge3A_281 : i32
      %convert_element_type3A_283 = arith.extui %ge3A_282 : i1 to i32
      %cond3A_284 = arith.constant 0 : i32
      %cond3A_285 = arith.cmpi ne, %convert_element_type3A_283, %cond3A_284 : i32
      scf.if %cond3A_285 {
        %sub3A = arith.constant 2 : i32
        %sub3A_437 = arith.subi %add3A_280, %sub3A : i32
        %add3A_438 = arith.addi %mul3A_2, %sub3A_437 : i32
        %dma_wait3A_439 = arith.constant 0 : i32
        %dma_wait3A_440 = arith.constant 0 : i32
        %dma_wait3A_441 = tpu.memref_slice %arg5[%add3A_438, %dma_wait3A_439, %dma_wait3A_440] : memref<1600x128x128xf32, #tpu.memory_space<hbm>> -> memref<1x128x128xf32, #tpu.memory_space<hbm>>
        %dma_wait3A_442 = tpu.memref_squeeze %dma_wait3A_441 : memref<1x128x128xf32, #tpu.memory_space<hbm>> -> memref<128x128xf32, #tpu.memory_space<hbm>>
        %dma_wait3A_443 = arith.constant 0 : i32
        %dma_wait3A_444 = arith.constant 0 : i32
        %dma_wait3A_445 = tpu.memref_slice %arg5[%add3A_438, %dma_wait3A_443, %dma_wait3A_444] : memref<1600x128x128xf32, #tpu.memory_space<hbm>> -> memref<1x128x128xf32, #tpu.memory_space<hbm>>
        %dma_wait3A_446 = tpu.memref_squeeze %dma_wait3A_445 : memref<1x128x128xf32, #tpu.memory_space<hbm>> -> memref<128x128xf32, #tpu.memory_space<hbm>>
        tpu.wait_dma2 semaphore(%arg22 : memref<!tpu.dma_semaphore, #tpu.memory_space<semaphore_mem>>) src(%arg12 : memref<128x128xf32, #tpu.memory_space<vmem>>) dst(%dma_wait3A_446 : memref<128x128xf32, #tpu.memory_space<hbm>>)
      } else {
      }
      %add3A_286 = arith.constant 3 : i32
      %add3A_287 = arith.addi %add3A_280, %add3A_286 : i32
      %dma_start3A_288 = arith.constant 0 : i32
      %dma_start3A_289 = tpu.memref_slice %arg7[%add3A_287, %dma_start3A_288] : memref<50x128xi32, #tpu.memory_space<vmem>> -> memref<1x128xi32, #tpu.memory_space<vmem>>
      %dma_start3A_290 = tpu.memref_squeeze %dma_start3A_289 : memref<1x128xi32, #tpu.memory_space<vmem>> -> memref<128xi32, #tpu.memory_space<vmem>>
      %dma_start3A_291 = arith.constant 0 : i32
      %dma_start3A_292 = arith.constant 0 : i32
      %dma_start3A_293 = tpu.memref_slice %arg3[%dma_start3A_291, %dma_start3A_292] : memref<100000x128xf32, #tpu.memory_space<hbm>> -> memref<100000x128xf32, #tpu.memory_space<hbm>>
      tpu.enqueue_indirect_dma source(%dma_start3A_293 : memref<100000x128xf32, #tpu.memory_space<hbm>>) target(%arg12 : memref<128x128xf32, #tpu.memory_space<vmem>>) offsets(%dma_start3A_290 : memref<128xi32, #tpu.memory_space<vmem>>) semaphore(%arg17 : memref<!tpu.dma_semaphore, #tpu.memory_space<semaphore_mem>>)
      %dma_wait3A_294 = arith.constant 0 : i32
      %dma_wait3A_295 = tpu.memref_slice %arg7[%add3A_280, %dma_wait3A_294] : memref<50x128xi32, #tpu.memory_space<vmem>> -> memref<1x128xi32, #tpu.memory_space<vmem>>
      %dma_wait3A_296 = tpu.memref_squeeze %dma_wait3A_295 : memref<1x128xi32, #tpu.memory_space<vmem>> -> memref<128xi32, #tpu.memory_space<vmem>>
      %dma_wait3A_297 = arith.constant 0 : i32
      %dma_wait3A_298 = arith.constant 0 : i32
      %dma_wait3A_299 = tpu.memref_slice %arg3[%dma_wait3A_297, %dma_wait3A_298] : memref<100000x128xf32, #tpu.memory_space<hbm>> -> memref<100000x128xf32, #tpu.memory_space<hbm>>
      tpu.wait_indirect_dma semaphore(%arg14 : memref<!tpu.dma_semaphore, #tpu.memory_space<semaphore_mem>>) src(%dma_wait3A_299 : memref<100000x128xf32, #tpu.memory_space<hbm>>) dst(%arg9 : memref<128x128xf32, #tpu.memory_space<vmem>>)
      %add3A_300 = arith.addi %mul3A_2, %add3A_280 : i32
      %mul3A_301 = arith.constant 128 : i32
      %mul3A_302 = arith.muli %add3A_300, %mul3A_301 : i32
      %rem3A_303 = arith.constant 200 : i32
      %rem3A_304 = arith.remsi %mul3A_302, %rem3A_303 : i32
      %parallel_loop3A_305 = arith.constant 0 : i32
      %parallel_loop3A_306 = arith.constant 128 : i32
      %parallel_loop3A_307 = arith.constant 1 : i32
      scf.for %parallel_loop3A_437 = %parallel_loop3A_305 to %parallel_loop3A_306 step %parallel_loop3A_307  : i32 {
        %parallel_loop3A_438 = arith.addi %rem3A_304, %parallel_loop3A_437 : i32
        %parallel_loop3A_439 = arith.constant 200 : i32
        %parallel_loop3A_440 = arith.cmpi sge, %parallel_loop3A_438, %parallel_loop3A_439 : i32
        %parallel_loop3A_441 = arith.constant 200 : i32
        %parallel_loop3A_442 = arith.constant 0 : i32
        %parallel_loop3A_443 = arith.select %parallel_loop3A_440, %parallel_loop3A_441, %parallel_loop3A_442 : i32
        %parallel_loop3A_444 = arith.subi %parallel_loop3A_438, %parallel_loop3A_443 : i32
        %parallel_loop3A_445 = arith.index_cast %parallel_loop3A_444 : i32 to index
        %parallel_loop3A_446 = arith.constant 0 : index
        %parallel_loop3A_447 = tpu.vector_load %arg6[%parallel_loop3A_445, %parallel_loop3A_446] {strides = array<i32>} : memref<200x128xf32, #tpu.memory_space<vmem>>, vector<1x16xf32>,
        %parallel_loop3A_448 = vector.shape_cast %parallel_loop3A_447 : vector<1x16xf32> to vector<16xf32>
        %parallel_loop3A_449 = arith.index_cast %parallel_loop3A_437 : i32 to index
        %parallel_loop3A_450 = arith.constant 0 : index
        %parallel_loop3A_451 = tpu.vector_load %arg9[%parallel_loop3A_449, %parallel_loop3A_450] {strides = array<i32>} : memref<128x128xf32, #tpu.memory_space<vmem>>, vector<1x16xf32>,
        %parallel_loop3A_452 = vector.shape_cast %parallel_loop3A_451 : vector<1x16xf32> to vector<16xf32>
        %parallel_loop3A_453 = vector.shape_cast %parallel_loop3A_448 : vector<16xf32> to vector<1x16xf32>
        tpu.vector_store %arg9[%parallel_loop3A_449, %parallel_loop3A_450], %parallel_loop3A_453 {add = true, strides = array<i32>} : memref<128x128xf32, #tpu.memory_space<vmem>>, vector<1x16xf32>,
        %parallel_loop3A_454 = arith.index_cast %parallel_loop3A_444 : i32 to index
        %parallel_loop3A_455 = arith.constant 16 : index
        %parallel_loop3A_456 = tpu.vector_load %arg6[%parallel_loop3A_454, %parallel_loop3A_455] {strides = array<i32>} : memref<200x128xf32, #tpu.memory_space<vmem>>, vector<1x16xf32>,
        %parallel_loop3A_457 = vector.shape_cast %parallel_loop3A_456 : vector<1x16xf32> to vector<16xf32>
        %parallel_loop3A_458 = arith.index_cast %parallel_loop3A_437 : i32 to index
        %parallel_loop3A_459 = arith.constant 16 : index
        %parallel_loop3A_460 = tpu.vector_load %arg9[%parallel_loop3A_458, %parallel_loop3A_459] {strides = array<i32>} : memref<128x128xf32, #tpu.memory_space<vmem>>, vector<1x16xf32>,
        %parallel_loop3A_461 = vector.shape_cast %parallel_loop3A_460 : vector<1x16xf32> to vector<16xf32>
        %parallel_loop3A_462 = vector.shape_cast %parallel_loop3A_457 : vector<16xf32> to vector<1x16xf32>
        tpu.vector_store %arg9[%parallel_loop3A_458, %parallel_loop3A_459], %parallel_loop3A_462 {add = true, strides = array<i32>} : memref<128x128xf32, #tpu.memory_space<vmem>>, vector<1x16xf32>,
        %parallel_loop3A_463 = arith.index_cast %parallel_loop3A_444 : i32 to index
        %parallel_loop3A_464 = arith.constant 32 : index
        %parallel_loop3A_465 = tpu.vector_load %arg6[%parallel_loop3A_463, %parallel_loop3A_464] {strides = array<i32>} : memref<200x128xf32, #tpu.memory_space<vmem>>, vector<1x16xf32>,
        %parallel_loop3A_466 = vector.shape_cast %parallel_loop3A_465 : vector<1x16xf32> to vector<16xf32>
        %parallel_loop3A_467 = arith.index_cast %parallel_loop3A_437 : i32 to index
        %parallel_loop3A_468 = arith.constant 32 : index
        %parallel_loop3A_469 = tpu.vector_load %arg9[%parallel_loop3A_467, %parallel_loop3A_468] {strides = array<i32>} : memref<128x128xf32, #tpu.memory_space<vmem>>, vector<1x16xf32>,
        %parallel_loop3A_470 = vector.shape_cast %parallel_loop3A_469 : vector<1x16xf32> to vector<16xf32>
        %parallel_loop3A_471 = vector.shape_cast %parallel_loop3A_466 : vector<16xf32> to vector<1x16xf32>
        tpu.vector_store %arg9[%parallel_loop3A_467, %parallel_loop3A_468], %parallel_loop3A_471 {add = true, strides = array<i32>} : memref<128x128xf32, #tpu.memory_space<vmem>>, vector<1x16xf32>,
        %parallel_loop3A_472 = arith.index_cast %parallel_loop3A_444 : i32 to index
        %parallel_loop3A_473 = arith.constant 48 : index
        %parallel_loop3A_474 = tpu.vector_load %arg6[%parallel_loop3A_472, %parallel_loop3A_473] {strides = array<i32>} : memref<200x128xf32, #tpu.memory_space<vmem>>, vector<1x16xf32>,
        %parallel_loop3A_475 = vector.shape_cast %parallel_loop3A_474 : vector<1x16xf32> to vector<16xf32>
        %parallel_loop3A_476 = arith.index_cast %parallel_loop3A_437 : i32 to index
        %parallel_loop3A_477 = arith.constant 48 : index
        %parallel_loop3A_478 = tpu.vector_load %arg9[%parallel_loop3A_476, %parallel_loop3A_477] {strides = array<i32>} : memref<128x128xf32, #tpu.memory_space<vmem>>, vector<1x16xf32>,
        %parallel_loop3A_479 = vector.shape_cast %parallel_loop3A_478 : vector<1x16xf32> to vector<16xf32>
        %parallel_loop3A_480 = vector.shape_cast %parallel_loop3A_475 : vector<16xf32> to vector<1x16xf32>
        tpu.vector_store %arg9[%parallel_loop3A_476, %parallel_loop3A_477], %parallel_loop3A_480 {add = true, strides = array<i32>} : memref<128x128xf32, #tpu.memory_space<vmem>>, vector<1x16xf32>,
        %parallel_loop3A_481 = arith.index_cast %parallel_loop3A_444 : i32 to index
        %parallel_loop3A_482 = arith.constant 64 : index
        %parallel_loop3A_483 = tpu.vector_load %arg6[%parallel_loop3A_481, %parallel_loop3A_482] {strides = array<i32>} : memref<200x128xf32, #tpu.memory_space<vmem>>, vector<1x16xf32>,
        %parallel_loop3A_484 = vector.shape_cast %parallel_loop3A_483 : vector<1x16xf32> to vector<16xf32>
        %parallel_loop3A_485 = arith.index_cast %parallel_loop3A_437 : i32 to index
        %parallel_loop3A_486 = arith.constant 64 : index
        %parallel_loop3A_487 = tpu.vector_load %arg9[%parallel_loop3A_485, %parallel_loop3A_486] {strides = array<i32>} : memref<128x128xf32, #tpu.memory_space<vmem>>, vector<1x16xf32>,
        %parallel_loop3A_488 = vector.shape_cast %parallel_loop3A_487 : vector<1x16xf32> to vector<16xf32>
        %parallel_loop3A_489 = vector.shape_cast %parallel_loop3A_484 : vector<16xf32> to vector<1x16xf32>
        tpu.vector_store %arg9[%parallel_loop3A_485, %parallel_loop3A_486], %parallel_loop3A_489 {add = true, strides = array<i32>} : memref<128x128xf32, #tpu.memory_space<vmem>>, vector<1x16xf32>,
        %parallel_loop3A_490 = arith.index_cast %parallel_loop3A_444 : i32 to index
        %parallel_loop3A_491 = arith.constant 80 : index
        %parallel_loop3A_492 = tpu.vector_load %arg6[%parallel_loop3A_490, %parallel_loop3A_491] {strides = array<i32>} : memref<200x128xf32, #tpu.memory_space<vmem>>, vector<1x16xf32>,
        %parallel_loop3A_493 = vector.shape_cast %parallel_loop3A_492 : vector<1x16xf32> to vector<16xf32>
        %parallel_loop3A_494 = arith.index_cast %parallel_loop3A_437 : i32 to index
        %parallel_loop3A_495 = arith.constant 80 : index
        %parallel_loop3A_496 = tpu.vector_load %arg9[%parallel_loop3A_494, %parallel_loop3A_495] {strides = array<i32>} : memref<128x128xf32, #tpu.memory_space<vmem>>, vector<1x16xf32>,
        %parallel_loop3A_497 = vector.shape_cast %parallel_loop3A_496 : vector<1x16xf32> to vector<16xf32>
        %parallel_loop3A_498 = vector.shape_cast %parallel_loop3A_493 : vector<16xf32> to vector<1x16xf32>
        tpu.vector_store %arg9[%parallel_loop3A_494, %parallel_loop3A_495], %parallel_loop3A_498 {add = true, strides = array<i32>} : memref<128x128xf32, #tpu.memory_space<vmem>>, vector<1x16xf32>,
        %parallel_loop3A_499 = arith.index_cast %parallel_loop3A_444 : i32 to index
        %parallel_loop3A_500 = arith.constant 96 : index
        %parallel_loop3A_501 = tpu.vector_load %arg6[%parallel_loop3A_499, %parallel_loop3A_500] {strides = array<i32>} : memref<200x128xf32, #tpu.memory_space<vmem>>, vector<1x16xf32>,
        %parallel_loop3A_502 = vector.shape_cast %parallel_loop3A_501 : vector<1x16xf32> to vector<16xf32>
        %parallel_loop3A_503 = arith.index_cast %parallel_loop3A_437 : i32 to index
        %parallel_loop3A_504 = arith.constant 96 : index
        %parallel_loop3A_505 = tpu.vector_load %arg9[%parallel_loop3A_503, %parallel_loop3A_504] {strides = array<i32>} : memref<128x128xf32, #tpu.memory_space<vmem>>, vector<1x16xf32>,
        %parallel_loop3A_506 = vector.shape_cast %parallel_loop3A_505 : vector<1x16xf32> to vector<16xf32>
        %parallel_loop3A_507 = vector.shape_cast %parallel_loop3A_502 : vector<16xf32> to vector<1x16xf32>
        tpu.vector_store %arg9[%parallel_loop3A_503, %parallel_loop3A_504], %parallel_loop3A_507 {add = true, strides = array<i32>} : memref<128x128xf32, #tpu.memory_space<vmem>>, vector<1x16xf32>,
        %parallel_loop3A_508 = arith.index_cast %parallel_loop3A_444 : i32 to index
        %parallel_loop3A_509 = arith.constant 112 : index
        %parallel_loop3A_510 = tpu.vector_load %arg6[%parallel_loop3A_508, %parallel_loop3A_509] {strides = array<i32>} : memref<200x128xf32, #tpu.memory_space<vmem>>, vector<1x16xf32>,
        %parallel_loop3A_511 = vector.shape_cast %parallel_loop3A_510 : vector<1x16xf32> to vector<16xf32>
        %parallel_loop3A_512 = arith.index_cast %parallel_loop3A_437 : i32 to index
        %parallel_loop3A_513 = arith.constant 112 : index
        %parallel_loop3A_514 = tpu.vector_load %arg9[%parallel_loop3A_512, %parallel_loop3A_513] {strides = array<i32>} : memref<128x128xf32, #tpu.memory_space<vmem>>, vector<1x16xf32>,
        %parallel_loop3A_515 = vector.shape_cast %parallel_loop3A_514 : vector<1x16xf32> to vector<16xf32>
        %parallel_loop3A_516 = vector.shape_cast %parallel_loop3A_511 : vector<16xf32> to vector<1x16xf32>
        tpu.vector_store %arg9[%parallel_loop3A_512, %parallel_loop3A_513], %parallel_loop3A_516 {add = true, strides = array<i32>} : memref<128x128xf32, #tpu.memory_space<vmem>>, vector<1x16xf32>,
      } {sc.loop_unroll_factor = 1 : i64, sc.parallel_access}
      %add3A_308 = arith.addi %mul3A_2, %add3A_280 : i32
      %dma_start3A_309 = arith.constant 0 : i32
      %dma_start3A_310 = arith.constant 0 : i32
      %dma_start3A_311 = tpu.memref_slice %arg5[%add3A_308, %dma_start3A_309, %dma_start3A_310] : memref<1600x128x128xf32, #tpu.memory_space<hbm>> -> memref<1x128x128xf32, #tpu.memory_space<hbm>>
      %dma_start3A_312 = tpu.memref_squeeze %dma_start3A_311 : memref<1x128x128xf32, #tpu.memory_space<hbm>> -> memref<128x128xf32, #tpu.memory_space<hbm>>
      %dma_start3A_313 = arith.constant 0 : i32
      %dma_start3A_314 = arith.constant 0 : i32
      %dma_start3A_315 = tpu.memref_slice %arg5[%add3A_308, %dma_start3A_313, %dma_start3A_314] : memref<1600x128x128xf32, #tpu.memory_space<hbm>> -> memref<1x128x128xf32, #tpu.memory_space<hbm>>
      %dma_start3A_316 = tpu.memref_squeeze %dma_start3A_315 : memref<1x128x128xf32, #tpu.memory_space<hbm>> -> memref<128x128xf32, #tpu.memory_space<hbm>>
      tpu.enqueue_dma source(%arg9 : memref<128x128xf32, #tpu.memory_space<vmem>>) target(%dma_start3A_316 : memref<128x128xf32, #tpu.memory_space<hbm>>) target_semaphore(%arg19 : memref<!tpu.dma_semaphore, #tpu.memory_space<semaphore_mem>>)
      %mul3A_317 = arith.constant 5 : i32
      %mul3A_318 = arith.muli %mul3A_317, %scan3A_239 : i32
      %add3A_319 = arith.constant 2 : i32
      %add3A_320 = arith.addi %mul3A_318, %add3A_319 : i32
      %ge3A_321 = arith.constant 2 : i32
      %ge3A_322 = arith.cmpi sge, %add3A_320, %ge3A_321 : i32
      %convert_element_type3A_323 = arith.extui %ge3A_322 : i1 to i32
      %cond3A_324 = arith.constant 0 : i32
      %cond3A_325 = arith.cmpi ne, %convert_element_type3A_323, %cond3A_324 : i32
      scf.if %cond3A_325 {
        %sub3A = arith.constant 2 : i32
        %sub3A_437 = arith.subi %add3A_320, %sub3A : i32
        %add3A_438 = arith.addi %mul3A_2, %sub3A_437 : i32
        %dma_wait3A_439 = arith.constant 0 : i32
        %dma_wait3A_440 = arith.constant 0 : i32
        %dma_wait3A_441 = tpu.memref_slice %arg5[%add3A_438, %dma_wait3A_439, %dma_wait3A_440] : memref<1600x128x128xf32, #tpu.memory_space<hbm>> -> memref<1x128x128xf32, #tpu.memory_space<hbm>>
        %dma_wait3A_442 = tpu.memref_squeeze %dma_wait3A_441 : memref<1x128x128xf32, #tpu.memory_space<hbm>> -> memref<128x128xf32, #tpu.memory_space<hbm>>
        %dma_wait3A_443 = arith.constant 0 : i32
        %dma_wait3A_444 = arith.constant 0 : i32
        %dma_wait3A_445 = tpu.memref_slice %arg5[%add3A_438, %dma_wait3A_443, %dma_wait3A_444] : memref<1600x128x128xf32, #tpu.memory_space<hbm>> -> memref<1x128x128xf32, #tpu.memory_space<hbm>>
        %dma_wait3A_446 = tpu.memref_squeeze %dma_wait3A_445 : memref<1x128x128xf32, #tpu.memory_space<hbm>> -> memref<128x128xf32, #tpu.memory_space<hbm>>
        tpu.wait_dma2 semaphore(%arg18 : memref<!tpu.dma_semaphore, #tpu.memory_space<semaphore_mem>>) src(%arg8 : memref<128x128xf32, #tpu.memory_space<vmem>>) dst(%dma_wait3A_446 : memref<128x128xf32, #tpu.memory_space<hbm>>)
      } else {
      }
      %add3A_326 = arith.constant 3 : i32
      %add3A_327 = arith.addi %add3A_320, %add3A_326 : i32
      %dma_start3A_328 = arith.constant 0 : i32
      %dma_start3A_329 = tpu.memref_slice %arg7[%add3A_327, %dma_start3A_328] : memref<50x128xi32, #tpu.memory_space<vmem>> -> memref<1x128xi32, #tpu.memory_space<vmem>>
      %dma_start3A_330 = tpu.memref_squeeze %dma_start3A_329 : memref<1x128xi32, #tpu.memory_space<vmem>> -> memref<128xi32, #tpu.memory_space<vmem>>
      %dma_start3A_331 = arith.constant 0 : i32
      %dma_start3A_332 = arith.constant 0 : i32
      %dma_start3A_333 = tpu.memref_slice %arg3[%dma_start3A_331, %dma_start3A_332] : memref<100000x128xf32, #tpu.memory_space<hbm>> -> memref<100000x128xf32, #tpu.memory_space<hbm>>
      tpu.enqueue_indirect_dma source(%dma_start3A_333 : memref<100000x128xf32, #tpu.memory_space<hbm>>) target(%arg8 : memref<128x128xf32, #tpu.memory_space<vmem>>) offsets(%dma_start3A_330 : memref<128xi32, #tpu.memory_space<vmem>>) semaphore(%arg13 : memref<!tpu.dma_semaphore, #tpu.memory_space<semaphore_mem>>)
      %dma_wait3A_334 = arith.constant 0 : i32
      %dma_wait3A_335 = tpu.memref_slice %arg7[%add3A_320, %dma_wait3A_334] : memref<50x128xi32, #tpu.memory_space<vmem>> -> memref<1x128xi32, #tpu.memory_space<vmem>>
      %dma_wait3A_336 = tpu.memref_squeeze %dma_wait3A_335 : memref<1x128xi32, #tpu.memory_space<vmem>> -> memref<128xi32, #tpu.memory_space<vmem>>
      %dma_wait3A_337 = arith.constant 0 : i32
      %dma_wait3A_338 = arith.constant 0 : i32
      %dma_wait3A_339 = tpu.memref_slice %arg3[%dma_wait3A_337, %dma_wait3A_338] : memref<100000x128xf32, #tpu.memory_space<hbm>> -> memref<100000x128xf32, #tpu.memory_space<hbm>>
      tpu.wait_indirect_dma semaphore(%arg15 : memref<!tpu.dma_semaphore, #tpu.memory_space<semaphore_mem>>) src(%dma_wait3A_339 : memref<100000x128xf32, #tpu.memory_space<hbm>>) dst(%arg10 : memref<128x128xf32, #tpu.memory_space<vmem>>)
      %add3A_340 = arith.addi %mul3A_2, %add3A_320 : i32
      %mul3A_341 = arith.constant 128 : i32
      %mul3A_342 = arith.muli %add3A_340, %mul3A_341 : i32
      %rem3A_343 = arith.constant 200 : i32
      %rem3A_344 = arith.remsi %mul3A_342, %rem3A_343 : i32
      %parallel_loop3A_345 = arith.constant 0 : i32
      %parallel_loop3A_346 = arith.constant 128 : i32
      %parallel_loop3A_347 = arith.constant 1 : i32
      scf.for %parallel_loop3A_437 = %parallel_loop3A_345 to %parallel_loop3A_346 step %parallel_loop3A_347  : i32 {
        %parallel_loop3A_438 = arith.addi %rem3A_344, %parallel_loop3A_437 : i32
        %parallel_loop3A_439 = arith.constant 200 : i32
        %parallel_loop3A_440 = arith.cmpi sge, %parallel_loop3A_438, %parallel_loop3A_439 : i32
        %parallel_loop3A_441 = arith.constant 200 : i32
        %parallel_loop3A_442 = arith.constant 0 : i32
        %parallel_loop3A_443 = arith.select %parallel_loop3A_440, %parallel_loop3A_441, %parallel_loop3A_442 : i32
        %parallel_loop3A_444 = arith.subi %parallel_loop3A_438, %parallel_loop3A_443 : i32
        %parallel_loop3A_445 = arith.index_cast %parallel_loop3A_444 : i32 to index
        %parallel_loop3A_446 = arith.constant 0 : index
        %parallel_loop3A_447 = tpu.vector_load %arg6[%parallel_loop3A_445, %parallel_loop3A_446] {strides = array<i32>} : memref<200x128xf32, #tpu.memory_space<vmem>>, vector<1x16xf32>,
        %parallel_loop3A_448 = vector.shape_cast %parallel_loop3A_447 : vector<1x16xf32> to vector<16xf32>
        %parallel_loop3A_449 = arith.index_cast %parallel_loop3A_437 : i32 to index
        %parallel_loop3A_450 = arith.constant 0 : index
        %parallel_loop3A_451 = tpu.vector_load %arg10[%parallel_loop3A_449, %parallel_loop3A_450] {strides = array<i32>} : memref<128x128xf32, #tpu.memory_space<vmem>>, vector<1x16xf32>,
        %parallel_loop3A_452 = vector.shape_cast %parallel_loop3A_451 : vector<1x16xf32> to vector<16xf32>
        %parallel_loop3A_453 = vector.shape_cast %parallel_loop3A_448 : vector<16xf32> to vector<1x16xf32>
        tpu.vector_store %arg10[%parallel_loop3A_449, %parallel_loop3A_450], %parallel_loop3A_453 {add = true, strides = array<i32>} : memref<128x128xf32, #tpu.memory_space<vmem>>, vector<1x16xf32>,
        %parallel_loop3A_454 = arith.index_cast %parallel_loop3A_444 : i32 to index
        %parallel_loop3A_455 = arith.constant 16 : index
        %parallel_loop3A_456 = tpu.vector_load %arg6[%parallel_loop3A_454, %parallel_loop3A_455] {strides = array<i32>} : memref<200x128xf32, #tpu.memory_space<vmem>>, vector<1x16xf32>,
        %parallel_loop3A_457 = vector.shape_cast %parallel_loop3A_456 : vector<1x16xf32> to vector<16xf32>
        %parallel_loop3A_458 = arith.index_cast %parallel_loop3A_437 : i32 to index
        %parallel_loop3A_459 = arith.constant 16 : index
        %parallel_loop3A_460 = tpu.vector_load %arg10[%parallel_loop3A_458, %parallel_loop3A_459] {strides = array<i32>} : memref<128x128xf32, #tpu.memory_space<vmem>>, vector<1x16xf32>,
        %parallel_loop3A_461 = vector.shape_cast %parallel_loop3A_460 : vector<1x16xf32> to vector<16xf32>
        %parallel_loop3A_462 = vector.shape_cast %parallel_loop3A_457 : vector<16xf32> to vector<1x16xf32>
        tpu.vector_store %arg10[%parallel_loop3A_458, %parallel_loop3A_459], %parallel_loop3A_462 {add = true, strides = array<i32>} : memref<128x128xf32, #tpu.memory_space<vmem>>, vector<1x16xf32>,
        %parallel_loop3A_463 = arith.index_cast %parallel_loop3A_444 : i32 to index
        %parallel_loop3A_464 = arith.constant 32 : index
        %parallel_loop3A_465 = tpu.vector_load %arg6[%parallel_loop3A_463, %parallel_loop3A_464] {strides = array<i32>} : memref<200x128xf32, #tpu.memory_space<vmem>>, vector<1x16xf32>,
        %parallel_loop3A_466 = vector.shape_cast %parallel_loop3A_465 : vector<1x16xf32> to vector<16xf32>
        %parallel_loop3A_467 = arith.index_cast %parallel_loop3A_437 : i32 to index
        %parallel_loop3A_468 = arith.constant 32 : index
        %parallel_loop3A_469 = tpu.vector_load %arg10[%parallel_loop3A_467, %parallel_loop3A_468] {strides = array<i32>} : memref<128x128xf32, #tpu.memory_space<vmem>>, vector<1x16xf32>,
        %parallel_loop3A_470 = vector.shape_cast %parallel_loop3A_469 : vector<1x16xf32> to vector<16xf32>
        %parallel_loop3A_471 = vector.shape_cast %parallel_loop3A_466 : vector<16xf32> to vector<1x16xf32>
        tpu.vector_store %arg10[%parallel_loop3A_467, %parallel_loop3A_468], %parallel_loop3A_471 {add = true, strides = array<i32>} : memref<128x128xf32, #tpu.memory_space<vmem>>, vector<1x16xf32>,
        %parallel_loop3A_472 = arith.index_cast %parallel_loop3A_444 : i32 to index
        %parallel_loop3A_473 = arith.constant 48 : index
        %parallel_loop3A_474 = tpu.vector_load %arg6[%parallel_loop3A_472, %parallel_loop3A_473] {strides = array<i32>} : memref<200x128xf32, #tpu.memory_space<vmem>>, vector<1x16xf32>,
        %parallel_loop3A_475 = vector.shape_cast %parallel_loop3A_474 : vector<1x16xf32> to vector<16xf32>
        %parallel_loop3A_476 = arith.index_cast %parallel_loop3A_437 : i32 to index
        %parallel_loop3A_477 = arith.constant 48 : index
        %parallel_loop3A_478 = tpu.vector_load %arg10[%parallel_loop3A_476, %parallel_loop3A_477] {strides = array<i32>} : memref<128x128xf32, #tpu.memory_space<vmem>>, vector<1x16xf32>,
        %parallel_loop3A_479 = vector.shape_cast %parallel_loop3A_478 : vector<1x16xf32> to vector<16xf32>
        %parallel_loop3A_480 = vector.shape_cast %parallel_loop3A_475 : vector<16xf32> to vector<1x16xf32>
        tpu.vector_store %arg10[%parallel_loop3A_476, %parallel_loop3A_477], %parallel_loop3A_480 {add = true, strides = array<i32>} : memref<128x128xf32, #tpu.memory_space<vmem>>, vector<1x16xf32>,
        %parallel_loop3A_481 = arith.index_cast %parallel_loop3A_444 : i32 to index
        %parallel_loop3A_482 = arith.constant 64 : index
        %parallel_loop3A_483 = tpu.vector_load %arg6[%parallel_loop3A_481, %parallel_loop3A_482] {strides = array<i32>} : memref<200x128xf32, #tpu.memory_space<vmem>>, vector<1x16xf32>,
        %parallel_loop3A_484 = vector.shape_cast %parallel_loop3A_483 : vector<1x16xf32> to vector<16xf32>
        %parallel_loop3A_485 = arith.index_cast %parallel_loop3A_437 : i32 to index
        %parallel_loop3A_486 = arith.constant 64 : index
        %parallel_loop3A_487 = tpu.vector_load %arg10[%parallel_loop3A_485, %parallel_loop3A_486] {strides = array<i32>} : memref<128x128xf32, #tpu.memory_space<vmem>>, vector<1x16xf32>,
        %parallel_loop3A_488 = vector.shape_cast %parallel_loop3A_487 : vector<1x16xf32> to vector<16xf32>
        %parallel_loop3A_489 = vector.shape_cast %parallel_loop3A_484 : vector<16xf32> to vector<1x16xf32>
        tpu.vector_store %arg10[%parallel_loop3A_485, %parallel_loop3A_486], %parallel_loop3A_489 {add = true, strides = array<i32>} : memref<128x128xf32, #tpu.memory_space<vmem>>, vector<1x16xf32>,
        %parallel_loop3A_490 = arith.index_cast %parallel_loop3A_444 : i32 to index
        %parallel_loop3A_491 = arith.constant 80 : index
        %parallel_loop3A_492 = tpu.vector_load %arg6[%parallel_loop3A_490, %parallel_loop3A_491] {strides = array<i32>} : memref<200x128xf32, #tpu.memory_space<vmem>>, vector<1x16xf32>,
        %parallel_loop3A_493 = vector.shape_cast %parallel_loop3A_492 : vector<1x16xf32> to vector<16xf32>
        %parallel_loop3A_494 = arith.index_cast %parallel_loop3A_437 : i32 to index
        %parallel_loop3A_495 = arith.constant 80 : index
        %parallel_loop3A_496 = tpu.vector_load %arg10[%parallel_loop3A_494, %parallel_loop3A_495] {strides = array<i32>} : memref<128x128xf32, #tpu.memory_space<vmem>>, vector<1x16xf32>,
        %parallel_loop3A_497 = vector.shape_cast %parallel_loop3A_496 : vector<1x16xf32> to vector<16xf32>
        %parallel_loop3A_498 = vector.shape_cast %parallel_loop3A_493 : vector<16xf32> to vector<1x16xf32>
        tpu.vector_store %arg10[%parallel_loop3A_494, %parallel_loop3A_495], %parallel_loop3A_498 {add = true, strides = array<i32>} : memref<128x128xf32, #tpu.memory_space<vmem>>, vector<1x16xf32>,
        %parallel_loop3A_499 = arith.index_cast %parallel_loop3A_444 : i32 to index
        %parallel_loop3A_500 = arith.constant 96 : index
        %parallel_loop3A_501 = tpu.vector_load %arg6[%parallel_loop3A_499, %parallel_loop3A_500] {strides = array<i32>} : memref<200x128xf32, #tpu.memory_space<vmem>>, vector<1x16xf32>,
        %parallel_loop3A_502 = vector.shape_cast %parallel_loop3A_501 : vector<1x16xf32> to vector<16xf32>
        %parallel_loop3A_503 = arith.index_cast %parallel_loop3A_437 : i32 to index
        %parallel_loop3A_504 = arith.constant 96 : index
        %parallel_loop3A_505 = tpu.vector_load %arg10[%parallel_loop3A_503, %parallel_loop3A_504] {strides = array<i32>} : memref<128x128xf32, #tpu.memory_space<vmem>>, vector<1x16xf32>,
        %parallel_loop3A_506 = vector.shape_cast %parallel_loop3A_505 : vector<1x16xf32> to vector<16xf32>
        %parallel_loop3A_507 = vector.shape_cast %parallel_loop3A_502 : vector<16xf32> to vector<1x16xf32>
        tpu.vector_store %arg10[%parallel_loop3A_503, %parallel_loop3A_504], %parallel_loop3A_507 {add = true, strides = array<i32>} : memref<128x128xf32, #tpu.memory_space<vmem>>, vector<1x16xf32>,
        %parallel_loop3A_508 = arith.index_cast %parallel_loop3A_444 : i32 to index
        %parallel_loop3A_509 = arith.constant 112 : index
        %parallel_loop3A_510 = tpu.vector_load %arg6[%parallel_loop3A_508, %parallel_loop3A_509] {strides = array<i32>} : memref<200x128xf32, #tpu.memory_space<vmem>>, vector<1x16xf32>,
        %parallel_loop3A_511 = vector.shape_cast %parallel_loop3A_510 : vector<1x16xf32> to vector<16xf32>
        %parallel_loop3A_512 = arith.index_cast %parallel_loop3A_437 : i32 to index
        %parallel_loop3A_513 = arith.constant 112 : index
        %parallel_loop3A_514 = tpu.vector_load %arg10[%parallel_loop3A_512, %parallel_loop3A_513] {strides = array<i32>} : memref<128x128xf32, #tpu.memory_space<vmem>>, vector<1x16xf32>,
        %parallel_loop3A_515 = vector.shape_cast %parallel_loop3A_514 : vector<1x16xf32> to vector<16xf32>
        %parallel_loop3A_516 = vector.shape_cast %parallel_loop3A_511 : vector<16xf32> to vector<1x16xf32>
        tpu.vector_store %arg10[%parallel_loop3A_512, %parallel_loop3A_513], %parallel_loop3A_516 {add = true, strides = array<i32>} : memref<128x128xf32, #tpu.memory_space<vmem>>, vector<1x16xf32>,
      } {sc.loop_unroll_factor = 1 : i64, sc.parallel_access}
      %add3A_348 = arith.addi %mul3A_2, %add3A_320 : i32
      %dma_start3A_349 = arith.constant 0 : i32
      %dma_start3A_350 = arith.constant 0 : i32
      %dma_start3A_351 = tpu.memref_slice %arg5[%add3A_348, %dma_start3A_349, %dma_start3A_350] : memref<1600x128x128xf32, #tpu.memory_space<hbm>> -> memref<1x128x128xf32, #tpu.memory_space<hbm>>
      %dma_start3A_352 = tpu.memref_squeeze %dma_start3A_351 : memref<1x128x128xf32, #tpu.memory_space<hbm>> -> memref<128x128xf32, #tpu.memory_space<hbm>>
      %dma_start3A_353 = arith.constant 0 : i32
      %dma_start3A_354 = arith.constant 0 : i32
      %dma_start3A_355 = tpu.memref_slice %arg5[%add3A_348, %dma_start3A_353, %dma_start3A_354] : memref<1600x128x128xf32, #tpu.memory_space<hbm>> -> memref<1x128x128xf32, #tpu.memory_space<hbm>>
      %dma_start3A_356 = tpu.memref_squeeze %dma_start3A_355 : memref<1x128x128xf32, #tpu.memory_space<hbm>> -> memref<128x128xf32, #tpu.memory_space<hbm>>
      tpu.enqueue_dma source(%arg10 : memref<128x128xf32, #tpu.memory_space<vmem>>) target(%dma_start3A_356 : memref<128x128xf32, #tpu.memory_space<hbm>>) target_semaphore(%arg20 : memref<!tpu.dma_semaphore, #tpu.memory_space<semaphore_mem>>)
      %mul3A_357 = arith.constant 5 : i32
      %mul3A_358 = arith.muli %mul3A_357, %scan3A_239 : i32
      %add3A_359 = arith.constant 3 : i32
      %add3A_360 = arith.addi %mul3A_358, %add3A_359 : i32
      %ge3A_361 = arith.constant 2 : i32
      %ge3A_362 = arith.cmpi sge, %add3A_360, %ge3A_361 : i32
      %convert_element_type3A_363 = arith.extui %ge3A_362 : i1 to i32
      %cond3A_364 = arith.constant 0 : i32
      %cond3A_365 = arith.cmpi ne, %convert_element_type3A_363, %cond3A_364 : i32
      scf.if %cond3A_365 {
        %sub3A = arith.constant 2 : i32
        %sub3A_437 = arith.subi %add3A_360, %sub3A : i32
        %add3A_438 = arith.addi %mul3A_2, %sub3A_437 : i32
        %dma_wait3A_439 = arith.constant 0 : i32
        %dma_wait3A_440 = arith.constant 0 : i32
        %dma_wait3A_441 = tpu.memref_slice %arg5[%add3A_438, %dma_wait3A_439, %dma_wait3A_440] : memref<1600x128x128xf32, #tpu.memory_space<hbm>> -> memref<1x128x128xf32, #tpu.memory_space<hbm>>
        %dma_wait3A_442 = tpu.memref_squeeze %dma_wait3A_441 : memref<1x128x128xf32, #tpu.memory_space<hbm>> -> memref<128x128xf32, #tpu.memory_space<hbm>>
        %dma_wait3A_443 = arith.constant 0 : i32
        %dma_wait3A_444 = arith.constant 0 : i32
        %dma_wait3A_445 = tpu.memref_slice %arg5[%add3A_438, %dma_wait3A_443, %dma_wait3A_444] : memref<1600x128x128xf32, #tpu.memory_space<hbm>> -> memref<1x128x128xf32, #tpu.memory_space<hbm>>
        %dma_wait3A_446 = tpu.memref_squeeze %dma_wait3A_445 : memref<1x128x128xf32, #tpu.memory_space<hbm>> -> memref<128x128xf32, #tpu.memory_space<hbm>>
        tpu.wait_dma2 semaphore(%arg19 : memref<!tpu.dma_semaphore, #tpu.memory_space<semaphore_mem>>) src(%arg9 : memref<128x128xf32, #tpu.memory_space<vmem>>) dst(%dma_wait3A_446 : memref<128x128xf32, #tpu.memory_space<hbm>>)
      } else {
      }
      %add3A_366 = arith.constant 3 : i32
      %add3A_367 = arith.addi %add3A_360, %add3A_366 : i32
      %dma_start3A_368 = arith.constant 0 : i32
      %dma_start3A_369 = tpu.memref_slice %arg7[%add3A_367, %dma_start3A_368] : memref<50x128xi32, #tpu.memory_space<vmem>> -> memref<1x128xi32, #tpu.memory_space<vmem>>
      %dma_start3A_370 = tpu.memref_squeeze %dma_start3A_369 : memref<1x128xi32, #tpu.memory_space<vmem>> -> memref<128xi32, #tpu.memory_space<vmem>>
      %dma_start3A_371 = arith.constant 0 : i32
      %dma_start3A_372 = arith.constant 0 : i32
      %dma_start3A_373 = tpu.memref_slice %arg3[%dma_start3A_371, %dma_start3A_372] : memref<100000x128xf32, #tpu.memory_space<hbm>> -> memref<100000x128xf32, #tpu.memory_space<hbm>>
      tpu.enqueue_indirect_dma source(%dma_start3A_373 : memref<100000x128xf32, #tpu.memory_space<hbm>>) target(%arg9 : memref<128x128xf32, #tpu.memory_space<vmem>>) offsets(%dma_start3A_370 : memref<128xi32, #tpu.memory_space<vmem>>) semaphore(%arg14 : memref<!tpu.dma_semaphore, #tpu.memory_space<semaphore_mem>>)
      %dma_wait3A_374 = arith.constant 0 : i32
      %dma_wait3A_375 = tpu.memref_slice %arg7[%add3A_360, %dma_wait3A_374] : memref<50x128xi32, #tpu.memory_space<vmem>> -> memref<1x128xi32, #tpu.memory_space<vmem>>
      %dma_wait3A_376 = tpu.memref_squeeze %dma_wait3A_375 : memref<1x128xi32, #tpu.memory_space<vmem>> -> memref<128xi32, #tpu.memory_space<vmem>>
      %dma_wait3A_377 = arith.constant 0 : i32
      %dma_wait3A_378 = arith.constant 0 : i32
      %dma_wait3A_379 = tpu.memref_slice %arg3[%dma_wait3A_377, %dma_wait3A_378] : memref<100000x128xf32, #tpu.memory_space<hbm>> -> memref<100000x128xf32, #tpu.memory_space<hbm>>
      tpu.wait_indirect_dma semaphore(%arg16 : memref<!tpu.dma_semaphore, #tpu.memory_space<semaphore_mem>>) src(%dma_wait3A_379 : memref<100000x128xf32, #tpu.memory_space<hbm>>) dst(%arg11 : memref<128x128xf32, #tpu.memory_space<vmem>>)
      %add3A_380 = arith.addi %mul3A_2, %add3A_360 : i32
      %mul3A_381 = arith.constant 128 : i32
      %mul3A_382 = arith.muli %add3A_380, %mul3A_381 : i32
      %rem3A_383 = arith.constant 200 : i32
      %rem3A_384 = arith.remsi %mul3A_382, %rem3A_383 : i32
      %parallel_loop3A_385 = arith.constant 0 : i32
      %parallel_loop3A_386 = arith.constant 128 : i32
      %parallel_loop3A_387 = arith.constant 1 : i32
      scf.for %parallel_loop3A_437 = %parallel_loop3A_385 to %parallel_loop3A_386 step %parallel_loop3A_387  : i32 {
        %parallel_loop3A_438 = arith.addi %rem3A_384, %parallel_loop3A_437 : i32
        %parallel_loop3A_439 = arith.constant 200 : i32
        %parallel_loop3A_440 = arith.cmpi sge, %parallel_loop3A_438, %parallel_loop3A_439 : i32
        %parallel_loop3A_441 = arith.constant 200 : i32
        %parallel_loop3A_442 = arith.constant 0 : i32
        %parallel_loop3A_443 = arith.select %parallel_loop3A_440, %parallel_loop3A_441, %parallel_loop3A_442 : i32
        %parallel_loop3A_444 = arith.subi %parallel_loop3A_438, %parallel_loop3A_443 : i32
        %parallel_loop3A_445 = arith.index_cast %parallel_loop3A_444 : i32 to index
        %parallel_loop3A_446 = arith.constant 0 : index
        %parallel_loop3A_447 = tpu.vector_load %arg6[%parallel_loop3A_445, %parallel_loop3A_446] {strides = array<i32>} : memref<200x128xf32, #tpu.memory_space<vmem>>, vector<1x16xf32>,
        %parallel_loop3A_448 = vector.shape_cast %parallel_loop3A_447 : vector<1x16xf32> to vector<16xf32>
        %parallel_loop3A_449 = arith.index_cast %parallel_loop3A_437 : i32 to index
        %parallel_loop3A_450 = arith.constant 0 : index
        %parallel_loop3A_451 = tpu.vector_load %arg11[%parallel_loop3A_449, %parallel_loop3A_450] {strides = array<i32>} : memref<128x128xf32, #tpu.memory_space<vmem>>, vector<1x16xf32>,
        %parallel_loop3A_452 = vector.shape_cast %parallel_loop3A_451 : vector<1x16xf32> to vector<16xf32>
        %parallel_loop3A_453 = vector.shape_cast %parallel_loop3A_448 : vector<16xf32> to vector<1x16xf32>
        tpu.vector_store %arg11[%parallel_loop3A_449, %parallel_loop3A_450], %parallel_loop3A_453 {add = true, strides = array<i32>} : memref<128x128xf32, #tpu.memory_space<vmem>>, vector<1x16xf32>,
        %parallel_loop3A_454 = arith.index_cast %parallel_loop3A_444 : i32 to index
        %parallel_loop3A_455 = arith.constant 16 : index
        %parallel_loop3A_456 = tpu.vector_load %arg6[%parallel_loop3A_454, %parallel_loop3A_455] {strides = array<i32>} : memref<200x128xf32, #tpu.memory_space<vmem>>, vector<1x16xf32>,
        %parallel_loop3A_457 = vector.shape_cast %parallel_loop3A_456 : vector<1x16xf32> to vector<16xf32>
        %parallel_loop3A_458 = arith.index_cast %parallel_loop3A_437 : i32 to index
        %parallel_loop3A_459 = arith.constant 16 : index
        %parallel_loop3A_460 = tpu.vector_load %arg11[%parallel_loop3A_458, %parallel_loop3A_459] {strides = array<i32>} : memref<128x128xf32, #tpu.memory_space<vmem>>, vector<1x16xf32>,
        %parallel_loop3A_461 = vector.shape_cast %parallel_loop3A_460 : vector<1x16xf32> to vector<16xf32>
        %parallel_loop3A_462 = vector.shape_cast %parallel_loop3A_457 : vector<16xf32> to vector<1x16xf32>
        tpu.vector_store %arg11[%parallel_loop3A_458, %parallel_loop3A_459], %parallel_loop3A_462 {add = true, strides = array<i32>} : memref<128x128xf32, #tpu.memory_space<vmem>>, vector<1x16xf32>,
        %parallel_loop3A_463 = arith.index_cast %parallel_loop3A_444 : i32 to index
        %parallel_loop3A_464 = arith.constant 32 : index
        %parallel_loop3A_465 = tpu.vector_load %arg6[%parallel_loop3A_463, %parallel_loop3A_464] {strides = array<i32>} : memref<200x128xf32, #tpu.memory_space<vmem>>, vector<1x16xf32>,
        %parallel_loop3A_466 = vector.shape_cast %parallel_loop3A_465 : vector<1x16xf32> to vector<16xf32>
        %parallel_loop3A_467 = arith.index_cast %parallel_loop3A_437 : i32 to index
        %parallel_loop3A_468 = arith.constant 32 : index
        %parallel_loop3A_469 = tpu.vector_load %arg11[%parallel_loop3A_467, %parallel_loop3A_468] {strides = array<i32>} : memref<128x128xf32, #tpu.memory_space<vmem>>, vector<1x16xf32>,
        %parallel_loop3A_470 = vector.shape_cast %parallel_loop3A_469 : vector<1x16xf32> to vector<16xf32>
        %parallel_loop3A_471 = vector.shape_cast %parallel_loop3A_466 : vector<16xf32> to vector<1x16xf32>
        tpu.vector_store %arg11[%parallel_loop3A_467, %parallel_loop3A_468], %parallel_loop3A_471 {add = true, strides = array<i32>} : memref<128x128xf32, #tpu.memory_space<vmem>>, vector<1x16xf32>,
        %parallel_loop3A_472 = arith.index_cast %parallel_loop3A_444 : i32 to index
        %parallel_loop3A_473 = arith.constant 48 : index
        %parallel_loop3A_474 = tpu.vector_load %arg6[%parallel_loop3A_472, %parallel_loop3A_473] {strides = array<i32>} : memref<200x128xf32, #tpu.memory_space<vmem>>, vector<1x16xf32>,
        %parallel_loop3A_475 = vector.shape_cast %parallel_loop3A_474 : vector<1x16xf32> to vector<16xf32>
        %parallel_loop3A_476 = arith.index_cast %parallel_loop3A_437 : i32 to index
        %parallel_loop3A_477 = arith.constant 48 : index
        %parallel_loop3A_478 = tpu.vector_load %arg11[%parallel_loop3A_476, %parallel_loop3A_477] {strides = array<i32>} : memref<128x128xf32, #tpu.memory_space<vmem>>, vector<1x16xf32>,
        %parallel_loop3A_479 = vector.shape_cast %parallel_loop3A_478 : vector<1x16xf32> to vector<16xf32>
        %parallel_loop3A_480 = vector.shape_cast %parallel_loop3A_475 : vector<16xf32> to vector<1x16xf32>
        tpu.vector_store %arg11[%parallel_loop3A_476, %parallel_loop3A_477], %parallel_loop3A_480 {add = true, strides = array<i32>} : memref<128x128xf32, #tpu.memory_space<vmem>>, vector<1x16xf32>,
        %parallel_loop3A_481 = arith.index_cast %parallel_loop3A_444 : i32 to index
        %parallel_loop3A_482 = arith.constant 64 : index
        %parallel_loop3A_483 = tpu.vector_load %arg6[%parallel_loop3A_481, %parallel_loop3A_482] {strides = array<i32>} : memref<200x128xf32, #tpu.memory_space<vmem>>, vector<1x16xf32>,
        %parallel_loop3A_484 = vector.shape_cast %parallel_loop3A_483 : vector<1x16xf32> to vector<16xf32>
        %parallel_loop3A_485 = arith.index_cast %parallel_loop3A_437 : i32 to index
        %parallel_loop3A_486 = arith.constant 64 : index
        %parallel_loop3A_487 = tpu.vector_load %arg11[%parallel_loop3A_485, %parallel_loop3A_486] {strides = array<i32>} : memref<128x128xf32, #tpu.memory_space<vmem>>, vector<1x16xf32>,
        %parallel_loop3A_488 = vector.shape_cast %parallel_loop3A_487 : vector<1x16xf32> to vector<16xf32>
        %parallel_loop3A_489 = vector.shape_cast %parallel_loop3A_484 : vector<16xf32> to vector<1x16xf32>
        tpu.vector_store %arg11[%parallel_loop3A_485, %parallel_loop3A_486], %parallel_loop3A_489 {add = true, strides = array<i32>} : memref<128x128xf32, #tpu.memory_space<vmem>>, vector<1x16xf32>,
        %parallel_loop3A_490 = arith.index_cast %parallel_loop3A_444 : i32 to index
        %parallel_loop3A_491 = arith.constant 80 : index
        %parallel_loop3A_492 = tpu.vector_load %arg6[%parallel_loop3A_490, %parallel_loop3A_491] {strides = array<i32>} : memref<200x128xf32, #tpu.memory_space<vmem>>, vector<1x16xf32>,
        %parallel_loop3A_493 = vector.shape_cast %parallel_loop3A_492 : vector<1x16xf32> to vector<16xf32>
        %parallel_loop3A_494 = arith.index_cast %parallel_loop3A_437 : i32 to index
        %parallel_loop3A_495 = arith.constant 80 : index
        %parallel_loop3A_496 = tpu.vector_load %arg11[%parallel_loop3A_494, %parallel_loop3A_495] {strides = array<i32>} : memref<128x128xf32, #tpu.memory_space<vmem>>, vector<1x16xf32>,
        %parallel_loop3A_497 = vector.shape_cast %parallel_loop3A_496 : vector<1x16xf32> to vector<16xf32>
        %parallel_loop3A_498 = vector.shape_cast %parallel_loop3A_493 : vector<16xf32> to vector<1x16xf32>
        tpu.vector_store %arg11[%parallel_loop3A_494, %parallel_loop3A_495], %parallel_loop3A_498 {add = true, strides = array<i32>} : memref<128x128xf32, #tpu.memory_space<vmem>>, vector<1x16xf32>,
        %parallel_loop3A_499 = arith.index_cast %parallel_loop3A_444 : i32 to index
        %parallel_loop3A_500 = arith.constant 96 : index
        %parallel_loop3A_501 = tpu.vector_load %arg6[%parallel_loop3A_499, %parallel_loop3A_500] {strides = array<i32>} : memref<200x128xf32, #tpu.memory_space<vmem>>, vector<1x16xf32>,
        %parallel_loop3A_502 = vector.shape_cast %parallel_loop3A_501 : vector<1x16xf32> to vector<16xf32>
        %parallel_loop3A_503 = arith.index_cast %parallel_loop3A_437 : i32 to index
        %parallel_loop3A_504 = arith.constant 96 : index
        %parallel_loop3A_505 = tpu.vector_load %arg11[%parallel_loop3A_503, %parallel_loop3A_504] {strides = array<i32>} : memref<128x128xf32, #tpu.memory_space<vmem>>, vector<1x16xf32>,
        %parallel_loop3A_506 = vector.shape_cast %parallel_loop3A_505 : vector<1x16xf32> to vector<16xf32>
        %parallel_loop3A_507 = vector.shape_cast %parallel_loop3A_502 : vector<16xf32> to vector<1x16xf32>
        tpu.vector_store %arg11[%parallel_loop3A_503, %parallel_loop3A_504], %parallel_loop3A_507 {add = true, strides = array<i32>} : memref<128x128xf32, #tpu.memory_space<vmem>>, vector<1x16xf32>,
        %parallel_loop3A_508 = arith.index_cast %parallel_loop3A_444 : i32 to index
        %parallel_loop3A_509 = arith.constant 112 : index
        %parallel_loop3A_510 = tpu.vector_load %arg6[%parallel_loop3A_508, %parallel_loop3A_509] {strides = array<i32>} : memref<200x128xf32, #tpu.memory_space<vmem>>, vector<1x16xf32>,
        %parallel_loop3A_511 = vector.shape_cast %parallel_loop3A_510 : vector<1x16xf32> to vector<16xf32>
        %parallel_loop3A_512 = arith.index_cast %parallel_loop3A_437 : i32 to index
        %parallel_loop3A_513 = arith.constant 112 : index
        %parallel_loop3A_514 = tpu.vector_load %arg11[%parallel_loop3A_512, %parallel_loop3A_513] {strides = array<i32>} : memref<128x128xf32, #tpu.memory_space<vmem>>, vector<1x16xf32>,
        %parallel_loop3A_515 = vector.shape_cast %parallel_loop3A_514 : vector<1x16xf32> to vector<16xf32>
        %parallel_loop3A_516 = vector.shape_cast %parallel_loop3A_511 : vector<16xf32> to vector<1x16xf32>
        tpu.vector_store %arg11[%parallel_loop3A_512, %parallel_loop3A_513], %parallel_loop3A_516 {add = true, strides = array<i32>} : memref<128x128xf32, #tpu.memory_space<vmem>>, vector<1x16xf32>,
      } {sc.loop_unroll_factor = 1 : i64, sc.parallel_access}
      %add3A_388 = arith.addi %mul3A_2, %add3A_360 : i32
      %dma_start3A_389 = arith.constant 0 : i32
      %dma_start3A_390 = arith.constant 0 : i32
      %dma_start3A_391 = tpu.memref_slice %arg5[%add3A_388, %dma_start3A_389, %dma_start3A_390] : memref<1600x128x128xf32, #tpu.memory_space<hbm>> -> memref<1x128x128xf32, #tpu.memory_space<hbm>>
      %dma_start3A_392 = tpu.memref_squeeze %dma_start3A_391 : memref<1x128x128xf32, #tpu.memory_space<hbm>> -> memref<128x128xf32, #tpu.memory_space<hbm>>
      %dma_start3A_393 = arith.constant 0 : i32
      %dma_start3A_394 = arith.constant 0 : i32
      %dma_start3A_395 = tpu.memref_slice %arg5[%add3A_388, %dma_start3A_393, %dma_start3A_394] : memref<1600x128x128xf32, #tpu.memory_space<hbm>> -> memref<1x128x128xf32, #tpu.memory_space<hbm>>
      %dma_start3A_396 = tpu.memref_squeeze %dma_start3A_395 : memref<1x128x128xf32, #tpu.memory_space<hbm>> -> memref<128x128xf32, #tpu.memory_space<hbm>>
      tpu.enqueue_dma source(%arg11 : memref<128x128xf32, #tpu.memory_space<vmem>>) target(%dma_start3A_396 : memref<128x128xf32, #tpu.memory_space<hbm>>) target_semaphore(%arg21 : memref<!tpu.dma_semaphore, #tpu.memory_space<semaphore_mem>>)
      %mul3A_397 = arith.constant 5 : i32
      %mul3A_398 = arith.muli %mul3A_397, %scan3A_239 : i32
      %add3A_399 = arith.constant 4 : i32
      %add3A_400 = arith.addi %mul3A_398, %add3A_399 : i32
      %ge3A_401 = arith.constant 2 : i32
      %ge3A_402 = arith.cmpi sge, %add3A_400, %ge3A_401 : i32
      %convert_element_type3A_403 = arith.extui %ge3A_402 : i1 to i32
      %cond3A_404 = arith.constant 0 : i32
      %cond3A_405 = arith.cmpi ne, %convert_element_type3A_403, %cond3A_404 : i32
      scf.if %cond3A_405 {
        %sub3A = arith.constant 2 : i32
        %sub3A_437 = arith.subi %add3A_400, %sub3A : i32
        %add3A_438 = arith.addi %mul3A_2, %sub3A_437 : i32
        %dma_wait3A_439 = arith.constant 0 : i32
        %dma_wait3A_440 = arith.constant 0 : i32
        %dma_wait3A_441 = tpu.memref_slice %arg5[%add3A_438, %dma_wait3A_439, %dma_wait3A_440] : memref<1600x128x128xf32, #tpu.memory_space<hbm>> -> memref<1x128x128xf32, #tpu.memory_space<hbm>>
        %dma_wait3A_442 = tpu.memref_squeeze %dma_wait3A_441 : memref<1x128x128xf32, #tpu.memory_space<hbm>> -> memref<128x128xf32, #tpu.memory_space<hbm>>
        %dma_wait3A_443 = arith.constant 0 : i32
        %dma_wait3A_444 = arith.constant 0 : i32
        %dma_wait3A_445 = tpu.memref_slice %arg5[%add3A_438, %dma_wait3A_443, %dma_wait3A_444] : memref<1600x128x128xf32, #tpu.memory_space<hbm>> -> memref<1x128x128xf32, #tpu.memory_space<hbm>>
        %dma_wait3A_446 = tpu.memref_squeeze %dma_wait3A_445 : memref<1x128x128xf32, #tpu.memory_space<hbm>> -> memref<128x128xf32, #tpu.memory_space<hbm>>
        tpu.wait_dma2 semaphore(%arg20 : memref<!tpu.dma_semaphore, #tpu.memory_space<semaphore_mem>>) src(%arg10 : memref<128x128xf32, #tpu.memory_space<vmem>>) dst(%dma_wait3A_446 : memref<128x128xf32, #tpu.memory_space<hbm>>)
      } else {
      }
      %add3A_406 = arith.constant 3 : i32
      %add3A_407 = arith.addi %add3A_400, %add3A_406 : i32
      %dma_start3A_408 = arith.constant 0 : i32
      %dma_start3A_409 = tpu.memref_slice %arg7[%add3A_407, %dma_start3A_408] : memref<50x128xi32, #tpu.memory_space<vmem>> -> memref<1x128xi32, #tpu.memory_space<vmem>>
      %dma_start3A_410 = tpu.memref_squeeze %dma_start3A_409 : memref<1x128xi32, #tpu.memory_space<vmem>> -> memref<128xi32, #tpu.memory_space<vmem>>
      %dma_start3A_411 = arith.constant 0 : i32
      %dma_start3A_412 = arith.constant 0 : i32
      %dma_start3A_413 = tpu.memref_slice %arg3[%dma_start3A_411, %dma_start3A_412] : memref<100000x128xf32, #tpu.memory_space<hbm>> -> memref<100000x128xf32, #tpu.memory_space<hbm>>
      tpu.enqueue_indirect_dma source(%dma_start3A_413 : memref<100000x128xf32, #tpu.memory_space<hbm>>) target(%arg10 : memref<128x128xf32, #tpu.memory_space<vmem>>) offsets(%dma_start3A_410 : memref<128xi32, #tpu.memory_space<vmem>>) semaphore(%arg15 : memref<!tpu.dma_semaphore, #tpu.memory_space<semaphore_mem>>)
      %dma_wait3A_414 = arith.constant 0 : i32
      %dma_wait3A_415 = tpu.memref_slice %arg7[%add3A_400, %dma_wait3A_414] : memref<50x128xi32, #tpu.memory_space<vmem>> -> memref<1x128xi32, #tpu.memory_space<vmem>>
      %dma_wait3A_416 = tpu.memref_squeeze %dma_wait3A_415 : memref<1x128xi32, #tpu.memory_space<vmem>> -> memref<128xi32, #tpu.memory_space<vmem>>
      %dma_wait3A_417 = arith.constant 0 : i32
      %dma_wait3A_418 = arith.constant 0 : i32
      %dma_wait3A_419 = tpu.memref_slice %arg3[%dma_wait3A_417, %dma_wait3A_418] : memref<100000x128xf32, #tpu.memory_space<hbm>> -> memref<100000x128xf32, #tpu.memory_space<hbm>>
      tpu.wait_indirect_dma semaphore(%arg17 : memref<!tpu.dma_semaphore, #tpu.memory_space<semaphore_mem>>) src(%dma_wait3A_419 : memref<100000x128xf32, #tpu.memory_space<hbm>>) dst(%arg12 : memref<128x128xf32, #tpu.memory_space<vmem>>)
      %add3A_420 = arith.addi %mul3A_2, %add3A_400 : i32
      %mul3A_421 = arith.constant 128 : i32
      %mul3A_422 = arith.muli %add3A_420, %mul3A_421 : i32
      %rem3A_423 = arith.constant 200 : i32
      %rem3A_424 = arith.remsi %mul3A_422, %rem3A_423 : i32
      %parallel_loop3A_425 = arith.constant 0 : i32
      %parallel_loop3A_426 = arith.constant 128 : i32
      %parallel_loop3A_427 = arith.constant 1 : i32
      scf.for %parallel_loop3A_437 = %parallel_loop3A_425 to %parallel_loop3A_426 step %parallel_loop3A_427  : i32 {
        %parallel_loop3A_438 = arith.addi %rem3A_424, %parallel_loop3A_437 : i32
        %parallel_loop3A_439 = arith.constant 200 : i32
        %parallel_loop3A_440 = arith.cmpi sge, %parallel_loop3A_438, %parallel_loop3A_439 : i32
        %parallel_loop3A_441 = arith.constant 200 : i32
        %parallel_loop3A_442 = arith.constant 0 : i32
        %parallel_loop3A_443 = arith.select %parallel_loop3A_440, %parallel_loop3A_441, %parallel_loop3A_442 : i32
        %parallel_loop3A_444 = arith.subi %parallel_loop3A_438, %parallel_loop3A_443 : i32
        %parallel_loop3A_445 = arith.index_cast %parallel_loop3A_444 : i32 to index
        %parallel_loop3A_446 = arith.constant 0 : index
        %parallel_loop3A_447 = tpu.vector_load %arg6[%parallel_loop3A_445, %parallel_loop3A_446] {strides = array<i32>} : memref<200x128xf32, #tpu.memory_space<vmem>>, vector<1x16xf32>,
        %parallel_loop3A_448 = vector.shape_cast %parallel_loop3A_447 : vector<1x16xf32> to vector<16xf32>
        %parallel_loop3A_449 = arith.index_cast %parallel_loop3A_437 : i32 to index
        %parallel_loop3A_450 = arith.constant 0 : index
        %parallel_loop3A_451 = tpu.vector_load %arg12[%parallel_loop3A_449, %parallel_loop3A_450] {strides = array<i32>} : memref<128x128xf32, #tpu.memory_space<vmem>>, vector<1x16xf32>,
        %parallel_loop3A_452 = vector.shape_cast %parallel_loop3A_451 : vector<1x16xf32> to vector<16xf32>
        %parallel_loop3A_453 = vector.shape_cast %parallel_loop3A_448 : vector<16xf32> to vector<1x16xf32>
        tpu.vector_store %arg12[%parallel_loop3A_449, %parallel_loop3A_450], %parallel_loop3A_453 {add = true, strides = array<i32>} : memref<128x128xf32, #tpu.memory_space<vmem>>, vector<1x16xf32>,
        %parallel_loop3A_454 = arith.index_cast %parallel_loop3A_444 : i32 to index
        %parallel_loop3A_455 = arith.constant 16 : index
        %parallel_loop3A_456 = tpu.vector_load %arg6[%parallel_loop3A_454, %parallel_loop3A_455] {strides = array<i32>} : memref<200x128xf32, #tpu.memory_space<vmem>>, vector<1x16xf32>,
        %parallel_loop3A_457 = vector.shape_cast %parallel_loop3A_456 : vector<1x16xf32> to vector<16xf32>
        %parallel_loop3A_458 = arith.index_cast %parallel_loop3A_437 : i32 to index
        %parallel_loop3A_459 = arith.constant 16 : index
        %parallel_loop3A_460 = tpu.vector_load %arg12[%parallel_loop3A_458, %parallel_loop3A_459] {strides = array<i32>} : memref<128x128xf32, #tpu.memory_space<vmem>>, vector<1x16xf32>,
        %parallel_loop3A_461 = vector.shape_cast %parallel_loop3A_460 : vector<1x16xf32> to vector<16xf32>
        %parallel_loop3A_462 = vector.shape_cast %parallel_loop3A_457 : vector<16xf32> to vector<1x16xf32>
        tpu.vector_store %arg12[%parallel_loop3A_458, %parallel_loop3A_459], %parallel_loop3A_462 {add = true, strides = array<i32>} : memref<128x128xf32, #tpu.memory_space<vmem>>, vector<1x16xf32>,
        %parallel_loop3A_463 = arith.index_cast %parallel_loop3A_444 : i32 to index
        %parallel_loop3A_464 = arith.constant 32 : index
        %parallel_loop3A_465 = tpu.vector_load %arg6[%parallel_loop3A_463, %parallel_loop3A_464] {strides = array<i32>} : memref<200x128xf32, #tpu.memory_space<vmem>>, vector<1x16xf32>,
        %parallel_loop3A_466 = vector.shape_cast %parallel_loop3A_465 : vector<1x16xf32> to vector<16xf32>
        %parallel_loop3A_467 = arith.index_cast %parallel_loop3A_437 : i32 to index
        %parallel_loop3A_468 = arith.constant 32 : index
        %parallel_loop3A_469 = tpu.vector_load %arg12[%parallel_loop3A_467, %parallel_loop3A_468] {strides = array<i32>} : memref<128x128xf32, #tpu.memory_space<vmem>>, vector<1x16xf32>,
        %parallel_loop3A_470 = vector.shape_cast %parallel_loop3A_469 : vector<1x16xf32> to vector<16xf32>
        %parallel_loop3A_471 = vector.shape_cast %parallel_loop3A_466 : vector<16xf32> to vector<1x16xf32>
        tpu.vector_store %arg12[%parallel_loop3A_467, %parallel_loop3A_468], %parallel_loop3A_471 {add = true, strides = array<i32>} : memref<128x128xf32, #tpu.memory_space<vmem>>, vector<1x16xf32>,
        %parallel_loop3A_472 = arith.index_cast %parallel_loop3A_444 : i32 to index
        %parallel_loop3A_473 = arith.constant 48 : index
        %parallel_loop3A_474 = tpu.vector_load %arg6[%parallel_loop3A_472, %parallel_loop3A_473] {strides = array<i32>} : memref<200x128xf32, #tpu.memory_space<vmem>>, vector<1x16xf32>,
        %parallel_loop3A_475 = vector.shape_cast %parallel_loop3A_474 : vector<1x16xf32> to vector<16xf32>
        %parallel_loop3A_476 = arith.index_cast %parallel_loop3A_437 : i32 to index
        %parallel_loop3A_477 = arith.constant 48 : index
        %parallel_loop3A_478 = tpu.vector_load %arg12[%parallel_loop3A_476, %parallel_loop3A_477] {strides = array<i32>} : memref<128x128xf32, #tpu.memory_space<vmem>>, vector<1x16xf32>,
        %parallel_loop3A_479 = vector.shape_cast %parallel_loop3A_478 : vector<1x16xf32> to vector<16xf32>
        %parallel_loop3A_480 = vector.shape_cast %parallel_loop3A_475 : vector<16xf32> to vector<1x16xf32>
        tpu.vector_store %arg12[%parallel_loop3A_476, %parallel_loop3A_477], %parallel_loop3A_480 {add = true, strides = array<i32>} : memref<128x128xf32, #tpu.memory_space<vmem>>, vector<1x16xf32>,
        %parallel_loop3A_481 = arith.index_cast %parallel_loop3A_444 : i32 to index
        %parallel_loop3A_482 = arith.constant 64 : index
        %parallel_loop3A_483 = tpu.vector_load %arg6[%parallel_loop3A_481, %parallel_loop3A_482] {strides = array<i32>} : memref<200x128xf32, #tpu.memory_space<vmem>>, vector<1x16xf32>,
        %parallel_loop3A_484 = vector.shape_cast %parallel_loop3A_483 : vector<1x16xf32> to vector<16xf32>
        %parallel_loop3A_485 = arith.index_cast %parallel_loop3A_437 : i32 to index
        %parallel_loop3A_486 = arith.constant 64 : index
        %parallel_loop3A_487 = tpu.vector_load %arg12[%parallel_loop3A_485, %parallel_loop3A_486] {strides = array<i32>} : memref<128x128xf32, #tpu.memory_space<vmem>>, vector<1x16xf32>,
        %parallel_loop3A_488 = vector.shape_cast %parallel_loop3A_487 : vector<1x16xf32> to vector<16xf32>
        %parallel_loop3A_489 = vector.shape_cast %parallel_loop3A_484 : vector<16xf32> to vector<1x16xf32>
        tpu.vector_store %arg12[%parallel_loop3A_485, %parallel_loop3A_486], %parallel_loop3A_489 {add = true, strides = array<i32>} : memref<128x128xf32, #tpu.memory_space<vmem>>, vector<1x16xf32>,
        %parallel_loop3A_490 = arith.index_cast %parallel_loop3A_444 : i32 to index
        %parallel_loop3A_491 = arith.constant 80 : index
        %parallel_loop3A_492 = tpu.vector_load %arg6[%parallel_loop3A_490, %parallel_loop3A_491] {strides = array<i32>} : memref<200x128xf32, #tpu.memory_space<vmem>>, vector<1x16xf32>,
        %parallel_loop3A_493 = vector.shape_cast %parallel_loop3A_492 : vector<1x16xf32> to vector<16xf32>
        %parallel_loop3A_494 = arith.index_cast %parallel_loop3A_437 : i32 to index
        %parallel_loop3A_495 = arith.constant 80 : index
        %parallel_loop3A_496 = tpu.vector_load %arg12[%parallel_loop3A_494, %parallel_loop3A_495] {strides = array<i32>} : memref<128x128xf32, #tpu.memory_space<vmem>>, vector<1x16xf32>,
        %parallel_loop3A_497 = vector.shape_cast %parallel_loop3A_496 : vector<1x16xf32> to vector<16xf32>
        %parallel_loop3A_498 = vector.shape_cast %parallel_loop3A_493 : vector<16xf32> to vector<1x16xf32>
        tpu.vector_store %arg12[%parallel_loop3A_494, %parallel_loop3A_495], %parallel_loop3A_498 {add = true, strides = array<i32>} : memref<128x128xf32, #tpu.memory_space<vmem>>, vector<1x16xf32>,
        %parallel_loop3A_499 = arith.index_cast %parallel_loop3A_444 : i32 to index
        %parallel_loop3A_500 = arith.constant 96 : index
        %parallel_loop3A_501 = tpu.vector_load %arg6[%parallel_loop3A_499, %parallel_loop3A_500] {strides = array<i32>} : memref<200x128xf32, #tpu.memory_space<vmem>>, vector<1x16xf32>,
        %parallel_loop3A_502 = vector.shape_cast %parallel_loop3A_501 : vector<1x16xf32> to vector<16xf32>
        %parallel_loop3A_503 = arith.index_cast %parallel_loop3A_437 : i32 to index
        %parallel_loop3A_504 = arith.constant 96 : index
        %parallel_loop3A_505 = tpu.vector_load %arg12[%parallel_loop3A_503, %parallel_loop3A_504] {strides = array<i32>} : memref<128x128xf32, #tpu.memory_space<vmem>>, vector<1x16xf32>,
        %parallel_loop3A_506 = vector.shape_cast %parallel_loop3A_505 : vector<1x16xf32> to vector<16xf32>
        %parallel_loop3A_507 = vector.shape_cast %parallel_loop3A_502 : vector<16xf32> to vector<1x16xf32>
        tpu.vector_store %arg12[%parallel_loop3A_503, %parallel_loop3A_504], %parallel_loop3A_507 {add = true, strides = array<i32>} : memref<128x128xf32, #tpu.memory_space<vmem>>, vector<1x16xf32>,
        %parallel_loop3A_508 = arith.index_cast %parallel_loop3A_444 : i32 to index
        %parallel_loop3A_509 = arith.constant 112 : index
        %parallel_loop3A_510 = tpu.vector_load %arg6[%parallel_loop3A_508, %parallel_loop3A_509] {strides = array<i32>} : memref<200x128xf32, #tpu.memory_space<vmem>>, vector<1x16xf32>,
        %parallel_loop3A_511 = vector.shape_cast %parallel_loop3A_510 : vector<1x16xf32> to vector<16xf32>
        %parallel_loop3A_512 = arith.index_cast %parallel_loop3A_437 : i32 to index
        %parallel_loop3A_513 = arith.constant 112 : index
        %parallel_loop3A_514 = tpu.vector_load %arg12[%parallel_loop3A_512, %parallel_loop3A_513] {strides = array<i32>} : memref<128x128xf32, #tpu.memory_space<vmem>>, vector<1x16xf32>,
        %parallel_loop3A_515 = vector.shape_cast %parallel_loop3A_514 : vector<1x16xf32> to vector<16xf32>
        %parallel_loop3A_516 = vector.shape_cast %parallel_loop3A_511 : vector<16xf32> to vector<1x16xf32>
        tpu.vector_store %arg12[%parallel_loop3A_512, %parallel_loop3A_513], %parallel_loop3A_516 {add = true, strides = array<i32>} : memref<128x128xf32, #tpu.memory_space<vmem>>, vector<1x16xf32>,
      } {sc.loop_unroll_factor = 1 : i64, sc.parallel_access}
      %add3A_428 = arith.addi %mul3A_2, %add3A_400 : i32
      %dma_start3A_429 = arith.constant 0 : i32
      %dma_start3A_430 = arith.constant 0 : i32
      %dma_start3A_431 = tpu.memref_slice %arg5[%add3A_428, %dma_start3A_429, %dma_start3A_430] : memref<1600x128x128xf32, #tpu.memory_space<hbm>> -> memref<1x128x128xf32, #tpu.memory_space<hbm>>
      %dma_start3A_432 = tpu.memref_squeeze %dma_start3A_431 : memref<1x128x128xf32, #tpu.memory_space<hbm>> -> memref<128x128xf32, #tpu.memory_space<hbm>>
      %dma_start3A_433 = arith.constant 0 : i32
      %dma_start3A_434 = arith.constant 0 : i32
      %dma_start3A_435 = tpu.memref_slice %arg5[%add3A_428, %dma_start3A_433, %dma_start3A_434] : memref<1600x128x128xf32, #tpu.memory_space<hbm>> -> memref<1x128x128xf32, #tpu.memory_space<hbm>>
      %dma_start3A_436 = tpu.memref_squeeze %dma_start3A_435 : memref<1x128x128xf32, #tpu.memory_space<hbm>> -> memref<128x128xf32, #tpu.memory_space<hbm>>
      tpu.enqueue_dma source(%arg12 : memref<128x128xf32, #tpu.memory_space<vmem>>) target(%dma_start3A_436 : memref<128x128xf32, #tpu.memory_space<hbm>>) target_semaphore(%arg22 : memref<!tpu.dma_semaphore, #tpu.memory_space<semaphore_mem>>)
    }
    %scan3A_27 = arith.constant 9 : i32
    %add3A_28 = arith.constant 43 : i32
    %add3A_29 = arith.addi %mul3A_2, %add3A_28 : i32
    %dma_wait3A = arith.constant 0 : i32
    %dma_wait3A_30 = arith.constant 0 : i32
    %dma_wait3A_31 = tpu.memref_slice %arg5[%add3A_29, %dma_wait3A, %dma_wait3A_30] : memref<1600x128x128xf32, #tpu.memory_space<hbm>> -> memref<1x128x128xf32, #tpu.memory_space<hbm>>
    %dma_wait3A_32 = tpu.memref_squeeze %dma_wait3A_31 : memref<1x128x128xf32, #tpu.memory_space<hbm>> -> memref<128x128xf32, #tpu.memory_space<hbm>>
    %dma_wait3A_33 = arith.constant 0 : i32
    %dma_wait3A_34 = arith.constant 0 : i32
    %dma_wait3A_35 = tpu.memref_slice %arg5[%add3A_29, %dma_wait3A_33, %dma_wait3A_34] : memref<1600x128x128xf32, #tpu.memory_space<hbm>> -> memref<1x128x128xf32, #tpu.memory_space<hbm>>
    %dma_wait3A_36 = tpu.memref_squeeze %dma_wait3A_35 : memref<1x128x128xf32, #tpu.memory_space<hbm>> -> memref<128x128xf32, #tpu.memory_space<hbm>>
    tpu.wait_dma2 semaphore(%arg21 : memref<!tpu.dma_semaphore, #tpu.memory_space<semaphore_mem>>) src(%arg11 : memref<128x128xf32, #tpu.memory_space<vmem>>) dst(%dma_wait3A_36 : memref<128x128xf32, #tpu.memory_space<hbm>>)
    %dma_start3A_37 = arith.constant 48 : i32
    %dma_start3A_38 = arith.constant 0 : i32
    %dma_start3A_39 = tpu.memref_slice %arg7[%dma_start3A_37, %dma_start3A_38] : memref<50x128xi32, #tpu.memory_space<vmem>> -> memref<1x128xi32, #tpu.memory_space<vmem>>
    %dma_start3A_40 = tpu.memref_squeeze %dma_start3A_39 : memref<1x128xi32, #tpu.memory_space<vmem>> -> memref<128xi32, #tpu.memory_space<vmem>>
    %dma_start3A_41 = arith.constant 0 : i32
    %dma_start3A_42 = arith.constant 0 : i32
    %dma_start3A_43 = tpu.memref_slice %arg3[%dma_start3A_41, %dma_start3A_42] : memref<100000x128xf32, #tpu.memory_space<hbm>> -> memref<100000x128xf32, #tpu.memory_space<hbm>>
    tpu.enqueue_indirect_dma source(%dma_start3A_43 : memref<100000x128xf32, #tpu.memory_space<hbm>>) target(%arg11 : memref<128x128xf32, #tpu.memory_space<vmem>>) offsets(%dma_start3A_40 : memref<128xi32, #tpu.memory_space<vmem>>) semaphore(%arg16 : memref<!tpu.dma_semaphore, #tpu.memory_space<semaphore_mem>>)
    %dma_wait3A_44 = arith.constant 45 : i32
    %dma_wait3A_45 = arith.constant 0 : i32
    %dma_wait3A_46 = tpu.memref_slice %arg7[%dma_wait3A_44, %dma_wait3A_45] : memref<50x128xi32, #tpu.memory_space<vmem>> -> memref<1x128xi32, #tpu.memory_space<vmem>>
    %dma_wait3A_47 = tpu.memref_squeeze %dma_wait3A_46 : memref<1x128xi32, #tpu.memory_space<vmem>> -> memref<128xi32, #tpu.memory_space<vmem>>
    %dma_wait3A_48 = arith.constant 0 : i32
    %dma_wait3A_49 = arith.constant 0 : i32
    %dma_wait3A_50 = tpu.memref_slice %arg3[%dma_wait3A_48, %dma_wait3A_49] : memref<100000x128xf32, #tpu.memory_space<hbm>> -> memref<100000x128xf32, #tpu.memory_space<hbm>>
    tpu.wait_indirect_dma semaphore(%arg13 : memref<!tpu.dma_semaphore, #tpu.memory_space<semaphore_mem>>) src(%dma_wait3A_50 : memref<100000x128xf32, #tpu.memory_space<hbm>>) dst(%arg8 : memref<128x128xf32, #tpu.memory_space<vmem>>)
    %add3A_51 = arith.constant 45 : i32
    %add3A_52 = arith.addi %mul3A_2, %add3A_51 : i32
    %mul3A_53 = arith.constant 128 : i32
    %mul3A_54 = arith.muli %add3A_52, %mul3A_53 : i32
    %rem3A = arith.constant 200 : i32
    %rem3A_55 = arith.remsi %mul3A_54, %rem3A : i32
    %parallel_loop3A = arith.constant 0 : i32
    %parallel_loop3A_56 = arith.constant 128 : i32
    %parallel_loop3A_57 = arith.constant 1 : i32
    scf.for %parallel_loop3A_239 = %parallel_loop3A to %parallel_loop3A_56 step %parallel_loop3A_57  : i32 {
      %parallel_loop3A_240 = arith.addi %rem3A_55, %parallel_loop3A_239 : i32
      %parallel_loop3A_241 = arith.constant 200 : i32
      %parallel_loop3A_242 = arith.cmpi sge, %parallel_loop3A_240, %parallel_loop3A_241 : i32
      %parallel_loop3A_243 = arith.constant 200 : i32
      %parallel_loop3A_244 = arith.constant 0 : i32
      %parallel_loop3A_245 = arith.select %parallel_loop3A_242, %parallel_loop3A_243, %parallel_loop3A_244 : i32
      %parallel_loop3A_246 = arith.subi %parallel_loop3A_240, %parallel_loop3A_245 : i32
      %parallel_loop3A_247 = arith.index_cast %parallel_loop3A_246 : i32 to index
      %parallel_loop3A_248 = arith.constant 0 : index
      %parallel_loop3A_249 = tpu.vector_load %arg6[%parallel_loop3A_247, %parallel_loop3A_248] {strides = array<i32>} : memref<200x128xf32, #tpu.memory_space<vmem>>, vector<1x16xf32>,
      %parallel_loop3A_250 = vector.shape_cast %parallel_loop3A_249 : vector<1x16xf32> to vector<16xf32>
      %parallel_loop3A_251 = arith.index_cast %parallel_loop3A_239 : i32 to index
      %parallel_loop3A_252 = arith.constant 0 : index
      %parallel_loop3A_253 = tpu.vector_load %arg8[%parallel_loop3A_251, %parallel_loop3A_252] {strides = array<i32>} : memref<128x128xf32, #tpu.memory_space<vmem>>, vector<1x16xf32>,
      %parallel_loop3A_254 = vector.shape_cast %parallel_loop3A_253 : vector<1x16xf32> to vector<16xf32>
      %parallel_loop3A_255 = vector.shape_cast %parallel_loop3A_250 : vector<16xf32> to vector<1x16xf32>
      tpu.vector_store %arg8[%parallel_loop3A_251, %parallel_loop3A_252], %parallel_loop3A_255 {add = true, strides = array<i32>} : memref<128x128xf32, #tpu.memory_space<vmem>>, vector<1x16xf32>,
      %parallel_loop3A_256 = arith.index_cast %parallel_loop3A_246 : i32 to index
      %parallel_loop3A_257 = arith.constant 16 : index
      %parallel_loop3A_258 = tpu.vector_load %arg6[%parallel_loop3A_256, %parallel_loop3A_257] {strides = array<i32>} : memref<200x128xf32, #tpu.memory_space<vmem>>, vector<1x16xf32>,
      %parallel_loop3A_259 = vector.shape_cast %parallel_loop3A_258 : vector<1x16xf32> to vector<16xf32>
      %parallel_loop3A_260 = arith.index_cast %parallel_loop3A_239 : i32 to index
      %parallel_loop3A_261 = arith.constant 16 : index
      %parallel_loop3A_262 = tpu.vector_load %arg8[%parallel_loop3A_260, %parallel_loop3A_261] {strides = array<i32>} : memref<128x128xf32, #tpu.memory_space<vmem>>, vector<1x16xf32>,
      %parallel_loop3A_263 = vector.shape_cast %parallel_loop3A_262 : vector<1x16xf32> to vector<16xf32>
      %parallel_loop3A_264 = vector.shape_cast %parallel_loop3A_259 : vector<16xf32> to vector<1x16xf32>
      tpu.vector_store %arg8[%parallel_loop3A_260, %parallel_loop3A_261], %parallel_loop3A_264 {add = true, strides = array<i32>} : memref<128x128xf32, #tpu.memory_space<vmem>>, vector<1x16xf32>,
      %parallel_loop3A_265 = arith.index_cast %parallel_loop3A_246 : i32 to index
      %parallel_loop3A_266 = arith.constant 32 : index
      %parallel_loop3A_267 = tpu.vector_load %arg6[%parallel_loop3A_265, %parallel_loop3A_266] {strides = array<i32>} : memref<200x128xf32, #tpu.memory_space<vmem>>, vector<1x16xf32>,
      %parallel_loop3A_268 = vector.shape_cast %parallel_loop3A_267 : vector<1x16xf32> to vector<16xf32>
      %parallel_loop3A_269 = arith.index_cast %parallel_loop3A_239 : i32 to index
      %parallel_loop3A_270 = arith.constant 32 : index
      %parallel_loop3A_271 = tpu.vector_load %arg8[%parallel_loop3A_269, %parallel_loop3A_270] {strides = array<i32>} : memref<128x128xf32, #tpu.memory_space<vmem>>, vector<1x16xf32>,
      %parallel_loop3A_272 = vector.shape_cast %parallel_loop3A_271 : vector<1x16xf32> to vector<16xf32>
      %parallel_loop3A_273 = vector.shape_cast %parallel_loop3A_268 : vector<16xf32> to vector<1x16xf32>
      tpu.vector_store %arg8[%parallel_loop3A_269, %parallel_loop3A_270], %parallel_loop3A_273 {add = true, strides = array<i32>} : memref<128x128xf32, #tpu.memory_space<vmem>>, vector<1x16xf32>,
      %parallel_loop3A_274 = arith.index_cast %parallel_loop3A_246 : i32 to index
      %parallel_loop3A_275 = arith.constant 48 : index
      %parallel_loop3A_276 = tpu.vector_load %arg6[%parallel_loop3A_274, %parallel_loop3A_275] {strides = array<i32>} : memref<200x128xf32, #tpu.memory_space<vmem>>, vector<1x16xf32>,
      %parallel_loop3A_277 = vector.shape_cast %parallel_loop3A_276 : vector<1x16xf32> to vector<16xf32>
      %parallel_loop3A_278 = arith.index_cast %parallel_loop3A_239 : i32 to index
      %parallel_loop3A_279 = arith.constant 48 : index
      %parallel_loop3A_280 = tpu.vector_load %arg8[%parallel_loop3A_278, %parallel_loop3A_279] {strides = array<i32>} : memref<128x128xf32, #tpu.memory_space<vmem>>, vector<1x16xf32>,
      %parallel_loop3A_281 = vector.shape_cast %parallel_loop3A_280 : vector<1x16xf32> to vector<16xf32>
      %parallel_loop3A_282 = vector.shape_cast %parallel_loop3A_277 : vector<16xf32> to vector<1x16xf32>
      tpu.vector_store %arg8[%parallel_loop3A_278, %parallel_loop3A_279], %parallel_loop3A_282 {add = true, strides = array<i32>} : memref<128x128xf32, #tpu.memory_space<vmem>>, vector<1x16xf32>,
      %parallel_loop3A_283 = arith.index_cast %parallel_loop3A_246 : i32 to index
      %parallel_loop3A_284 = arith.constant 64 : index
      %parallel_loop3A_285 = tpu.vector_load %arg6[%parallel_loop3A_283, %parallel_loop3A_284] {strides = array<i32>} : memref<200x128xf32, #tpu.memory_space<vmem>>, vector<1x16xf32>,
      %parallel_loop3A_286 = vector.shape_cast %parallel_loop3A_285 : vector<1x16xf32> to vector<16xf32>
      %parallel_loop3A_287 = arith.index_cast %parallel_loop3A_239 : i32 to index
      %parallel_loop3A_288 = arith.constant 64 : index
      %parallel_loop3A_289 = tpu.vector_load %arg8[%parallel_loop3A_287, %parallel_loop3A_288] {strides = array<i32>} : memref<128x128xf32, #tpu.memory_space<vmem>>, vector<1x16xf32>,
      %parallel_loop3A_290 = vector.shape_cast %parallel_loop3A_289 : vector<1x16xf32> to vector<16xf32>
      %parallel_loop3A_291 = vector.shape_cast %parallel_loop3A_286 : vector<16xf32> to vector<1x16xf32>
      tpu.vector_store %arg8[%parallel_loop3A_287, %parallel_loop3A_288], %parallel_loop3A_291 {add = true, strides = array<i32>} : memref<128x128xf32, #tpu.memory_space<vmem>>, vector<1x16xf32>,
      %parallel_loop3A_292 = arith.index_cast %parallel_loop3A_246 : i32 to index
      %parallel_loop3A_293 = arith.constant 80 : index
      %parallel_loop3A_294 = tpu.vector_load %arg6[%parallel_loop3A_292, %parallel_loop3A_293] {strides = array<i32>} : memref<200x128xf32, #tpu.memory_space<vmem>>, vector<1x16xf32>,
      %parallel_loop3A_295 = vector.shape_cast %parallel_loop3A_294 : vector<1x16xf32> to vector<16xf32>
      %parallel_loop3A_296 = arith.index_cast %parallel_loop3A_239 : i32 to index
      %parallel_loop3A_297 = arith.constant 80 : index
      %parallel_loop3A_298 = tpu.vector_load %arg8[%parallel_loop3A_296, %parallel_loop3A_297] {strides = array<i32>} : memref<128x128xf32, #tpu.memory_space<vmem>>, vector<1x16xf32>,
      %parallel_loop3A_299 = vector.shape_cast %parallel_loop3A_298 : vector<1x16xf32> to vector<16xf32>
      %parallel_loop3A_300 = vector.shape_cast %parallel_loop3A_295 : vector<16xf32> to vector<1x16xf32>
      tpu.vector_store %arg8[%parallel_loop3A_296, %parallel_loop3A_297], %parallel_loop3A_300 {add = true, strides = array<i32>} : memref<128x128xf32, #tpu.memory_space<vmem>>, vector<1x16xf32>,
      %parallel_loop3A_301 = arith.index_cast %parallel_loop3A_246 : i32 to index
      %parallel_loop3A_302 = arith.constant 96 : index
      %parallel_loop3A_303 = tpu.vector_load %arg6[%parallel_loop3A_301, %parallel_loop3A_302] {strides = array<i32>} : memref<200x128xf32, #tpu.memory_space<vmem>>, vector<1x16xf32>,
      %parallel_loop3A_304 = vector.shape_cast %parallel_loop3A_303 : vector<1x16xf32> to vector<16xf32>
      %parallel_loop3A_305 = arith.index_cast %parallel_loop3A_239 : i32 to index
      %parallel_loop3A_306 = arith.constant 96 : index
      %parallel_loop3A_307 = tpu.vector_load %arg8[%parallel_loop3A_305, %parallel_loop3A_306] {strides = array<i32>} : memref<128x128xf32, #tpu.memory_space<vmem>>, vector<1x16xf32>,
      %parallel_loop3A_308 = vector.shape_cast %parallel_loop3A_307 : vector<1x16xf32> to vector<16xf32>
      %parallel_loop3A_309 = vector.shape_cast %parallel_loop3A_304 : vector<16xf32> to vector<1x16xf32>
      tpu.vector_store %arg8[%parallel_loop3A_305, %parallel_loop3A_306], %parallel_loop3A_309 {add = true, strides = array<i32>} : memref<128x128xf32, #tpu.memory_space<vmem>>, vector<1x16xf32>,
      %parallel_loop3A_310 = arith.index_cast %parallel_loop3A_246 : i32 to index
      %parallel_loop3A_311 = arith.constant 112 : index
      %parallel_loop3A_312 = tpu.vector_load %arg6[%parallel_loop3A_310, %parallel_loop3A_311] {strides = array<i32>} : memref<200x128xf32, #tpu.memory_space<vmem>>, vector<1x16xf32>,
      %parallel_loop3A_313 = vector.shape_cast %parallel_loop3A_312 : vector<1x16xf32> to vector<16xf32>
      %parallel_loop3A_314 = arith.index_cast %parallel_loop3A_239 : i32 to index
      %parallel_loop3A_315 = arith.constant 112 : index
      %parallel_loop3A_316 = tpu.vector_load %arg8[%parallel_loop3A_314, %parallel_loop3A_315] {strides = array<i32>} : memref<128x128xf32, #tpu.memory_space<vmem>>, vector<1x16xf32>,
      %parallel_loop3A_317 = vector.shape_cast %parallel_loop3A_316 : vector<1x16xf32> to vector<16xf32>
      %parallel_loop3A_318 = vector.shape_cast %parallel_loop3A_313 : vector<16xf32> to vector<1x16xf32>
      tpu.vector_store %arg8[%parallel_loop3A_314, %parallel_loop3A_315], %parallel_loop3A_318 {add = true, strides = array<i32>} : memref<128x128xf32, #tpu.memory_space<vmem>>, vector<1x16xf32>,
    } {sc.loop_unroll_factor = 1 : i64, sc.parallel_access}
    %add3A_58 = arith.constant 45 : i32
    %add3A_59 = arith.addi %mul3A_2, %add3A_58 : i32
    %dma_start3A_60 = arith.constant 0 : i32
    %dma_start3A_61 = arith.constant 0 : i32
    %dma_start3A_62 = tpu.memref_slice %arg5[%add3A_59, %dma_start3A_60, %dma_start3A_61] : memref<1600x128x128xf32, #tpu.memory_space<hbm>> -> memref<1x128x128xf32, #tpu.memory_space<hbm>>
    %dma_start3A_63 = tpu.memref_squeeze %dma_start3A_62 : memref<1x128x128xf32, #tpu.memory_space<hbm>> -> memref<128x128xf32, #tpu.memory_space<hbm>>
    %dma_start3A_64 = arith.constant 0 : i32
    %dma_start3A_65 = arith.constant 0 : i32
    %dma_start3A_66 = tpu.memref_slice %arg5[%add3A_59, %dma_start3A_64, %dma_start3A_65] : memref<1600x128x128xf32, #tpu.memory_space<hbm>> -> memref<1x128x128xf32, #tpu.memory_space<hbm>>
    %dma_start3A_67 = tpu.memref_squeeze %dma_start3A_66 : memref<1x128x128xf32, #tpu.memory_space<hbm>> -> memref<128x128xf32, #tpu.memory_space<hbm>>
    tpu.enqueue_dma source(%arg8 : memref<128x128xf32, #tpu.memory_space<vmem>>) target(%dma_start3A_67 : memref<128x128xf32, #tpu.memory_space<hbm>>) target_semaphore(%arg18 : memref<!tpu.dma_semaphore, #tpu.memory_space<semaphore_mem>>)
    %add3A_68 = arith.constant 44 : i32
    %add3A_69 = arith.addi %mul3A_2, %add3A_68 : i32
    %dma_wait3A_70 = arith.constant 0 : i32
    %dma_wait3A_71 = arith.constant 0 : i32
    %dma_wait3A_72 = tpu.memref_slice %arg5[%add3A_69, %dma_wait3A_70, %dma_wait3A_71] : memref<1600x128x128xf32, #tpu.memory_space<hbm>> -> memref<1x128x128xf32, #tpu.memory_space<hbm>>
    %dma_wait3A_73 = tpu.memref_squeeze %dma_wait3A_72 : memref<1x128x128xf32, #tpu.memory_space<hbm>> -> memref<128x128xf32, #tpu.memory_space<hbm>>
    %dma_wait3A_74 = arith.constant 0 : i32
    %dma_wait3A_75 = arith.constant 0 : i32
    %dma_wait3A_76 = tpu.memref_slice %arg5[%add3A_69, %dma_wait3A_74, %dma_wait3A_75] : memref<1600x128x128xf32, #tpu.memory_space<hbm>> -> memref<1x128x128xf32, #tpu.memory_space<hbm>>
    %dma_wait3A_77 = tpu.memref_squeeze %dma_wait3A_76 : memref<1x128x128xf32, #tpu.memory_space<hbm>> -> memref<128x128xf32, #tpu.memory_space<hbm>>
    tpu.wait_dma2 semaphore(%arg22 : memref<!tpu.dma_semaphore, #tpu.memory_space<semaphore_mem>>) src(%arg12 : memref<128x128xf32, #tpu.memory_space<vmem>>) dst(%dma_wait3A_77 : memref<128x128xf32, #tpu.memory_space<hbm>>)
    %dma_start3A_78 = arith.constant 49 : i32
    %dma_start3A_79 = arith.constant 0 : i32
    %dma_start3A_80 = tpu.memref_slice %arg7[%dma_start3A_78, %dma_start3A_79] : memref<50x128xi32, #tpu.memory_space<vmem>> -> memref<1x128xi32, #tpu.memory_space<vmem>>
    %dma_start3A_81 = tpu.memref_squeeze %dma_start3A_80 : memref<1x128xi32, #tpu.memory_space<vmem>> -> memref<128xi32, #tpu.memory_space<vmem>>
    %dma_start3A_82 = arith.constant 0 : i32
    %dma_start3A_83 = arith.constant 0 : i32
    %dma_start3A_84 = tpu.memref_slice %arg3[%dma_start3A_82, %dma_start3A_83] : memref<100000x128xf32, #tpu.memory_space<hbm>> -> memref<100000x128xf32, #tpu.memory_space<hbm>>
    tpu.enqueue_indirect_dma source(%dma_start3A_84 : memref<100000x128xf32, #tpu.memory_space<hbm>>) target(%arg12 : memref<128x128xf32, #tpu.memory_space<vmem>>) offsets(%dma_start3A_81 : memref<128xi32, #tpu.memory_space<vmem>>) semaphore(%arg17 : memref<!tpu.dma_semaphore, #tpu.memory_space<semaphore_mem>>)
    %dma_wait3A_85 = arith.constant 46 : i32
    %dma_wait3A_86 = arith.constant 0 : i32
    %dma_wait3A_87 = tpu.memref_slice %arg7[%dma_wait3A_85, %dma_wait3A_86] : memref<50x128xi32, #tpu.memory_space<vmem>> -> memref<1x128xi32, #tpu.memory_space<vmem>>
    %dma_wait3A_88 = tpu.memref_squeeze %dma_wait3A_87 : memref<1x128xi32, #tpu.memory_space<vmem>> -> memref<128xi32, #tpu.memory_space<vmem>>
    %dma_wait3A_89 = arith.constant 0 : i32
    %dma_wait3A_90 = arith.constant 0 : i32
    %dma_wait3A_91 = tpu.memref_slice %arg3[%dma_wait3A_89, %dma_wait3A_90] : memref<100000x128xf32, #tpu.memory_space<hbm>> -> memref<100000x128xf32, #tpu.memory_space<hbm>>
    tpu.wait_indirect_dma semaphore(%arg14 : memref<!tpu.dma_semaphore, #tpu.memory_space<semaphore_mem>>) src(%dma_wait3A_91 : memref<100000x128xf32, #tpu.memory_space<hbm>>) dst(%arg9 : memref<128x128xf32, #tpu.memory_space<vmem>>)
    %add3A_92 = arith.constant 46 : i32
    %add3A_93 = arith.addi %mul3A_2, %add3A_92 : i32
    %mul3A_94 = arith.constant 128 : i32
    %mul3A_95 = arith.muli %add3A_93, %mul3A_94 : i32
    %rem3A_96 = arith.constant 200 : i32
    %rem3A_97 = arith.remsi %mul3A_95, %rem3A_96 : i32
    %parallel_loop3A_98 = arith.constant 0 : i32
    %parallel_loop3A_99 = arith.constant 128 : i32
    %parallel_loop3A_100 = arith.constant 1 : i32
    scf.for %parallel_loop3A_239 = %parallel_loop3A_98 to %parallel_loop3A_99 step %parallel_loop3A_100  : i32 {
      %parallel_loop3A_240 = arith.addi %rem3A_97, %parallel_loop3A_239 : i32
      %parallel_loop3A_241 = arith.constant 200 : i32
      %parallel_loop3A_242 = arith.cmpi sge, %parallel_loop3A_240, %parallel_loop3A_241 : i32
      %parallel_loop3A_243 = arith.constant 200 : i32
      %parallel_loop3A_244 = arith.constant 0 : i32
      %parallel_loop3A_245 = arith.select %parallel_loop3A_242, %parallel_loop3A_243, %parallel_loop3A_244 : i32
      %parallel_loop3A_246 = arith.subi %parallel_loop3A_240, %parallel_loop3A_245 : i32
      %parallel_loop3A_247 = arith.index_cast %parallel_loop3A_246 : i32 to index
      %parallel_loop3A_248 = arith.constant 0 : index
      %parallel_loop3A_249 = tpu.vector_load %arg6[%parallel_loop3A_247, %parallel_loop3A_248] {strides = array<i32>} : memref<200x128xf32, #tpu.memory_space<vmem>>, vector<1x16xf32>,
      %parallel_loop3A_250 = vector.shape_cast %parallel_loop3A_249 : vector<1x16xf32> to vector<16xf32>
      %parallel_loop3A_251 = arith.index_cast %parallel_loop3A_239 : i32 to index
      %parallel_loop3A_252 = arith.constant 0 : index
      %parallel_loop3A_253 = tpu.vector_load %arg9[%parallel_loop3A_251, %parallel_loop3A_252] {strides = array<i32>} : memref<128x128xf32, #tpu.memory_space<vmem>>, vector<1x16xf32>,
      %parallel_loop3A_254 = vector.shape_cast %parallel_loop3A_253 : vector<1x16xf32> to vector<16xf32>
      %parallel_loop3A_255 = vector.shape_cast %parallel_loop3A_250 : vector<16xf32> to vector<1x16xf32>
      tpu.vector_store %arg9[%parallel_loop3A_251, %parallel_loop3A_252], %parallel_loop3A_255 {add = true, strides = array<i32>} : memref<128x128xf32, #tpu.memory_space<vmem>>, vector<1x16xf32>,
      %parallel_loop3A_256 = arith.index_cast %parallel_loop3A_246 : i32 to index
      %parallel_loop3A_257 = arith.constant 16 : index
      %parallel_loop3A_258 = tpu.vector_load %arg6[%parallel_loop3A_256, %parallel_loop3A_257] {strides = array<i32>} : memref<200x128xf32, #tpu.memory_space<vmem>>, vector<1x16xf32>,
      %parallel_loop3A_259 = vector.shape_cast %parallel_loop3A_258 : vector<1x16xf32> to vector<16xf32>
      %parallel_loop3A_260 = arith.index_cast %parallel_loop3A_239 : i32 to index
      %parallel_loop3A_261 = arith.constant 16 : index
      %parallel_loop3A_262 = tpu.vector_load %arg9[%parallel_loop3A_260, %parallel_loop3A_261] {strides = array<i32>} : memref<128x128xf32, #tpu.memory_space<vmem>>, vector<1x16xf32>,
      %parallel_loop3A_263 = vector.shape_cast %parallel_loop3A_262 : vector<1x16xf32> to vector<16xf32>
      %parallel_loop3A_264 = vector.shape_cast %parallel_loop3A_259 : vector<16xf32> to vector<1x16xf32>
      tpu.vector_store %arg9[%parallel_loop3A_260, %parallel_loop3A_261], %parallel_loop3A_264 {add = true, strides = array<i32>} : memref<128x128xf32, #tpu.memory_space<vmem>>, vector<1x16xf32>,
      %parallel_loop3A_265 = arith.index_cast %parallel_loop3A_246 : i32 to index
      %parallel_loop3A_266 = arith.constant 32 : index
      %parallel_loop3A_267 = tpu.vector_load %arg6[%parallel_loop3A_265, %parallel_loop3A_266] {strides = array<i32>} : memref<200x128xf32, #tpu.memory_space<vmem>>, vector<1x16xf32>,
      %parallel_loop3A_268 = vector.shape_cast %parallel_loop3A_267 : vector<1x16xf32> to vector<16xf32>
      %parallel_loop3A_269 = arith.index_cast %parallel_loop3A_239 : i32 to index
      %parallel_loop3A_270 = arith.constant 32 : index
      %parallel_loop3A_271 = tpu.vector_load %arg9[%parallel_loop3A_269, %parallel_loop3A_270] {strides = array<i32>} : memref<128x128xf32, #tpu.memory_space<vmem>>, vector<1x16xf32>,
      %parallel_loop3A_272 = vector.shape_cast %parallel_loop3A_271 : vector<1x16xf32> to vector<16xf32>
      %parallel_loop3A_273 = vector.shape_cast %parallel_loop3A_268 : vector<16xf32> to vector<1x16xf32>
      tpu.vector_store %arg9[%parallel_loop3A_269, %parallel_loop3A_270], %parallel_loop3A_273 {add = true, strides = array<i32>} : memref<128x128xf32, #tpu.memory_space<vmem>>, vector<1x16xf32>,
      %parallel_loop3A_274 = arith.index_cast %parallel_loop3A_246 : i32 to index
      %parallel_loop3A_275 = arith.constant 48 : index
      %parallel_loop3A_276 = tpu.vector_load %arg6[%parallel_loop3A_274, %parallel_loop3A_275] {strides = array<i32>} : memref<200x128xf32, #tpu.memory_space<vmem>>, vector<1x16xf32>,
      %parallel_loop3A_277 = vector.shape_cast %parallel_loop3A_276 : vector<1x16xf32> to vector<16xf32>
      %parallel_loop3A_278 = arith.index_cast %parallel_loop3A_239 : i32 to index
      %parallel_loop3A_279 = arith.constant 48 : index
      %parallel_loop3A_280 = tpu.vector_load %arg9[%parallel_loop3A_278, %parallel_loop3A_279] {strides = array<i32>} : memref<128x128xf32, #tpu.memory_space<vmem>>, vector<1x16xf32>,
      %parallel_loop3A_281 = vector.shape_cast %parallel_loop3A_280 : vector<1x16xf32> to vector<16xf32>
      %parallel_loop3A_282 = vector.shape_cast %parallel_loop3A_277 : vector<16xf32> to vector<1x16xf32>
      tpu.vector_store %arg9[%parallel_loop3A_278, %parallel_loop3A_279], %parallel_loop3A_282 {add = true, strides = array<i32>} : memref<128x128xf32, #tpu.memory_space<vmem>>, vector<1x16xf32>,
      %parallel_loop3A_283 = arith.index_cast %parallel_loop3A_246 : i32 to index
      %parallel_loop3A_284 = arith.constant 64 : index
      %parallel_loop3A_285 = tpu.vector_load %arg6[%parallel_loop3A_283, %parallel_loop3A_284] {strides = array<i32>} : memref<200x128xf32, #tpu.memory_space<vmem>>, vector<1x16xf32>,
      %parallel_loop3A_286 = vector.shape_cast %parallel_loop3A_285 : vector<1x16xf32> to vector<16xf32>
      %parallel_loop3A_287 = arith.index_cast %parallel_loop3A_239 : i32 to index
      %parallel_loop3A_288 = arith.constant 64 : index
      %parallel_loop3A_289 = tpu.vector_load %arg9[%parallel_loop3A_287, %parallel_loop3A_288] {strides = array<i32>} : memref<128x128xf32, #tpu.memory_space<vmem>>, vector<1x16xf32>,
      %parallel_loop3A_290 = vector.shape_cast %parallel_loop3A_289 : vector<1x16xf32> to vector<16xf32>
      %parallel_loop3A_291 = vector.shape_cast %parallel_loop3A_286 : vector<16xf32> to vector<1x16xf32>
      tpu.vector_store %arg9[%parallel_loop3A_287, %parallel_loop3A_288], %parallel_loop3A_291 {add = true, strides = array<i32>} : memref<128x128xf32, #tpu.memory_space<vmem>>, vector<1x16xf32>,
      %parallel_loop3A_292 = arith.index_cast %parallel_loop3A_246 : i32 to index
      %parallel_loop3A_293 = arith.constant 80 : index
      %parallel_loop3A_294 = tpu.vector_load %arg6[%parallel_loop3A_292, %parallel_loop3A_293] {strides = array<i32>} : memref<200x128xf32, #tpu.memory_space<vmem>>, vector<1x16xf32>,
      %parallel_loop3A_295 = vector.shape_cast %parallel_loop3A_294 : vector<1x16xf32> to vector<16xf32>
      %parallel_loop3A_296 = arith.index_cast %parallel_loop3A_239 : i32 to index
      %parallel_loop3A_297 = arith.constant 80 : index
      %parallel_loop3A_298 = tpu.vector_load %arg9[%parallel_loop3A_296, %parallel_loop3A_297] {strides = array<i32>} : memref<128x128xf32, #tpu.memory_space<vmem>>, vector<1x16xf32>,
      %parallel_loop3A_299 = vector.shape_cast %parallel_loop3A_298 : vector<1x16xf32> to vector<16xf32>
      %parallel_loop3A_300 = vector.shape_cast %parallel_loop3A_295 : vector<16xf32> to vector<1x16xf32>
      tpu.vector_store %arg9[%parallel_loop3A_296, %parallel_loop3A_297], %parallel_loop3A_300 {add = true, strides = array<i32>} : memref<128x128xf32, #tpu.memory_space<vmem>>, vector<1x16xf32>,
      %parallel_loop3A_301 = arith.index_cast %parallel_loop3A_246 : i32 to index
      %parallel_loop3A_302 = arith.constant 96 : index
      %parallel_loop3A_303 = tpu.vector_load %arg6[%parallel_loop3A_301, %parallel_loop3A_302] {strides = array<i32>} : memref<200x128xf32, #tpu.memory_space<vmem>>, vector<1x16xf32>,
      %parallel_loop3A_304 = vector.shape_cast %parallel_loop3A_303 : vector<1x16xf32> to vector<16xf32>
      %parallel_loop3A_305 = arith.index_cast %parallel_loop3A_239 : i32 to index
      %parallel_loop3A_306 = arith.constant 96 : index
      %parallel_loop3A_307 = tpu.vector_load %arg9[%parallel_loop3A_305, %parallel_loop3A_306] {strides = array<i32>} : memref<128x128xf32, #tpu.memory_space<vmem>>, vector<1x16xf32>,
      %parallel_loop3A_308 = vector.shape_cast %parallel_loop3A_307 : vector<1x16xf32> to vector<16xf32>
      %parallel_loop3A_309 = vector.shape_cast %parallel_loop3A_304 : vector<16xf32> to vector<1x16xf32>
      tpu.vector_store %arg9[%parallel_loop3A_305, %parallel_loop3A_306], %parallel_loop3A_309 {add = true, strides = array<i32>} : memref<128x128xf32, #tpu.memory_space<vmem>>, vector<1x16xf32>,
      %parallel_loop3A_310 = arith.index_cast %parallel_loop3A_246 : i32 to index
      %parallel_loop3A_311 = arith.constant 112 : index
      %parallel_loop3A_312 = tpu.vector_load %arg6[%parallel_loop3A_310, %parallel_loop3A_311] {strides = array<i32>} : memref<200x128xf32, #tpu.memory_space<vmem>>, vector<1x16xf32>,
      %parallel_loop3A_313 = vector.shape_cast %parallel_loop3A_312 : vector<1x16xf32> to vector<16xf32>
      %parallel_loop3A_314 = arith.index_cast %parallel_loop3A_239 : i32 to index
      %parallel_loop3A_315 = arith.constant 112 : index
      %parallel_loop3A_316 = tpu.vector_load %arg9[%parallel_loop3A_314, %parallel_loop3A_315] {strides = array<i32>} : memref<128x128xf32, #tpu.memory_space<vmem>>, vector<1x16xf32>,
      %parallel_loop3A_317 = vector.shape_cast %parallel_loop3A_316 : vector<1x16xf32> to vector<16xf32>
      %parallel_loop3A_318 = vector.shape_cast %parallel_loop3A_313 : vector<16xf32> to vector<1x16xf32>
      tpu.vector_store %arg9[%parallel_loop3A_314, %parallel_loop3A_315], %parallel_loop3A_318 {add = true, strides = array<i32>} : memref<128x128xf32, #tpu.memory_space<vmem>>, vector<1x16xf32>,
    } {sc.loop_unroll_factor = 1 : i64, sc.parallel_access}
    %add3A_101 = arith.constant 46 : i32
    %add3A_102 = arith.addi %mul3A_2, %add3A_101 : i32
    %dma_start3A_103 = arith.constant 0 : i32
    %dma_start3A_104 = arith.constant 0 : i32
    %dma_start3A_105 = tpu.memref_slice %arg5[%add3A_102, %dma_start3A_103, %dma_start3A_104] : memref<1600x128x128xf32, #tpu.memory_space<hbm>> -> memref<1x128x128xf32, #tpu.memory_space<hbm>>
    %dma_start3A_106 = tpu.memref_squeeze %dma_start3A_105 : memref<1x128x128xf32, #tpu.memory_space<hbm>> -> memref<128x128xf32, #tpu.memory_space<hbm>>
    %dma_start3A_107 = arith.constant 0 : i32
    %dma_start3A_108 = arith.constant 0 : i32
    %dma_start3A_109 = tpu.memref_slice %arg5[%add3A_102, %dma_start3A_107, %dma_start3A_108] : memref<1600x128x128xf32, #tpu.memory_space<hbm>> -> memref<1x128x128xf32, #tpu.memory_space<hbm>>
    %dma_start3A_110 = tpu.memref_squeeze %dma_start3A_109 : memref<1x128x128xf32, #tpu.memory_space<hbm>> -> memref<128x128xf32, #tpu.memory_space<hbm>>
    tpu.enqueue_dma source(%arg9 : memref<128x128xf32, #tpu.memory_space<vmem>>) target(%dma_start3A_110 : memref<128x128xf32, #tpu.memory_space<hbm>>) target_semaphore(%arg19 : memref<!tpu.dma_semaphore, #tpu.memory_space<semaphore_mem>>)
    %dma_wait3A_111 = arith.constant 47 : i32
    %dma_wait3A_112 = arith.constant 0 : i32
    %dma_wait3A_113 = tpu.memref_slice %arg7[%dma_wait3A_111, %dma_wait3A_112] : memref<50x128xi32, #tpu.memory_space<vmem>> -> memref<1x128xi32, #tpu.memory_space<vmem>>
    %dma_wait3A_114 = tpu.memref_squeeze %dma_wait3A_113 : memref<1x128xi32, #tpu.memory_space<vmem>> -> memref<128xi32, #tpu.memory_space<vmem>>
    %dma_wait3A_115 = arith.constant 0 : i32
    %dma_wait3A_116 = arith.constant 0 : i32
    %dma_wait3A_117 = tpu.memref_slice %arg3[%dma_wait3A_115, %dma_wait3A_116] : memref<100000x128xf32, #tpu.memory_space<hbm>> -> memref<100000x128xf32, #tpu.memory_space<hbm>>
    tpu.wait_indirect_dma semaphore(%arg15 : memref<!tpu.dma_semaphore, #tpu.memory_space<semaphore_mem>>) src(%dma_wait3A_117 : memref<100000x128xf32, #tpu.memory_space<hbm>>) dst(%arg10 : memref<128x128xf32, #tpu.memory_space<vmem>>)
    %add3A_118 = arith.constant 47 : i32
    %add3A_119 = arith.addi %mul3A_2, %add3A_118 : i32
    %mul3A_120 = arith.constant 128 : i32
    %mul3A_121 = arith.muli %add3A_119, %mul3A_120 : i32
    %rem3A_122 = arith.constant 200 : i32
    %rem3A_123 = arith.remsi %mul3A_121, %rem3A_122 : i32
    %parallel_loop3A_124 = arith.constant 0 : i32
    %parallel_loop3A_125 = arith.constant 128 : i32
    %parallel_loop3A_126 = arith.constant 1 : i32
    scf.for %parallel_loop3A_239 = %parallel_loop3A_124 to %parallel_loop3A_125 step %parallel_loop3A_126  : i32 {
      %parallel_loop3A_240 = arith.addi %rem3A_123, %parallel_loop3A_239 : i32
      %parallel_loop3A_241 = arith.constant 200 : i32
      %parallel_loop3A_242 = arith.cmpi sge, %parallel_loop3A_240, %parallel_loop3A_241 : i32
      %parallel_loop3A_243 = arith.constant 200 : i32
      %parallel_loop3A_244 = arith.constant 0 : i32
      %parallel_loop3A_245 = arith.select %parallel_loop3A_242, %parallel_loop3A_243, %parallel_loop3A_244 : i32
      %parallel_loop3A_246 = arith.subi %parallel_loop3A_240, %parallel_loop3A_245 : i32
      %parallel_loop3A_247 = arith.index_cast %parallel_loop3A_246 : i32 to index
      %parallel_loop3A_248 = arith.constant 0 : index
      %parallel_loop3A_249 = tpu.vector_load %arg6[%parallel_loop3A_247, %parallel_loop3A_248] {strides = array<i32>} : memref<200x128xf32, #tpu.memory_space<vmem>>, vector<1x16xf32>,
      %parallel_loop3A_250 = vector.shape_cast %parallel_loop3A_249 : vector<1x16xf32> to vector<16xf32>
      %parallel_loop3A_251 = arith.index_cast %parallel_loop3A_239 : i32 to index
      %parallel_loop3A_252 = arith.constant 0 : index
      %parallel_loop3A_253 = tpu.vector_load %arg10[%parallel_loop3A_251, %parallel_loop3A_252] {strides = array<i32>} : memref<128x128xf32, #tpu.memory_space<vmem>>, vector<1x16xf32>,
      %parallel_loop3A_254 = vector.shape_cast %parallel_loop3A_253 : vector<1x16xf32> to vector<16xf32>
      %parallel_loop3A_255 = vector.shape_cast %parallel_loop3A_250 : vector<16xf32> to vector<1x16xf32>
      tpu.vector_store %arg10[%parallel_loop3A_251, %parallel_loop3A_252], %parallel_loop3A_255 {add = true, strides = array<i32>} : memref<128x128xf32, #tpu.memory_space<vmem>>, vector<1x16xf32>,
      %parallel_loop3A_256 = arith.index_cast %parallel_loop3A_246 : i32 to index
      %parallel_loop3A_257 = arith.constant 16 : index
      %parallel_loop3A_258 = tpu.vector_load %arg6[%parallel_loop3A_256, %parallel_loop3A_257] {strides = array<i32>} : memref<200x128xf32, #tpu.memory_space<vmem>>, vector<1x16xf32>,
      %parallel_loop3A_259 = vector.shape_cast %parallel_loop3A_258 : vector<1x16xf32> to vector<16xf32>
      %parallel_loop3A_260 = arith.index_cast %parallel_loop3A_239 : i32 to index
      %parallel_loop3A_261 = arith.constant 16 : index
      %parallel_loop3A_262 = tpu.vector_load %arg10[%parallel_loop3A_260, %parallel_loop3A_261] {strides = array<i32>} : memref<128x128xf32, #tpu.memory_space<vmem>>, vector<1x16xf32>,
      %parallel_loop3A_263 = vector.shape_cast %parallel_loop3A_262 : vector<1x16xf32> to vector<16xf32>
      %parallel_loop3A_264 = vector.shape_cast %parallel_loop3A_259 : vector<16xf32> to vector<1x16xf32>
      tpu.vector_store %arg10[%parallel_loop3A_260, %parallel_loop3A_261], %parallel_loop3A_264 {add = true, strides = array<i32>} : memref<128x128xf32, #tpu.memory_space<vmem>>, vector<1x16xf32>,
      %parallel_loop3A_265 = arith.index_cast %parallel_loop3A_246 : i32 to index
      %parallel_loop3A_266 = arith.constant 32 : index
      %parallel_loop3A_267 = tpu.vector_load %arg6[%parallel_loop3A_265, %parallel_loop3A_266] {strides = array<i32>} : memref<200x128xf32, #tpu.memory_space<vmem>>, vector<1x16xf32>,
      %parallel_loop3A_268 = vector.shape_cast %parallel_loop3A_267 : vector<1x16xf32> to vector<16xf32>
      %parallel_loop3A_269 = arith.index_cast %parallel_loop3A_239 : i32 to index
      %parallel_loop3A_270 = arith.constant 32 : index
      %parallel_loop3A_271 = tpu.vector_load %arg10[%parallel_loop3A_269, %parallel_loop3A_270] {strides = array<i32>} : memref<128x128xf32, #tpu.memory_space<vmem>>, vector<1x16xf32>,
      %parallel_loop3A_272 = vector.shape_cast %parallel_loop3A_271 : vector<1x16xf32> to vector<16xf32>
      %parallel_loop3A_273 = vector.shape_cast %parallel_loop3A_268 : vector<16xf32> to vector<1x16xf32>
      tpu.vector_store %arg10[%parallel_loop3A_269, %parallel_loop3A_270], %parallel_loop3A_273 {add = true, strides = array<i32>} : memref<128x128xf32, #tpu.memory_space<vmem>>, vector<1x16xf32>,
      %parallel_loop3A_274 = arith.index_cast %parallel_loop3A_246 : i32 to index
      %parallel_loop3A_275 = arith.constant 48 : index
      %parallel_loop3A_276 = tpu.vector_load %arg6[%parallel_loop3A_274, %parallel_loop3A_275] {strides = array<i32>} : memref<200x128xf32, #tpu.memory_space<vmem>>, vector<1x16xf32>,
      %parallel_loop3A_277 = vector.shape_cast %parallel_loop3A_276 : vector<1x16xf32> to vector<16xf32>
      %parallel_loop3A_278 = arith.index_cast %parallel_loop3A_239 : i32 to index
      %parallel_loop3A_279 = arith.constant 48 : index
      %parallel_loop3A_280 = tpu.vector_load %arg10[%parallel_loop3A_278, %parallel_loop3A_279] {strides = array<i32>} : memref<128x128xf32, #tpu.memory_space<vmem>>, vector<1x16xf32>,
      %parallel_loop3A_281 = vector.shape_cast %parallel_loop3A_280 : vector<1x16xf32> to vector<16xf32>
      %parallel_loop3A_282 = vector.shape_cast %parallel_loop3A_277 : vector<16xf32> to vector<1x16xf32>
      tpu.vector_store %arg10[%parallel_loop3A_278, %parallel_loop3A_279], %parallel_loop3A_282 {add = true, strides = array<i32>} : memref<128x128xf32, #tpu.memory_space<vmem>>, vector<1x16xf32>,
      %parallel_loop3A_283 = arith.index_cast %parallel_loop3A_246 : i32 to index
      %parallel_loop3A_284 = arith.constant 64 : index
      %parallel_loop3A_285 = tpu.vector_load %arg6[%parallel_loop3A_283, %parallel_loop3A_284] {strides = array<i32>} : memref<200x128xf32, #tpu.memory_space<vmem>>, vector<1x16xf32>,
      %parallel_loop3A_286 = vector.shape_cast %parallel_loop3A_285 : vector<1x16xf32> to vector<16xf32>
      %parallel_loop3A_287 = arith.index_cast %parallel_loop3A_239 : i32 to index
      %parallel_loop3A_288 = arith.constant 64 : index
      %parallel_loop3A_289 = tpu.vector_load %arg10[%parallel_loop3A_287, %parallel_loop3A_288] {strides = array<i32>} : memref<128x128xf32, #tpu.memory_space<vmem>>, vector<1x16xf32>,
      %parallel_loop3A_290 = vector.shape_cast %parallel_loop3A_289 : vector<1x16xf32> to vector<16xf32>
      %parallel_loop3A_291 = vector.shape_cast %parallel_loop3A_286 : vector<16xf32> to vector<1x16xf32>
      tpu.vector_store %arg10[%parallel_loop3A_287, %parallel_loop3A_288], %parallel_loop3A_291 {add = true, strides = array<i32>} : memref<128x128xf32, #tpu.memory_space<vmem>>, vector<1x16xf32>,
      %parallel_loop3A_292 = arith.index_cast %parallel_loop3A_246 : i32 to index
      %parallel_loop3A_293 = arith.constant 80 : index
      %parallel_loop3A_294 = tpu.vector_load %arg6[%parallel_loop3A_292, %parallel_loop3A_293] {strides = array<i32>} : memref<200x128xf32, #tpu.memory_space<vmem>>, vector<1x16xf32>,
      %parallel_loop3A_295 = vector.shape_cast %parallel_loop3A_294 : vector<1x16xf32> to vector<16xf32>
      %parallel_loop3A_296 = arith.index_cast %parallel_loop3A_239 : i32 to index
      %parallel_loop3A_297 = arith.constant 80 : index
      %parallel_loop3A_298 = tpu.vector_load %arg10[%parallel_loop3A_296, %parallel_loop3A_297] {strides = array<i32>} : memref<128x128xf32, #tpu.memory_space<vmem>>, vector<1x16xf32>,
      %parallel_loop3A_299 = vector.shape_cast %parallel_loop3A_298 : vector<1x16xf32> to vector<16xf32>
      %parallel_loop3A_300 = vector.shape_cast %parallel_loop3A_295 : vector<16xf32> to vector<1x16xf32>
      tpu.vector_store %arg10[%parallel_loop3A_296, %parallel_loop3A_297], %parallel_loop3A_300 {add = true, strides = array<i32>} : memref<128x128xf32, #tpu.memory_space<vmem>>, vector<1x16xf32>,
      %parallel_loop3A_301 = arith.index_cast %parallel_loop3A_246 : i32 to index
      %parallel_loop3A_302 = arith.constant 96 : index
      %parallel_loop3A_303 = tpu.vector_load %arg6[%parallel_loop3A_301, %parallel_loop3A_302] {strides = array<i32>} : memref<200x128xf32, #tpu.memory_space<vmem>>, vector<1x16xf32>,
      %parallel_loop3A_304 = vector.shape_cast %parallel_loop3A_303 : vector<1x16xf32> to vector<16xf32>
      %parallel_loop3A_305 = arith.index_cast %parallel_loop3A_239 : i32 to index
      %parallel_loop3A_306 = arith.constant 96 : index
      %parallel_loop3A_307 = tpu.vector_load %arg10[%parallel_loop3A_305, %parallel_loop3A_306] {strides = array<i32>} : memref<128x128xf32, #tpu.memory_space<vmem>>, vector<1x16xf32>,
      %parallel_loop3A_308 = vector.shape_cast %parallel_loop3A_307 : vector<1x16xf32> to vector<16xf32>
      %parallel_loop3A_309 = vector.shape_cast %parallel_loop3A_304 : vector<16xf32> to vector<1x16xf32>
      tpu.vector_store %arg10[%parallel_loop3A_305, %parallel_loop3A_306], %parallel_loop3A_309 {add = true, strides = array<i32>} : memref<128x128xf32, #tpu.memory_space<vmem>>, vector<1x16xf32>,
      %parallel_loop3A_310 = arith.index_cast %parallel_loop3A_246 : i32 to index
      %parallel_loop3A_311 = arith.constant 112 : index
      %parallel_loop3A_312 = tpu.vector_load %arg6[%parallel_loop3A_310, %parallel_loop3A_311] {strides = array<i32>} : memref<200x128xf32, #tpu.memory_space<vmem>>, vector<1x16xf32>,
      %parallel_loop3A_313 = vector.shape_cast %parallel_loop3A_312 : vector<1x16xf32> to vector<16xf32>
      %parallel_loop3A_314 = arith.index_cast %parallel_loop3A_239 : i32 to index
      %parallel_loop3A_315 = arith.constant 112 : index
      %parallel_loop3A_316 = tpu.vector_load %arg10[%parallel_loop3A_314, %parallel_loop3A_315] {strides = array<i32>} : memref<128x128xf32, #tpu.memory_space<vmem>>, vector<1x16xf32>,
      %parallel_loop3A_317 = vector.shape_cast %parallel_loop3A_316 : vector<1x16xf32> to vector<16xf32>
      %parallel_loop3A_318 = vector.shape_cast %parallel_loop3A_313 : vector<16xf32> to vector<1x16xf32>
      tpu.vector_store %arg10[%parallel_loop3A_314, %parallel_loop3A_315], %parallel_loop3A_318 {add = true, strides = array<i32>} : memref<128x128xf32, #tpu.memory_space<vmem>>, vector<1x16xf32>,
    } {sc.loop_unroll_factor = 1 : i64, sc.parallel_access}
    %add3A_127 = arith.constant 47 : i32
    %add3A_128 = arith.addi %mul3A_2, %add3A_127 : i32
    %dma_start3A_129 = arith.constant 0 : i32
    %dma_start3A_130 = arith.constant 0 : i32
    %dma_start3A_131 = tpu.memref_slice %arg5[%add3A_128, %dma_start3A_129, %dma_start3A_130] : memref<1600x128x128xf32, #tpu.memory_space<hbm>> -> memref<1x128x128xf32, #tpu.memory_space<hbm>>
    %dma_start3A_132 = tpu.memref_squeeze %dma_start3A_131 : memref<1x128x128xf32, #tpu.memory_space<hbm>> -> memref<128x128xf32, #tpu.memory_space<hbm>>
    %dma_start3A_133 = arith.constant 0 : i32
    %dma_start3A_134 = arith.constant 0 : i32
    %dma_start3A_135 = tpu.memref_slice %arg5[%add3A_128, %dma_start3A_133, %dma_start3A_134] : memref<1600x128x128xf32, #tpu.memory_space<hbm>> -> memref<1x128x128xf32, #tpu.memory_space<hbm>>
    %dma_start3A_136 = tpu.memref_squeeze %dma_start3A_135 : memref<1x128x128xf32, #tpu.memory_space<hbm>> -> memref<128x128xf32, #tpu.memory_space<hbm>>
    tpu.enqueue_dma source(%arg10 : memref<128x128xf32, #tpu.memory_space<vmem>>) target(%dma_start3A_136 : memref<128x128xf32, #tpu.memory_space<hbm>>) target_semaphore(%arg20 : memref<!tpu.dma_semaphore, #tpu.memory_space<semaphore_mem>>)
    %dma_wait3A_137 = arith.constant 48 : i32
    %dma_wait3A_138 = arith.constant 0 : i32
    %dma_wait3A_139 = tpu.memref_slice %arg7[%dma_wait3A_137, %dma_wait3A_138] : memref<50x128xi32, #tpu.memory_space<vmem>> -> memref<1x128xi32, #tpu.memory_space<vmem>>
    %dma_wait3A_140 = tpu.memref_squeeze %dma_wait3A_139 : memref<1x128xi32, #tpu.memory_space<vmem>> -> memref<128xi32, #tpu.memory_space<vmem>>
    %dma_wait3A_141 = arith.constant 0 : i32
    %dma_wait3A_142 = arith.constant 0 : i32
    %dma_wait3A_143 = tpu.memref_slice %arg3[%dma_wait3A_141, %dma_wait3A_142] : memref<100000x128xf32, #tpu.memory_space<hbm>> -> memref<100000x128xf32, #tpu.memory_space<hbm>>
    tpu.wait_indirect_dma semaphore(%arg16 : memref<!tpu.dma_semaphore, #tpu.memory_space<semaphore_mem>>) src(%dma_wait3A_143 : memref<100000x128xf32, #tpu.memory_space<hbm>>) dst(%arg11 : memref<128x128xf32, #tpu.memory_space<vmem>>)
    %add3A_144 = arith.constant 48 : i32
    %add3A_145 = arith.addi %mul3A_2, %add3A_144 : i32
    %mul3A_146 = arith.constant 128 : i32
    %mul3A_147 = arith.muli %add3A_145, %mul3A_146 : i32
    %rem3A_148 = arith.constant 200 : i32
    %rem3A_149 = arith.remsi %mul3A_147, %rem3A_148 : i32
    %parallel_loop3A_150 = arith.constant 0 : i32
    %parallel_loop3A_151 = arith.constant 128 : i32
    %parallel_loop3A_152 = arith.constant 1 : i32
    scf.for %parallel_loop3A_239 = %parallel_loop3A_150 to %parallel_loop3A_151 step %parallel_loop3A_152  : i32 {
      %parallel_loop3A_240 = arith.addi %rem3A_149, %parallel_loop3A_239 : i32
      %parallel_loop3A_241 = arith.constant 200 : i32
      %parallel_loop3A_242 = arith.cmpi sge, %parallel_loop3A_240, %parallel_loop3A_241 : i32
      %parallel_loop3A_243 = arith.constant 200 : i32
      %parallel_loop3A_244 = arith.constant 0 : i32
      %parallel_loop3A_245 = arith.select %parallel_loop3A_242, %parallel_loop3A_243, %parallel_loop3A_244 : i32
      %parallel_loop3A_246 = arith.subi %parallel_loop3A_240, %parallel_loop3A_245 : i32
      %parallel_loop3A_247 = arith.index_cast %parallel_loop3A_246 : i32 to index
      %parallel_loop3A_248 = arith.constant 0 : index
      %parallel_loop3A_249 = tpu.vector_load %arg6[%parallel_loop3A_247, %parallel_loop3A_248] {strides = array<i32>} : memref<200x128xf32, #tpu.memory_space<vmem>>, vector<1x16xf32>,
      %parallel_loop3A_250 = vector.shape_cast %parallel_loop3A_249 : vector<1x16xf32> to vector<16xf32>
      %parallel_loop3A_251 = arith.index_cast %parallel_loop3A_239 : i32 to index
      %parallel_loop3A_252 = arith.constant 0 : index
      %parallel_loop3A_253 = tpu.vector_load %arg11[%parallel_loop3A_251, %parallel_loop3A_252] {strides = array<i32>} : memref<128x128xf32, #tpu.memory_space<vmem>>, vector<1x16xf32>,
      %parallel_loop3A_254 = vector.shape_cast %parallel_loop3A_253 : vector<1x16xf32> to vector<16xf32>
      %parallel_loop3A_255 = vector.shape_cast %parallel_loop3A_250 : vector<16xf32> to vector<1x16xf32>
      tpu.vector_store %arg11[%parallel_loop3A_251, %parallel_loop3A_252], %parallel_loop3A_255 {add = true, strides = array<i32>} : memref<128x128xf32, #tpu.memory_space<vmem>>, vector<1x16xf32>,
      %parallel_loop3A_256 = arith.index_cast %parallel_loop3A_246 : i32 to index
      %parallel_loop3A_257 = arith.constant 16 : index
      %parallel_loop3A_258 = tpu.vector_load %arg6[%parallel_loop3A_256, %parallel_loop3A_257] {strides = array<i32>} : memref<200x128xf32, #tpu.memory_space<vmem>>, vector<1x16xf32>,
      %parallel_loop3A_259 = vector.shape_cast %parallel_loop3A_258 : vector<1x16xf32> to vector<16xf32>
      %parallel_loop3A_260 = arith.index_cast %parallel_loop3A_239 : i32 to index
      %parallel_loop3A_261 = arith.constant 16 : index
      %parallel_loop3A_262 = tpu.vector_load %arg11[%parallel_loop3A_260, %parallel_loop3A_261] {strides = array<i32>} : memref<128x128xf32, #tpu.memory_space<vmem>>, vector<1x16xf32>,
      %parallel_loop3A_263 = vector.shape_cast %parallel_loop3A_262 : vector<1x16xf32> to vector<16xf32>
      %parallel_loop3A_264 = vector.shape_cast %parallel_loop3A_259 : vector<16xf32> to vector<1x16xf32>
      tpu.vector_store %arg11[%parallel_loop3A_260, %parallel_loop3A_261], %parallel_loop3A_264 {add = true, strides = array<i32>} : memref<128x128xf32, #tpu.memory_space<vmem>>, vector<1x16xf32>,
      %parallel_loop3A_265 = arith.index_cast %parallel_loop3A_246 : i32 to index
      %parallel_loop3A_266 = arith.constant 32 : index
      %parallel_loop3A_267 = tpu.vector_load %arg6[%parallel_loop3A_265, %parallel_loop3A_266] {strides = array<i32>} : memref<200x128xf32, #tpu.memory_space<vmem>>, vector<1x16xf32>,
      %parallel_loop3A_268 = vector.shape_cast %parallel_loop3A_267 : vector<1x16xf32> to vector<16xf32>
      %parallel_loop3A_269 = arith.index_cast %parallel_loop3A_239 : i32 to index
      %parallel_loop3A_270 = arith.constant 32 : index
      %parallel_loop3A_271 = tpu.vector_load %arg11[%parallel_loop3A_269, %parallel_loop3A_270] {strides = array<i32>} : memref<128x128xf32, #tpu.memory_space<vmem>>, vector<1x16xf32>,
      %parallel_loop3A_272 = vector.shape_cast %parallel_loop3A_271 : vector<1x16xf32> to vector<16xf32>
      %parallel_loop3A_273 = vector.shape_cast %parallel_loop3A_268 : vector<16xf32> to vector<1x16xf32>
      tpu.vector_store %arg11[%parallel_loop3A_269, %parallel_loop3A_270], %parallel_loop3A_273 {add = true, strides = array<i32>} : memref<128x128xf32, #tpu.memory_space<vmem>>, vector<1x16xf32>,
      %parallel_loop3A_274 = arith.index_cast %parallel_loop3A_246 : i32 to index
      %parallel_loop3A_275 = arith.constant 48 : index
      %parallel_loop3A_276 = tpu.vector_load %arg6[%parallel_loop3A_274, %parallel_loop3A_275] {strides = array<i32>} : memref<200x128xf32, #tpu.memory_space<vmem>>, vector<1x16xf32>,
      %parallel_loop3A_277 = vector.shape_cast %parallel_loop3A_276 : vector<1x16xf32> to vector<16xf32>
      %parallel_loop3A_278 = arith.index_cast %parallel_loop3A_239 : i32 to index
      %parallel_loop3A_279 = arith.constant 48 : index
      %parallel_loop3A_280 = tpu.vector_load %arg11[%parallel_loop3A_278, %parallel_loop3A_279] {strides = array<i32>} : memref<128x128xf32, #tpu.memory_space<vmem>>, vector<1x16xf32>,
      %parallel_loop3A_281 = vector.shape_cast %parallel_loop3A_280 : vector<1x16xf32> to vector<16xf32>
      %parallel_loop3A_282 = vector.shape_cast %parallel_loop3A_277 : vector<16xf32> to vector<1x16xf32>
      tpu.vector_store %arg11[%parallel_loop3A_278, %parallel_loop3A_279], %parallel_loop3A_282 {add = true, strides = array<i32>} : memref<128x128xf32, #tpu.memory_space<vmem>>, vector<1x16xf32>,
      %parallel_loop3A_283 = arith.index_cast %parallel_loop3A_246 : i32 to index
      %parallel_loop3A_284 = arith.constant 64 : index
      %parallel_loop3A_285 = tpu.vector_load %arg6[%parallel_loop3A_283, %parallel_loop3A_284] {strides = array<i32>} : memref<200x128xf32, #tpu.memory_space<vmem>>, vector<1x16xf32>,
      %parallel_loop3A_286 = vector.shape_cast %parallel_loop3A_285 : vector<1x16xf32> to vector<16xf32>
      %parallel_loop3A_287 = arith.index_cast %parallel_loop3A_239 : i32 to index
      %parallel_loop3A_288 = arith.constant 64 : index
      %parallel_loop3A_289 = tpu.vector_load %arg11[%parallel_loop3A_287, %parallel_loop3A_288] {strides = array<i32>} : memref<128x128xf32, #tpu.memory_space<vmem>>, vector<1x16xf32>,
      %parallel_loop3A_290 = vector.shape_cast %parallel_loop3A_289 : vector<1x16xf32> to vector<16xf32>
      %parallel_loop3A_291 = vector.shape_cast %parallel_loop3A_286 : vector<16xf32> to vector<1x16xf32>
      tpu.vector_store %arg11[%parallel_loop3A_287, %parallel_loop3A_288], %parallel_loop3A_291 {add = true, strides = array<i32>} : memref<128x128xf32, #tpu.memory_space<vmem>>, vector<1x16xf32>,
      %parallel_loop3A_292 = arith.index_cast %parallel_loop3A_246 : i32 to index
      %parallel_loop3A_293 = arith.constant 80 : index
      %parallel_loop3A_294 = tpu.vector_load %arg6[%parallel_loop3A_292, %parallel_loop3A_293] {strides = array<i32>} : memref<200x128xf32, #tpu.memory_space<vmem>>, vector<1x16xf32>,
      %parallel_loop3A_295 = vector.shape_cast %parallel_loop3A_294 : vector<1x16xf32> to vector<16xf32>
      %parallel_loop3A_296 = arith.index_cast %parallel_loop3A_239 : i32 to index
      %parallel_loop3A_297 = arith.constant 80 : index
      %parallel_loop3A_298 = tpu.vector_load %arg11[%parallel_loop3A_296, %parallel_loop3A_297] {strides = array<i32>} : memref<128x128xf32, #tpu.memory_space<vmem>>, vector<1x16xf32>,
      %parallel_loop3A_299 = vector.shape_cast %parallel_loop3A_298 : vector<1x16xf32> to vector<16xf32>
      %parallel_loop3A_300 = vector.shape_cast %parallel_loop3A_295 : vector<16xf32> to vector<1x16xf32>
      tpu.vector_store %arg11[%parallel_loop3A_296, %parallel_loop3A_297], %parallel_loop3A_300 {add = true, strides = array<i32>} : memref<128x128xf32, #tpu.memory_space<vmem>>, vector<1x16xf32>,
      %parallel_loop3A_301 = arith.index_cast %parallel_loop3A_246 : i32 to index
      %parallel_loop3A_302 = arith.constant 96 : index
      %parallel_loop3A_303 = tpu.vector_load %arg6[%parallel_loop3A_301, %parallel_loop3A_302] {strides = array<i32>} : memref<200x128xf32, #tpu.memory_space<vmem>>, vector<1x16xf32>,
      %parallel_loop3A_304 = vector.shape_cast %parallel_loop3A_303 : vector<1x16xf32> to vector<16xf32>
      %parallel_loop3A_305 = arith.index_cast %parallel_loop3A_239 : i32 to index
      %parallel_loop3A_306 = arith.constant 96 : index
      %parallel_loop3A_307 = tpu.vector_load %arg11[%parallel_loop3A_305, %parallel_loop3A_306] {strides = array<i32>} : memref<128x128xf32, #tpu.memory_space<vmem>>, vector<1x16xf32>,
      %parallel_loop3A_308 = vector.shape_cast %parallel_loop3A_307 : vector<1x16xf32> to vector<16xf32>
      %parallel_loop3A_309 = vector.shape_cast %parallel_loop3A_304 : vector<16xf32> to vector<1x16xf32>
      tpu.vector_store %arg11[%parallel_loop3A_305, %parallel_loop3A_306], %parallel_loop3A_309 {add = true, strides = array<i32>} : memref<128x128xf32, #tpu.memory_space<vmem>>, vector<1x16xf32>,
      %parallel_loop3A_310 = arith.index_cast %parallel_loop3A_246 : i32 to index
      %parallel_loop3A_311 = arith.constant 112 : index
      %parallel_loop3A_312 = tpu.vector_load %arg6[%parallel_loop3A_310, %parallel_loop3A_311] {strides = array<i32>} : memref<200x128xf32, #tpu.memory_space<vmem>>, vector<1x16xf32>,
      %parallel_loop3A_313 = vector.shape_cast %parallel_loop3A_312 : vector<1x16xf32> to vector<16xf32>
      %parallel_loop3A_314 = arith.index_cast %parallel_loop3A_239 : i32 to index
      %parallel_loop3A_315 = arith.constant 112 : index
      %parallel_loop3A_316 = tpu.vector_load %arg11[%parallel_loop3A_314, %parallel_loop3A_315] {strides = array<i32>} : memref<128x128xf32, #tpu.memory_space<vmem>>, vector<1x16xf32>,
      %parallel_loop3A_317 = vector.shape_cast %parallel_loop3A_316 : vector<1x16xf32> to vector<16xf32>
      %parallel_loop3A_318 = vector.shape_cast %parallel_loop3A_313 : vector<16xf32> to vector<1x16xf32>
      tpu.vector_store %arg11[%parallel_loop3A_314, %parallel_loop3A_315], %parallel_loop3A_318 {add = true, strides = array<i32>} : memref<128x128xf32, #tpu.memory_space<vmem>>, vector<1x16xf32>,
    } {sc.loop_unroll_factor = 1 : i64, sc.parallel_access}
    %add3A_153 = arith.constant 48 : i32
    %add3A_154 = arith.addi %mul3A_2, %add3A_153 : i32
    %dma_start3A_155 = arith.constant 0 : i32
    %dma_start3A_156 = arith.constant 0 : i32
    %dma_start3A_157 = tpu.memref_slice %arg5[%add3A_154, %dma_start3A_155, %dma_start3A_156] : memref<1600x128x128xf32, #tpu.memory_space<hbm>> -> memref<1x128x128xf32, #tpu.memory_space<hbm>>
    %dma_start3A_158 = tpu.memref_squeeze %dma_start3A_157 : memref<1x128x128xf32, #tpu.memory_space<hbm>> -> memref<128x128xf32, #tpu.memory_space<hbm>>
    %dma_start3A_159 = arith.constant 0 : i32
    %dma_start3A_160 = arith.constant 0 : i32
    %dma_start3A_161 = tpu.memref_slice %arg5[%add3A_154, %dma_start3A_159, %dma_start3A_160] : memref<1600x128x128xf32, #tpu.memory_space<hbm>> -> memref<1x128x128xf32, #tpu.memory_space<hbm>>
    %dma_start3A_162 = tpu.memref_squeeze %dma_start3A_161 : memref<1x128x128xf32, #tpu.memory_space<hbm>> -> memref<128x128xf32, #tpu.memory_space<hbm>>
    tpu.enqueue_dma source(%arg11 : memref<128x128xf32, #tpu.memory_space<vmem>>) target(%dma_start3A_162 : memref<128x128xf32, #tpu.memory_space<hbm>>) target_semaphore(%arg21 : memref<!tpu.dma_semaphore, #tpu.memory_space<semaphore_mem>>)
    %dma_wait3A_163 = arith.constant 49 : i32
    %dma_wait3A_164 = arith.constant 0 : i32
    %dma_wait3A_165 = tpu.memref_slice %arg7[%dma_wait3A_163, %dma_wait3A_164] : memref<50x128xi32, #tpu.memory_space<vmem>> -> memref<1x128xi32, #tpu.memory_space<vmem>>
    %dma_wait3A_166 = tpu.memref_squeeze %dma_wait3A_165 : memref<1x128xi32, #tpu.memory_space<vmem>> -> memref<128xi32, #tpu.memory_space<vmem>>
    %dma_wait3A_167 = arith.constant 0 : i32
    %dma_wait3A_168 = arith.constant 0 : i32
    %dma_wait3A_169 = tpu.memref_slice %arg3[%dma_wait3A_167, %dma_wait3A_168] : memref<100000x128xf32, #tpu.memory_space<hbm>> -> memref<100000x128xf32, #tpu.memory_space<hbm>>
    tpu.wait_indirect_dma semaphore(%arg17 : memref<!tpu.dma_semaphore, #tpu.memory_space<semaphore_mem>>) src(%dma_wait3A_169 : memref<100000x128xf32, #tpu.memory_space<hbm>>) dst(%arg12 : memref<128x128xf32, #tpu.memory_space<vmem>>)
    %add3A_170 = arith.constant 49 : i32
    %add3A_171 = arith.addi %mul3A_2, %add3A_170 : i32
    %mul3A_172 = arith.constant 128 : i32
    %mul3A_173 = arith.muli %add3A_171, %mul3A_172 : i32
    %rem3A_174 = arith.constant 200 : i32
    %rem3A_175 = arith.remsi %mul3A_173, %rem3A_174 : i32
    %parallel_loop3A_176 = arith.constant 0 : i32
    %parallel_loop3A_177 = arith.constant 128 : i32
    %parallel_loop3A_178 = arith.constant 1 : i32
    scf.for %parallel_loop3A_239 = %parallel_loop3A_176 to %parallel_loop3A_177 step %parallel_loop3A_178  : i32 {
      %parallel_loop3A_240 = arith.addi %rem3A_175, %parallel_loop3A_239 : i32
      %parallel_loop3A_241 = arith.constant 200 : i32
      %parallel_loop3A_242 = arith.cmpi sge, %parallel_loop3A_240, %parallel_loop3A_241 : i32
      %parallel_loop3A_243 = arith.constant 200 : i32
      %parallel_loop3A_244 = arith.constant 0 : i32
      %parallel_loop3A_245 = arith.select %parallel_loop3A_242, %parallel_loop3A_243, %parallel_loop3A_244 : i32
      %parallel_loop3A_246 = arith.subi %parallel_loop3A_240, %parallel_loop3A_245 : i32
      %parallel_loop3A_247 = arith.index_cast %parallel_loop3A_246 : i32 to index
      %parallel_loop3A_248 = arith.constant 0 : index
      %parallel_loop3A_249 = tpu.vector_load %arg6[%parallel_loop3A_247, %parallel_loop3A_248] {strides = array<i32>} : memref<200x128xf32, #tpu.memory_space<vmem>>, vector<1x16xf32>,
      %parallel_loop3A_250 = vector.shape_cast %parallel_loop3A_249 : vector<1x16xf32> to vector<16xf32>
      %parallel_loop3A_251 = arith.index_cast %parallel_loop3A_239 : i32 to index
      %parallel_loop3A_252 = arith.constant 0 : index
      %parallel_loop3A_253 = tpu.vector_load %arg12[%parallel_loop3A_251, %parallel_loop3A_252] {strides = array<i32>} : memref<128x128xf32, #tpu.memory_space<vmem>>, vector<1x16xf32>,
      %parallel_loop3A_254 = vector.shape_cast %parallel_loop3A_253 : vector<1x16xf32> to vector<16xf32>
      %parallel_loop3A_255 = vector.shape_cast %parallel_loop3A_250 : vector<16xf32> to vector<1x16xf32>
      tpu.vector_store %arg12[%parallel_loop3A_251, %parallel_loop3A_252], %parallel_loop3A_255 {add = true, strides = array<i32>} : memref<128x128xf32, #tpu.memory_space<vmem>>, vector<1x16xf32>,
      %parallel_loop3A_256 = arith.index_cast %parallel_loop3A_246 : i32 to index
      %parallel_loop3A_257 = arith.constant 16 : index
      %parallel_loop3A_258 = tpu.vector_load %arg6[%parallel_loop3A_256, %parallel_loop3A_257] {strides = array<i32>} : memref<200x128xf32, #tpu.memory_space<vmem>>, vector<1x16xf32>,
      %parallel_loop3A_259 = vector.shape_cast %parallel_loop3A_258 : vector<1x16xf32> to vector<16xf32>
      %parallel_loop3A_260 = arith.index_cast %parallel_loop3A_239 : i32 to index
      %parallel_loop3A_261 = arith.constant 16 : index
      %parallel_loop3A_262 = tpu.vector_load %arg12[%parallel_loop3A_260, %parallel_loop3A_261] {strides = array<i32>} : memref<128x128xf32, #tpu.memory_space<vmem>>, vector<1x16xf32>,
      %parallel_loop3A_263 = vector.shape_cast %parallel_loop3A_262 : vector<1x16xf32> to vector<16xf32>
      %parallel_loop3A_264 = vector.shape_cast %parallel_loop3A_259 : vector<16xf32> to vector<1x16xf32>
      tpu.vector_store %arg12[%parallel_loop3A_260, %parallel_loop3A_261], %parallel_loop3A_264 {add = true, strides = array<i32>} : memref<128x128xf32, #tpu.memory_space<vmem>>, vector<1x16xf32>,
      %parallel_loop3A_265 = arith.index_cast %parallel_loop3A_246 : i32 to index
      %parallel_loop3A_266 = arith.constant 32 : index
      %parallel_loop3A_267 = tpu.vector_load %arg6[%parallel_loop3A_265, %parallel_loop3A_266] {strides = array<i32>} : memref<200x128xf32, #tpu.memory_space<vmem>>, vector<1x16xf32>,
      %parallel_loop3A_268 = vector.shape_cast %parallel_loop3A_267 : vector<1x16xf32> to vector<16xf32>
      %parallel_loop3A_269 = arith.index_cast %parallel_loop3A_239 : i32 to index
      %parallel_loop3A_270 = arith.constant 32 : index
      %parallel_loop3A_271 = tpu.vector_load %arg12[%parallel_loop3A_269, %parallel_loop3A_270] {strides = array<i32>} : memref<128x128xf32, #tpu.memory_space<vmem>>, vector<1x16xf32>,
      %parallel_loop3A_272 = vector.shape_cast %parallel_loop3A_271 : vector<1x16xf32> to vector<16xf32>
      %parallel_loop3A_273 = vector.shape_cast %parallel_loop3A_268 : vector<16xf32> to vector<1x16xf32>
      tpu.vector_store %arg12[%parallel_loop3A_269, %parallel_loop3A_270], %parallel_loop3A_273 {add = true, strides = array<i32>} : memref<128x128xf32, #tpu.memory_space<vmem>>, vector<1x16xf32>,
      %parallel_loop3A_274 = arith.index_cast %parallel_loop3A_246 : i32 to index
      %parallel_loop3A_275 = arith.constant 48 : index
      %parallel_loop3A_276 = tpu.vector_load %arg6[%parallel_loop3A_274, %parallel_loop3A_275] {strides = array<i32>} : memref<200x128xf32, #tpu.memory_space<vmem>>, vector<1x16xf32>,
      %parallel_loop3A_277 = vector.shape_cast %parallel_loop3A_276 : vector<1x16xf32> to vector<16xf32>
      %parallel_loop3A_278 = arith.index_cast %parallel_loop3A_239 : i32 to index
      %parallel_loop3A_279 = arith.constant 48 : index
      %parallel_loop3A_280 = tpu.vector_load %arg12[%parallel_loop3A_278, %parallel_loop3A_279] {strides = array<i32>} : memref<128x128xf32, #tpu.memory_space<vmem>>, vector<1x16xf32>,
      %parallel_loop3A_281 = vector.shape_cast %parallel_loop3A_280 : vector<1x16xf32> to vector<16xf32>
      %parallel_loop3A_282 = vector.shape_cast %parallel_loop3A_277 : vector<16xf32> to vector<1x16xf32>
      tpu.vector_store %arg12[%parallel_loop3A_278, %parallel_loop3A_279], %parallel_loop3A_282 {add = true, strides = array<i32>} : memref<128x128xf32, #tpu.memory_space<vmem>>, vector<1x16xf32>,
      %parallel_loop3A_283 = arith.index_cast %parallel_loop3A_246 : i32 to index
      %parallel_loop3A_284 = arith.constant 64 : index
      %parallel_loop3A_285 = tpu.vector_load %arg6[%parallel_loop3A_283, %parallel_loop3A_284] {strides = array<i32>} : memref<200x128xf32, #tpu.memory_space<vmem>>, vector<1x16xf32>,
      %parallel_loop3A_286 = vector.shape_cast %parallel_loop3A_285 : vector<1x16xf32> to vector<16xf32>
      %parallel_loop3A_287 = arith.index_cast %parallel_loop3A_239 : i32 to index
      %parallel_loop3A_288 = arith.constant 64 : index
      %parallel_loop3A_289 = tpu.vector_load %arg12[%parallel_loop3A_287, %parallel_loop3A_288] {strides = array<i32>} : memref<128x128xf32, #tpu.memory_space<vmem>>, vector<1x16xf32>,
      %parallel_loop3A_290 = vector.shape_cast %parallel_loop3A_289 : vector<1x16xf32> to vector<16xf32>
      %parallel_loop3A_291 = vector.shape_cast %parallel_loop3A_286 : vector<16xf32> to vector<1x16xf32>
      tpu.vector_store %arg12[%parallel_loop3A_287, %parallel_loop3A_288], %parallel_loop3A_291 {add = true, strides = array<i32>} : memref<128x128xf32, #tpu.memory_space<vmem>>, vector<1x16xf32>,
      %parallel_loop3A_292 = arith.index_cast %parallel_loop3A_246 : i32 to index
      %parallel_loop3A_293 = arith.constant 80 : index
      %parallel_loop3A_294 = tpu.vector_load %arg6[%parallel_loop3A_292, %parallel_loop3A_293] {strides = array<i32>} : memref<200x128xf32, #tpu.memory_space<vmem>>, vector<1x16xf32>,
      %parallel_loop3A_295 = vector.shape_cast %parallel_loop3A_294 : vector<1x16xf32> to vector<16xf32>
      %parallel_loop3A_296 = arith.index_cast %parallel_loop3A_239 : i32 to index
      %parallel_loop3A_297 = arith.constant 80 : index
      %parallel_loop3A_298 = tpu.vector_load %arg12[%parallel_loop3A_296, %parallel_loop3A_297] {strides = array<i32>} : memref<128x128xf32, #tpu.memory_space<vmem>>, vector<1x16xf32>,
      %parallel_loop3A_299 = vector.shape_cast %parallel_loop3A_298 : vector<1x16xf32> to vector<16xf32>
      %parallel_loop3A_300 = vector.shape_cast %parallel_loop3A_295 : vector<16xf32> to vector<1x16xf32>
      tpu.vector_store %arg12[%parallel_loop3A_296, %parallel_loop3A_297], %parallel_loop3A_300 {add = true, strides = array<i32>} : memref<128x128xf32, #tpu.memory_space<vmem>>, vector<1x16xf32>,
      %parallel_loop3A_301 = arith.index_cast %parallel_loop3A_246 : i32 to index
      %parallel_loop3A_302 = arith.constant 96 : index
      %parallel_loop3A_303 = tpu.vector_load %arg6[%parallel_loop3A_301, %parallel_loop3A_302] {strides = array<i32>} : memref<200x128xf32, #tpu.memory_space<vmem>>, vector<1x16xf32>,
      %parallel_loop3A_304 = vector.shape_cast %parallel_loop3A_303 : vector<1x16xf32> to vector<16xf32>
      %parallel_loop3A_305 = arith.index_cast %parallel_loop3A_239 : i32 to index
      %parallel_loop3A_306 = arith.constant 96 : index
      %parallel_loop3A_307 = tpu.vector_load %arg12[%parallel_loop3A_305, %parallel_loop3A_306] {strides = array<i32>} : memref<128x128xf32, #tpu.memory_space<vmem>>, vector<1x16xf32>,
      %parallel_loop3A_308 = vector.shape_cast %parallel_loop3A_307 : vector<1x16xf32> to vector<16xf32>
      %parallel_loop3A_309 = vector.shape_cast %parallel_loop3A_304 : vector<16xf32> to vector<1x16xf32>
      tpu.vector_store %arg12[%parallel_loop3A_305, %parallel_loop3A_306], %parallel_loop3A_309 {add = true, strides = array<i32>} : memref<128x128xf32, #tpu.memory_space<vmem>>, vector<1x16xf32>,
      %parallel_loop3A_310 = arith.index_cast %parallel_loop3A_246 : i32 to index
      %parallel_loop3A_311 = arith.constant 112 : index
      %parallel_loop3A_312 = tpu.vector_load %arg6[%parallel_loop3A_310, %parallel_loop3A_311] {strides = array<i32>} : memref<200x128xf32, #tpu.memory_space<vmem>>, vector<1x16xf32>,
      %parallel_loop3A_313 = vector.shape_cast %parallel_loop3A_312 : vector<1x16xf32> to vector<16xf32>
      %parallel_loop3A_314 = arith.index_cast %parallel_loop3A_239 : i32 to index
      %parallel_loop3A_315 = arith.constant 112 : index
      %parallel_loop3A_316 = tpu.vector_load %arg12[%parallel_loop3A_314, %parallel_loop3A_315] {strides = array<i32>} : memref<128x128xf32, #tpu.memory_space<vmem>>, vector<1x16xf32>,
      %parallel_loop3A_317 = vector.shape_cast %parallel_loop3A_316 : vector<1x16xf32> to vector<16xf32>
      %parallel_loop3A_318 = vector.shape_cast %parallel_loop3A_313 : vector<16xf32> to vector<1x16xf32>
      tpu.vector_store %arg12[%parallel_loop3A_314, %parallel_loop3A_315], %parallel_loop3A_318 {add = true, strides = array<i32>} : memref<128x128xf32, #tpu.memory_space<vmem>>, vector<1x16xf32>,
    } {sc.loop_unroll_factor = 1 : i64, sc.parallel_access}
    %add3A_179 = arith.constant 49 : i32
    %add3A_180 = arith.addi %mul3A_2, %add3A_179 : i32
    %dma_start3A_181 = arith.constant 0 : i32
    %dma_start3A_182 = arith.constant 0 : i32
    %dma_start3A_183 = tpu.memref_slice %arg5[%add3A_180, %dma_start3A_181, %dma_start3A_182] : memref<1600x128x128xf32, #tpu.memory_space<hbm>> -> memref<1x128x128xf32, #tpu.memory_space<hbm>>
    %dma_start3A_184 = tpu.memref_squeeze %dma_start3A_183 : memref<1x128x128xf32, #tpu.memory_space<hbm>> -> memref<128x128xf32, #tpu.memory_space<hbm>>
    %dma_start3A_185 = arith.constant 0 : i32
    %dma_start3A_186 = arith.constant 0 : i32
    %dma_start3A_187 = tpu.memref_slice %arg5[%add3A_180, %dma_start3A_185, %dma_start3A_186] : memref<1600x128x128xf32, #tpu.memory_space<hbm>> -> memref<1x128x128xf32, #tpu.memory_space<hbm>>
    %dma_start3A_188 = tpu.memref_squeeze %dma_start3A_187 : memref<1x128x128xf32, #tpu.memory_space<hbm>> -> memref<128x128xf32, #tpu.memory_space<hbm>>
    tpu.enqueue_dma source(%arg12 : memref<128x128xf32, #tpu.memory_space<vmem>>) target(%dma_start3A_188 : memref<128x128xf32, #tpu.memory_space<hbm>>) target_semaphore(%arg22 : memref<!tpu.dma_semaphore, #tpu.memory_space<semaphore_mem>>)
    %add3A_189 = arith.constant 45 : i32
    %add3A_190 = arith.addi %mul3A_2, %add3A_189 : i32
    %dma_wait3A_191 = arith.constant 0 : i32
    %dma_wait3A_192 = arith.constant 0 : i32
    %dma_wait3A_193 = tpu.memref_slice %arg5[%add3A_190, %dma_wait3A_191, %dma_wait3A_192] : memref<1600x128x128xf32, #tpu.memory_space<hbm>> -> memref<1x128x128xf32, #tpu.memory_space<hbm>>
    %dma_wait3A_194 = tpu.memref_squeeze %dma_wait3A_193 : memref<1x128x128xf32, #tpu.memory_space<hbm>> -> memref<128x128xf32, #tpu.memory_space<hbm>>
    %dma_wait3A_195 = arith.constant 0 : i32
    %dma_wait3A_196 = arith.constant 0 : i32
    %dma_wait3A_197 = tpu.memref_slice %arg5[%add3A_190, %dma_wait3A_195, %dma_wait3A_196] : memref<1600x128x128xf32, #tpu.memory_space<hbm>> -> memref<1x128x128xf32, #tpu.memory_space<hbm>>
    %dma_wait3A_198 = tpu.memref_squeeze %dma_wait3A_197 : memref<1x128x128xf32, #tpu.memory_space<hbm>> -> memref<128x128xf32, #tpu.memory_space<hbm>>
    tpu.wait_dma2 semaphore(%arg18 : memref<!tpu.dma_semaphore, #tpu.memory_space<semaphore_mem>>) src(%arg8 : memref<128x128xf32, #tpu.memory_space<vmem>>) dst(%dma_wait3A_198 : memref<128x128xf32, #tpu.memory_space<hbm>>)
    %add3A_199 = arith.constant 46 : i32
    %add3A_200 = arith.addi %mul3A_2, %add3A_199 : i32
    %dma_wait3A_201 = arith.constant 0 : i32
    %dma_wait3A_202 = arith.constant 0 : i32
    %dma_wait3A_203 = tpu.memref_slice %arg5[%add3A_200, %dma_wait3A_201, %dma_wait3A_202] : memref<1600x128x128xf32, #tpu.memory_space<hbm>> -> memref<1x128x128xf32, #tpu.memory_space<hbm>>
    %dma_wait3A_204 = tpu.memref_squeeze %dma_wait3A_203 : memref<1x128x128xf32, #tpu.memory_space<hbm>> -> memref<128x128xf32, #tpu.memory_space<hbm>>
    %dma_wait3A_205 = arith.constant 0 : i32
    %dma_wait3A_206 = arith.constant 0 : i32
    %dma_wait3A_207 = tpu.memref_slice %arg5[%add3A_200, %dma_wait3A_205, %dma_wait3A_206] : memref<1600x128x128xf32, #tpu.memory_space<hbm>> -> memref<1x128x128xf32, #tpu.memory_space<hbm>>
    %dma_wait3A_208 = tpu.memref_squeeze %dma_wait3A_207 : memref<1x128x128xf32, #tpu.memory_space<hbm>> -> memref<128x128xf32, #tpu.memory_space<hbm>>
    tpu.wait_dma2 semaphore(%arg19 : memref<!tpu.dma_semaphore, #tpu.memory_space<semaphore_mem>>) src(%arg9 : memref<128x128xf32, #tpu.memory_space<vmem>>) dst(%dma_wait3A_208 : memref<128x128xf32, #tpu.memory_space<hbm>>)
    %add3A_209 = arith.constant 47 : i32
    %add3A_210 = arith.addi %mul3A_2, %add3A_209 : i32
    %dma_wait3A_211 = arith.constant 0 : i32
    %dma_wait3A_212 = arith.constant 0 : i32
    %dma_wait3A_213 = tpu.memref_slice %arg5[%add3A_210, %dma_wait3A_211, %dma_wait3A_212] : memref<1600x128x128xf32, #tpu.memory_space<hbm>> -> memref<1x128x128xf32, #tpu.memory_space<hbm>>
    %dma_wait3A_214 = tpu.memref_squeeze %dma_wait3A_213 : memref<1x128x128xf32, #tpu.memory_space<hbm>> -> memref<128x128xf32, #tpu.memory_space<hbm>>
    %dma_wait3A_215 = arith.constant 0 : i32
    %dma_wait3A_216 = arith.constant 0 : i32
    %dma_wait3A_217 = tpu.memref_slice %arg5[%add3A_210, %dma_wait3A_215, %dma_wait3A_216] : memref<1600x128x128xf32, #tpu.memory_space<hbm>> -> memref<1x128x128xf32, #tpu.memory_space<hbm>>
    %dma_wait3A_218 = tpu.memref_squeeze %dma_wait3A_217 : memref<1x128x128xf32, #tpu.memory_space<hbm>> -> memref<128x128xf32, #tpu.memory_space<hbm>>
    tpu.wait_dma2 semaphore(%arg20 : memref<!tpu.dma_semaphore, #tpu.memory_space<semaphore_mem>>) src(%arg10 : memref<128x128xf32, #tpu.memory_space<vmem>>) dst(%dma_wait3A_218 : memref<128x128xf32, #tpu.memory_space<hbm>>)
    %add3A_219 = arith.constant 48 : i32
    %add3A_220 = arith.addi %mul3A_2, %add3A_219 : i32
    %dma_wait3A_221 = arith.constant 0 : i32
    %dma_wait3A_222 = arith.constant 0 : i32
    %dma_wait3A_223 = tpu.memref_slice %arg5[%add3A_220, %dma_wait3A_221, %dma_wait3A_222] : memref<1600x128x128xf32, #tpu.memory_space<hbm>> -> memref<1x128x128xf32, #tpu.memory_space<hbm>>
    %dma_wait3A_224 = tpu.memref_squeeze %dma_wait3A_223 : memref<1x128x128xf32, #tpu.memory_space<hbm>> -> memref<128x128xf32, #tpu.memory_space<hbm>>
    %dma_wait3A_225 = arith.constant 0 : i32
    %dma_wait3A_226 = arith.constant 0 : i32
    %dma_wait3A_227 = tpu.memref_slice %arg5[%add3A_220, %dma_wait3A_225, %dma_wait3A_226] : memref<1600x128x128xf32, #tpu.memory_space<hbm>> -> memref<1x128x128xf32, #tpu.memory_space<hbm>>
    %dma_wait3A_228 = tpu.memref_squeeze %dma_wait3A_227 : memref<1x128x128xf32, #tpu.memory_space<hbm>> -> memref<128x128xf32, #tpu.memory_space<hbm>>
    tpu.wait_dma2 semaphore(%arg21 : memref<!tpu.dma_semaphore, #tpu.memory_space<semaphore_mem>>) src(%arg11 : memref<128x128xf32, #tpu.memory_space<vmem>>) dst(%dma_wait3A_228 : memref<128x128xf32, #tpu.memory_space<hbm>>)
    %add3A_229 = arith.constant 49 : i32
    %add3A_230 = arith.addi %mul3A_2, %add3A_229 : i32
    %dma_wait3A_231 = arith.constant 0 : i32
    %dma_wait3A_232 = arith.constant 0 : i32
    %dma_wait3A_233 = tpu.memref_slice %arg5[%add3A_230, %dma_wait3A_231, %dma_wait3A_232] : memref<1600x128x128xf32, #tpu.memory_space<hbm>> -> memref<1x128x128xf32, #tpu.memory_space<hbm>>
    %dma_wait3A_234 = tpu.memref_squeeze %dma_wait3A_233 : memref<1x128x128xf32, #tpu.memory_space<hbm>> -> memref<128x128xf32, #tpu.memory_space<hbm>>
    %dma_wait3A_235 = arith.constant 0 : i32
    %dma_wait3A_236 = arith.constant 0 : i32
    %dma_wait3A_237 = tpu.memref_slice %arg5[%add3A_230, %dma_wait3A_235, %dma_wait3A_236] : memref<1600x128x128xf32, #tpu.memory_space<hbm>> -> memref<1x128x128xf32, #tpu.memory_space<hbm>>
    %dma_wait3A_238 = tpu.memref_squeeze %dma_wait3A_237 : memref<1x128x128xf32, #tpu.memory_space<hbm>> -> memref<128x128xf32, #tpu.memory_space<hbm>>
    tpu.wait_dma2 semaphore(%arg22 : memref<!tpu.dma_semaphore, #tpu.memory_space<semaphore_mem>>) src(%arg12 : memref<128x128xf32, #tpu.memory_space<vmem>>) dst(%dma_wait3A_238 : memref<128x128xf32, #tpu.memory_space<hbm>>)
    return
  }
}

</mosaic_0001>

<sc_bundles>
// kernel: kernel.3.cloned.1.call-start
scs
__scs_entry_jumppad:
0x0: {  	(pc) =	sbr.rel $0x88, $3  }
0x1: {  	(tag) =	ssettag $0x0;
	lr =	simm.s32 $0x1  }
0x2: {  	[smem:$0x3F9E] =	sst lr;
	_ =	strace $0xD0000000  }
0x3: {  	_ = 	snop  }
0x4: {  	_ = 	snop  }
0x5: {  	_ = 	snop  }
0x6: {  	_ = 	snop  }
0x7: {  	_ = 	snop  }
__scs_overlays_trampoline_lowered:
0x8: {  	[smem:$0x3FAD] =	sst s0  }
0x9: {  	[smem:$0x3FAE] =	sst s1  }
0xa: {  	[smem:$0x3FAF] =	sst s2  }
0xb: {  	[smem:$0x3FB0] =	sst s3  }
0xc: {  	[smem:$0x3FB1] =	sst s4  }
0xd: {  	[smem:$0x3FB2] =	sst s5  }
0xe: {  	[smem:$0x3FB3] =	sst s6  }
0xf: {  	[smem:$0x3FB4] =	sst s7  }
0x10: {  	[smem:$0x3FB5] =	sst s8  }
0x11: {  	[smem:$0x3FB6] =	sst s9;
	s0 =	simm.s32 @!p0 $0x0  }
0x12: {  	s1 =	sld [smem:$0x3F9C];
	s0 =	simm.s32 @p0 $0x1  }
0x13: {  	[smem:$0x3FB7] =	sst s0;
	s0 =	simm.s32 @!p1 $0x0  }
0x14: {  	s2 =	sld [smem:$0x3F9B];
	s0 =	simm.s32 @p1 $0x1  }
0x15: {  	[smem:$0x3FB8] =	sst s0;
	s0 =	simm.s32 @!p2 $0x0  }
0x16: {  	s3 =	sld [smem:$0x3FDB];
	s0 =	simm.s32 @p2 $0x1  }
0x17: {  	s4 =	simm.s32 $0x1BF5;
	[smem:$0x3FBA] =	sst s0  }
0x18: {  	s0 =	sld [smem:$0x3F9D];
	_ =	swait.ge [sflag:s4], $0x0  }
0x19: {  	s7 =	sld [smem:$0x3F9E]  }
0x1a: {  	s8 =	sadd.s32 $0xFFFFE003, lr  }
0x1b: {  	s9 =	sadd.s32 $0xFFFFFEF7, lr;
	s5 =	simm.s32 $0xFFFFFFFF;
	p2 =	slt.u32 s8, $0xFFFFF086  }
0x1c: {  	p1 =	slt.u32 s9, $0xF7A;
	s5 =	simm.s32 @!p2 $0x0  }
0x1d: {  	s5 =	simm.s32 @p1 $0x1;
	p0 =	seq.s32 s7, s2  }
0x1e: {  	s7 =	smul.u32 @!p0 $0xF7A, s2;
	p2 =	seq.s32 @!p0 s5, $0x0  }
0x1f: {  	s9 =	smul.u32 $0xF7A, s1;
	s8 =	simm.s32 @!p0 $0x1BF5;
	p2 =	por !p2, p0  }
0x20: {  	[sflag:s8] =	ssyncset.s32 @!p0 $0xFFFFF086;
	s6 =	sadd.s32 @!p0 s3, s7;
	s7 =	simm.s32 @!p0 $0x108  }
0x21: {  	s3 =	sadd.s32 s3, s9;
	s6 =	sadd.s32 @!p0 $0x88, s6;
	s7 =	simm.s32 @p2 $0x1082  }
0x22: {  	[simem:s7], [sflag:s8] =	dma.local @!p0 [hbm:s6], $0xF7A  }
0x23: {  	s9 =	sor.u32 $0xD0000000, s2;
	s6 =	simm.s32 $0x108;
	_ =	swait.ge @!p0 [sflag:s8], $0x0  }
0x24: {  	s3 =	sadd.s32 $0x88, s3;
	s6 =	simm.s32 @!p1 $0x1082;
	[sflag:s4] =	ssyncset.s32 $0xFFFFF086  }
0x25: {  	[simem:s6], [sflag:s4] =	dma.local [hbm:s3], $0xF7A  }
0x26: {  	[smem:$0x3F9E] =	sst s1;
	(tag) =	ssettag s2;
	_ =	strace s9  }
0x27: {  	s1 =	sld [smem:$0x3FAE]  }
0x28: {  	s2 =	sld [smem:$0x3FAF]  }
0x29: {  	s4 =	sld [smem:$0x3FB1]  }
0x2a: {  	p0 =	seq.s32 s5, $0x0;
	s5 =	sld [smem:$0x3FB2]  }
0x2b: {  	s6 =	sld [smem:$0x3FB3]  }
0x2c: {  	s7 =	sld [smem:$0x3FB4]  }
0x2d: {  	s3 =	simm.s32 $0x108;
	s8 =	sld [smem:$0x3FB5]  }
0x2e: {  	s3 =	simm.s32 @!p0 $0x1082;
	s9 =	sld [smem:$0x3FB6]  }
0x2f: {  	lr =	sadd.s32 s0, s3;
	s0 =	sld [smem:$0x3FAD]  }
0x30: {  	s3 =	sld [smem:$0x3FB0]  }
0x31: {  	[smem:$0x3FB9] =	sst s10  }
0x32: {  	s10 =	sld [smem:$0x3FB7];
	_ =	sdelay $0x3  }
0x33: {  	p0 =	seq.s32 s10, $0x1;
	s10 =	sld [smem:$0x3FB9];
	_ =	sdelay $0x3  }
0x34: {  	[smem:$0x3FB9] =	sst s10  }
0x35: {  	s10 =	sld [smem:$0x3FB8];
	_ =	sdelay $0x3  }
0x36: {  	p1 =	seq.s32 s10, $0x1;
	s10 =	sld [smem:$0x3FB9];
	_ =	sdelay $0x3  }
0x37: {  	[smem:$0x3FB9] =	sst s10  }
0x38: {  	s10 =	sld [smem:$0x3FBA]  }
0x39: {  	_ = 	snop;
	(pc) =	sbr.ind lr, $3  }
0x3a: {  	_ = 	snop  }
0x3b: {  	_ = 	snop  }
0x3c: {  	p2 =	seq.s32 s10, $0x1;
	s10 =	sld [smem:$0x3FB9]  }
0x3d: {  	_ =	shalt  }
0x3e: {  	_ =	shalt  }
0x3f: {  	_ =	shalt  }
0x40: {  	_ =	shalt  }
0x41: {  	_ =	shalt  }
0x42: {  	_ =	shalt  }
0x43: {  	_ =	shalt  }
0x44: {  	_ =	shalt  }
0x45: {  	_ =	shalt  }
0x46: {  	_ =	shalt  }
0x47: {  	_ =	shalt  }
0x48: {  	_ =	shalt  }
0x49: {  	_ =	shalt  }
0x4a: {  	_ =	shalt  }
0x4b: {  	_ =	shalt  }
0x4c: {  	_ =	shalt  }
0x4d: {  	_ =	shalt  }
0x4e: {  	_ =	shalt  }
0x4f: {  	_ =	shalt  }
0x50: {  	_ =	shalt  }
0x51: {  	_ =	shalt  }
0x52: {  	_ =	shalt  }
0x53: {  	_ =	shalt  }
0x54: {  	_ =	shalt  }
0x55: {  	_ =	shalt  }
0x56: {  	_ =	shalt  }
0x57: {  	_ =	shalt  }
0x58: {  	_ =	shalt  }
0x59: {  	_ =	shalt  }
0x5a: {  	_ =	shalt  }
0x5b: {  	_ =	shalt  }
0x5c: {  	_ =	shalt  }
0x5d: {  	_ =	shalt  }
0x5e: {  	_ =	shalt  }
0x5f: {  	_ =	shalt  }
0x60: {  	_ =	shalt  }
0x61: {  	_ =	shalt  }
0x62: {  	_ =	shalt  }
0x63: {  	_ =	shalt  }
0x64: {  	_ =	shalt  }
0x65: {  	_ =	shalt  }
0x66: {  	_ =	shalt  }
0x67: {  	_ =	shalt  }
0x68: {  	_ =	shalt  }
0x69: {  	_ =	shalt  }
0x6a: {  	_ =	shalt  }
0x6b: {  	_ =	shalt  }
0x6c: {  	_ =	shalt  }
0x6d: {  	_ =	shalt  }
0x6e: {  	_ =	shalt  }
0x6f: {  	_ =	shalt  }
0x70: {  	_ =	shalt  }
0x71: {  	_ =	shalt  }
0x72: {  	_ =	shalt  }
0x73: {  	_ =	shalt  }
0x74: {  	_ =	shalt  }
0x75: {  	_ =	shalt  }
0x76: {  	_ =	shalt  }
0x77: {  	_ =	shalt  }
0x78: {  	_ =	shalt  }
0x79: {  	_ =	shalt  }
0x7a: {  	_ =	shalt  }
0x7b: {  	_ =	shalt  }
0x7c: {  	_ =	shalt  }
0x7d: {  	_ =	shalt  }
0x7e: {  	_ =	shalt  }
0x7f: {  	_ =	shalt  }
0x80: {  	_ =	shalt  }
0x81: {  	_ =	shalt  }
0x82: {  	_ =	shalt  }
0x83: {  	_ =	shalt  }
0x84: {  	_ =	shalt  }
0x85: {  	_ =	shalt  }
0x86: {  	_ =	shalt  }
0x87: {  	_ =	shalt  }
.Lfunc_end0:
.L_simem_size_0:
called_computation_lowered:
.L_overlay_start_0:
0x88: {  	s2 =	sld [smem:$0x3FD9]  }
0x89: {  	s3 =	sld [smem:$0x3FFE];
	_ =	sdelay $0x1  }
0x8a: {  	s1 =	srdreg.scid  }
0x8b: {  	s0 =	sand.u32 $0x1, s1  }
0x8c: {  	s17 =	sshll.u32 s0, $0xA;
	s2 =	sadd.s32 s3, s2  }
0x8d: {  	s2 =	sadd.s32 s2, s17  }
0x8e: {  	[smem:$0x3FC5] =	sst s2  }
0x8f: {  	_ = 	snop  }
0x90: {  	s2 =	sld [smem:$0x3FC8]  }
0x91: {  	s18 =	sld [smem:$0x3FC7]  }
0x92: {  	s4 =	sld [smem:$0x3FD0];
	(tm) =	ssettm $0x1  }
0x93: {  	s5 =	sld [smem:$0x3FFB];
	_ =	sdelay $0x3  }
0x94: {  	_ =	strace s5  }
0x95: {  	s5 =	sld [smem:$0x3FFC];
	_ =	sdelay $0x3  }
0x96: {  	_ =	strace s5  }
0x97: {  	s5 =	sld [smem:$0x3FFD];
	_ =	sdelay $0x3  }
0x98: {  	_ =	strace s5  }
0x99: {  	_ =	strace $0x8FFFFFFF  }
0x9a: {  	s19 =	sld [smem:$0x3FDB];
	_ =	sdelay $0x1  }
0x9b: {  	s6 =	simm.s32 $_scs_section_size  }
0x9c: {  	s7 =	simm.s32 $_size__tile_overlayer_lowered;
	s8 =	simm.s32 $_tile_overlayer_lowered  }
0x9d: {  	s22 =	simm.s32 $0x1BFF;
	s21 =	sshll.u32 s8, $0x1;
	s5 =	sadd.s32 s6, s19  }
0x9e: {  	s9 =	simm.s32 $0x0;
	s20 =	sshll.u32 s7, $0x1;
	s7 =	sadd.s32 s21, s5  }
0x9f: {  	[timem:s9], [sflag:s22] =	dma.local [hbm:s7], s20  }
0xa0: {  	_ =	swait.ge [sflag:s22], s20  }
0xa1: {  	s6 =	ssub.s32 $0x0, s20;
	[sflag:s22] =	ssyncset.done $0x0  }
0xa2: {  	[sflag:s22] =	ssyncadd.s32 s6;
	_ =	sdelay $0x1  }
0xa3: {  	s23 =	simm.s32 $0x1B8B  }
0xa4: {  	_ =	swait.ge [sflag:s23], $0x1  }
0xa5: {  	[sflag:s23] =	ssyncset.done $0x0  }
0xa6: {  	s25 =	simm.s32 $0x1B8E;
	s24 =	sld [smem:$0x3FFE];
	[sflag:s23] =	ssyncadd.s32 $0xFFFFFFFF  }
0xa7: {  	s26 =	simm.s32 $execute0_lowered;
	[smem:$0x3FD2] =	sst s25  }
0xa8: {  	s7 =	sshll.u32 s26, $0x1;
	_ =	strace $0x80000046;
	[dreg:$0x1] =	wrdreg $0xFFFFFFFF  }
0xa9: {  	s28 =	simm.s32 $_size_execute0_lowered;
	s5 =	sadd.s32 s5, s7;
	[dreg:$0x0] =	wrdreg $0x0  }
0xaa: {  	s7 =	sshll.u32 s28, $0x1;
	[dreg:$0x2] =	wrdreg s5  }
0xab: {  	[dreg:$0x3] =	wrdreg s7  }
0xac: {  	[dreg:$0x4] =	wrdreg $0xC0  }
0xad: {  	_ =	task [dreg:s9], $0x5FFFF  }
0xae: {  	[dreg:$0x1] =	wrdreg $0xFFFFFFFF  }
0xaf: {  	[dreg:$0x0] =	wrdreg $0x60  }
0xb0: {  	[dreg:$0x2] =	wrdreg s24  }
0xb1: {  	[dreg:$0x3] =	wrdreg s2  }
0xb2: {  	[dreg:$0x4] =	wrdreg s18  }
0xb3: {  	[dreg:$0x5] =	wrdreg s4  }
0xb4: {  	[dreg:$0x6] =	wrdreg $0x9  }
0xb5: {  	_ =	task.clear_ibuf [dreg:s9], $0x7FFFF;
	_ =	strace $0x90000046  }
0xb6: {  	s29 =	simm.s32 $0x9;
	_ =	strace $0x80000048  }
0xb7: {  	_ =	swait.ge [sflag:s29], $0x1  }
0xb8: {  	[sflag:s29] =	ssyncadd.s32 $0xFFFFFFFF  }
0xb9: {  	_ =	strace $0x90000048  }
0xba: {  	_ =	sfence  }
0xbb: {  	s30 =	sld [smem:$0x0];
	_ =	sdelay $0x2  }
0xbc: {  	s31 =	sshll.u32 s1, $0xD;
	s1 =	sshrl.u32 s1, $0x2  }
0xbd: {  	s3 =	sand.u32 $0x4000, s31;
	s1 =	sadd.s32 s1, s30  }
0xbe: {  	s0 =	sor.u32 s3, s0;
	s1 =	sshll.u32 s1, $0x11  }
0xbf: {  	s0 =	sor.u32 s1, s0  }
0xc0: {  	s0 =	sadd.s32 $0x8F2B, s0  }
0xc1: {  	[sflag:s0] =	ssyncadd.remote.s32 $0x1  }
0xc2: {  	_ =	sfence.sel $0xFFFF  }
0xc3: {  	[dreg:$0x0] =	wrdreg $0xFFFFFFFF;
	(pc) =	sbr.abs _section_cstart, $3  }
0xc4: {  	[dreg:$0x1] =	wrdreg $0xFFFFFFFF  }
0xc5: {  	_ =	task.clear_ibuf [dreg:s9], $0x2FFFF;
	_ =	strace $0x9FFFFFFF  }
0xc6: {  	(tm) =	ssettm $0x7FFFFFFF  }
0xc7: {  	_ =	shalt  }
tec
execute0_lowered:
.L_overlay_start_1:
0x0: {  	(tag) =	ssettag $0x1  }
0x1: {  	s0 =	rddreg [dreg:$0x0]  }
0x2: {  	s2 =	srdreg.scid;
	s1 =	rddreg [dreg:$0x1]  }
0x3: {  	s10 =	stileid.u32;
	s4 =	rddreg [dreg:$0x3];
	s17 =	simm.s32 $0x0  }
0x4: {  	s29 =	simm.s32 $0x80;
	s30 =	simm.s32 $0x10000;
	s7 =	smul.u32 $0x64, s10  }
0x5: {  	s31 =	simm.s32 $0x14000;
	s2 =	sand.u32 $0x1, s2;
	s23 =	smul.u32 $0x3200, s10  }
0x6: {  	s3 =	sshll.u32 s10, $0x1;
	[smem:$0x7FF] =	sst s17;
	s8 =	smul.u32 $0x32, s2  }
0x7: {  	s3 =	sor.u32 s2, s3;
	s19 =	ssub.s32 $0x2, s2;
	s2 =	smul.u32 $0x1900, s2  }
0x8: {  	s28 =	simm.s32 $0x8;
	_ =	strace $0x80000047;
	s5 =	smul.u32 $0x380, s3  }
0x9: {  	s9 =	sshrl.u32 s19, $0x1;
	s6 =	smul.u32 $0x32, s3;
	s20 =	sadd.s32 s8, s7  }
0xa: {  	s8 =	sadd.s32 s2, s23;
	s0 =	sadd.s32 s5, s0;
	s5 =	ssub.s32 s19, s9  }
0xb: {  	s21 =	sshll.u32 s20, $0x4;
	s22 =	sshll.u32 s6, $0xB;
	s25 =	sor.u32 $0x1, s6  }
0xc: {  	s26 =	sadd.s32 $0x2, s6;
	s3 =	sshll.u32 s20, $0x7;
	[dreg:$0xe] =	wrdreg s8  }
0xd: {  	s0 =	sadd.s32 $0x400, s0;
	s24 =	sadd.s32 $0x2D0, s21;
	[dreg:$0x6] =	wrdreg s25  }
0xe: {  	s7 =	sadd.s32 s4, s22;
	[dreg:$0x7] =	wrdreg s26;
	s13 =	sadd.s32 $0x2E0, s21  }
0xf: {  	s14 =	sadd.s32 $0x2F0, s21;
	s5 =	smax.u32 s5, $0x1;
	s19 =	sadd.s32 $0x300, s21  }
0x10: {  	s20 =	sor.u32 $0x80, s3;
	s22 =	sadd.s32 $0x180, s3;
	[dreg:$0x5] =	wrdreg s0  }
0x11: {  	s9 =	smulhi.u32 $0xA3D70A4, s24;
	s11 =	sadd.s32 $0x16800, s7;
	[dreg:$0xd] =	wrdreg s5  }
0x12: {  	s12 =	sadd.s32 $0x17000, s7;
	s10 =	smulhi.u32 $0xA3D70A4, s13;
	[dreg:$0xf] =	wrdreg s20  }
0x13: {  	s15 =	smulhi.u32 $0xA3D70A4, s14;
	s0 =	sadd.s32 $0x310, s21;
	[dreg:$0x11] =	wrdreg s22  }
0x14: {  	s21 =	sadd.s32 $0x100, s3;
	s3 =	sadd.s32 $0x200, s3;
	[dreg:$0x8] =	wrdreg s11  }
0x15: {  	s13 =	simm.s32 $0x7;
	[dreg:$0x9] =	wrdreg s12;
	s0 =	smulhi.u32 $0xA3D70A4, s0  }
0x16: {  	s11 =	sadd.s32 $0x17800, s7;
	[dreg:$0x10] =	wrdreg s21;
	s9 =	smul.u32 $0xC8, s9  }
0x17: {  	s12 =	sadd.s32 $0x18000, s7;
	[dreg:$0x12] =	wrdreg s3;
	s16 =	smul.u32 $0xC8, s10  }
0x18: {  	s7 =	sadd.s32 $0x18800, s7;
	[dreg:$0xa] =	wrdreg s11;
	s18 =	smul.u32 $0xC8, s15  }
0x19: {  	s14 =	simm.s32 $0x4;
	[dreg:$0xc] =	wrdreg s7;
	s7 =	smulhi.u32 $0xA3D70A4, s19  }
0x1a: {  	[dreg:$0xb] =	wrdreg s12;
	s0 =	smul.u32 $0xC8, s0;
	s23 =	ssub.s32 s8, s9  }
0x1b: {  	s7 =	smul.u32 $0xC8, s7;
	s2 =	ssub.s32 s8, s16;
	s3 =	sadd.s32 $0x1680, s23  }
0x1c: {  	s24 =	ssub.s32 s8, s18;
	s2 =	sadd.s32 $0x1700, s2;
	[dreg:$0x13] =	wrdreg s3  }
0x1d: {  	s0 =	ssub.s32 s8, s0;
	[dreg:$0x14] =	wrdreg s2;
	s2 =	sadd.s32 $0x1780, s24  }
0x1e: {  	s25 =	ssub.s32 s8, s7;
	s0 =	sadd.s32 $0x1880, s0;
	[dreg:$0x15] =	wrdreg s2  }
0x1f: {  	s12 =	simm.s32 $0x8000;
	s26 =	sadd.s32 $0x1800, s25;
	[dreg:$0x17] =	wrdreg s0  }
0x20: {  	s15 =	simm.s32 $0x5;
	s2 =	simm.s32 $0x0;
	[dreg:$0x16] =	wrdreg s26  }
.LBB2_1:
0x21: {  	[dreg:$0x18] =	wrdreg s2  }
0x22: {  	s0 =	rddreg [dreg:$0x2];
	s22 =	simm.s32 $0xB  }
0x23: {  	[tilespmem:s17], [sflag:$0xB] =	stream.linear.gather [hbm4b:s0+s17], $0x6400, $0x38;
	[tilespmem:$0x1C000] =	vst v63  }
0x24: {  	_ =	swait.ge [sflag:s22], $0x6400  }
0x25: {  	[sflag:s22] =	ssyncset.done $0x0  }
0x26: {  	s3 =	simm.s32 $0x6400;
	s23 =	rddreg [dreg:$0x5];
	[sflag:s22] =	ssyncadd.s32 $0xFFFF9C00  }
0x27: {  	[tilespmem:s3], [sflag:$0xB] =	stream.linear.gather [hbm4b:s23+s17], $0x1900, $0x38;
	[tilespmem:$0x1C000] =	vst v63  }
0x28: {  	_ =	swait.ge [sflag:s22], $0x1900  }
0x29: {  	[sflag:s22] =	ssyncset.done $0x0;
	s20 =	rddreg [dreg:$0x12]  }
0x2a: {  	s16 =	rddreg [dreg:$0x11];
	[sflag:s22] =	ssyncadd.s32 $0xFFFFE700  }
0x2b: {  	[tilespmem:s12], [sflag:$0x1] =	stream.indirect.gather [hbm4b:s1+s29], $0x80, s3, s29, $0xb8;
	[tilespmem:$0x1C000] =	vst v63  }
0x2c: {  	s24 =	simm.s32 $0x6480;
	s25 =	simm.s32 $0xC000;
	s21 =	rddreg [dreg:$0x10]  }
0x2d: {  	[tilespmem:s25], [sflag:$0x2] =	stream.indirect.gather [hbm4b:s1+s29], $0x80, s24, s29, $0xb8;
	[tilespmem:$0x1C000] =	vst v63  }
0x2e: {  	s26 =	simm.s32 $0x6500;
	s22 =	rddreg [dreg:$0xe]  }
0x2f: {  	[tilespmem:s30], [sflag:$0x3] =	stream.indirect.gather [hbm4b:s1+s29], $0x80, s26, s29, $0xb8;
	[tilespmem:$0x1C000] =	vst v63  }
0x30: {  	s23 =	simm.s32 $0x0;
	s26 =	rddreg [dreg:$0xf]  }
.LBB2_2:
0x31: {  	s0 =	smulhi.u32 $0x51EB851F, s22  }
0x32: {  	s19 =	smul.u32 $0x5, s23  }
0x33: {  	p0 =	seq.s32 s23, $0x0  }
0x34: {  	s2 =	simm.s32 @!p0 $0x9;
	s0 =	sshrl.u32 s0, $0x6;
	s25 =	sadd.s32 $0x3, s19  }
0x35: {  	_ =	swait.ge @!p0 [sflag:s2], $0x4000;
	s0 =	smul.u32 $0xC8, s0;
	s3 =	sshll.u32 s25, $0x7  }
0x36: {  	[sflag:s2] =	ssyncset.done @!p0 $0x0;
	s3 =	sand.u32 $0x3FFFFF80, s3  }
0x37: {  	[sflag:s2] =	ssyncadd.s32 @!p0 $0xFFFFC000;
	s0 =	ssub.s32 s22, s0;
	s11 =	sadd.s32 $0x6400, s3  }
0x38: {  	[tilespmem:s31], [sflag:$0x4] =	stream.indirect.gather [hbm4b:s1+s29], $0x80, s11, s29, $0xb8;
	[tilespmem:$0x1C000] =	vst v63  }
0x39: {  	s2 =	simm.s32 $0x0;
	p1 =	slt.u32 s0, $0xC8  }
0x3a: {  	s17 =	simm.s32 $0x1;
	s2 =	simm.s32 @!p1 $0x7FFF38  }
0x3b: {  	_ =	swait.ge [sflag:s17], $0x4000;
	s2 =	sadd.s32 s0, s2  }
0x3c: {  	[sflag:s17] =	ssyncset.done $0x0;
	s2 =	sshll.u32 s2, $0x9  }
0x3d: {  	[sflag:s17] =	ssyncadd.s32 $0xFFFFC000;
	s7 =	sshra.s32 s2, $0x2  }
0x3e: {  	v0 =	vld [tilespmem:s7+$0x0];
	_ =	sdelay $0x3  }
0x3f: {  	s8 =	simm.s32 $0x0  }
0x40: {  	[tilespmem:s8+$0x8000] =	vst.add.f32.msk $0xffff, v0  }
0x41: {  	v0 =	vld [tilespmem:s7+$0x10];
	_ =	sdelay $0x3  }
0x42: {  	s0 =	sadd.s32 $0x1, s0  }
0x43: {  	p1 =	slt.u32 s0, $0xC8;
	s2 =	simm.s32 $0x0;
	[tilespmem:s8+$0x8010] =	vst.add.f32.msk $0xffff, v0  }
0x44: {  	s2 =	simm.s32 @!p1 $0x7FFF38;
	v0 =	vld [tilespmem:s7+$0x20]  }
0x45: {  	s2 =	sadd.s32 s0, s2  }
0x46: {  	s2 =	sshll.u32 s2, $0x9  }
0x47: {  	s5 =	sshra.s32 s2, $0x2  }
0x48: {  	v1 =	vld [tilespmem:s5+$0x0]  }
0x49: {  	[tilespmem:s8+$0x8020] =	vst.add.f32.msk $0xffff, v0  }
0x4a: {  	v0 =	vld [tilespmem:s7+$0x30];
	_ =	sdelay $0x1  }
0x4b: {  	s17 =	simm.s32 $0x80;
	s0 =	sadd.s32 $0x1, s0  }
0x4c: {  	p1 =	slt.u32 s0, $0xC8;
	s2 =	simm.s32 $0x0;
	[tilespmem:s17+$0x8000] =	vst.add.f32.msk $0xffff, v1  }
0x4d: {  	s2 =	simm.s32 @!p1 $0x7FFF38;
	v1 =	vld [tilespmem:s5+$0x10]  }
0x4e: {  	s2 =	sadd.s32 s0, s2;
	[tilespmem:s8+$0x8030] =	vst.add.f32.msk $0xffff, v0  }
0x4f: {  	s2 =	sshll.u32 s2, $0x9;
	v0 =	vld [tilespmem:s7+$0x40]  }
0x50: {  	s2 =	sshra.s32 s2, $0x2  }
0x51: {  	v2 =	vld [tilespmem:s2+$0x0]  }
0x52: {  	s18 =	smulhi.u32 $0x51EB851F, s20;
	[tilespmem:s17+$0x8010] =	vst.add.f32.msk $0xffff, v1  }
0x53: {  	v1 =	vld [tilespmem:s5+$0x20]  }
0x54: {  	s3 =	sshrl.u32 s18, $0x6;
	[tilespmem:s8+$0x8040] =	vst.add.f32.msk $0xffff, v0  }
0x55: {  	s9 =	smul.u32 $0xC8, s3;
	s3 =	simm.s32 $0x100;
	v0 =	vld [tilespmem:s7+$0x50]  }
0x56: {  	[tilespmem:s3+$0x8000] =	vst.add.f32.msk $0xffff, v2  }
0x57: {  	v2 =	vld [tilespmem:s2+$0x10]  }
0x58: {  	[tilespmem:s17+$0x8020] =	vst.add.f32.msk $0xffff, v1  }
0x59: {  	s10 =	smulhi.u32 $0x51EB851F, s16;
	v1 =	vld [tilespmem:s5+$0x30]  }
0x5a: {  	s24 =	smulhi.u32 $0x51EB851F, s26;
	[tilespmem:s8+$0x8050] =	vst.add.f32.msk $0xffff, v0  }
0x5b: {  	s10 =	sshrl.u32 s10, $0x6;
	s18 =	smulhi.u32 $0x51EB851F, s21;
	v0 =	vld [tilespmem:s7+$0x60]  }
0x5c: {  	s24 =	sshrl.u32 s24, $0x6;
	s10 =	smul.u32 $0xC8, s10  }
0x5d: {  	s31 =	smul.u32 $0xC8, s24;
	s18 =	sshrl.u32 s18, $0x6;
	[tilespmem:s3+$0x8010] =	vst.add.f32.msk $0xffff, v2  }
0x5e: {  	s12 =	simm.s32 $0x0;
	s30 =	smul.u32 $0xC8, s18;
	[tilespmem:s17+$0x8030] =	vst.add.f32.msk $0xffff, v1  }
0x5f: {  	s24 =	ssub.s32 s20, s9;
	s18 =	ssub.s32 s16, s10;
	s10 =	simm.s32 $0x800;
	v1 =	vld [tilespmem:s5+$0x40]  }
0x60: {  	s9 =	ssub.s32 s21, s30;
	s30 =	ssub.s32 s26, s31;
	s0 =	sadd.s32 $0x1, s0;
	[tilespmem:s8+$0x8060] =	vst.add.f32.msk $0xffff, v0  }
0x61: {  	s31 =	sadd.s32 s6, s19;
	p2 =	slt.u32 s0, $0xC8;
	v0 =	vld [tilespmem:s7+$0x70];
	s7 =	simm.s32 $0x600  }
.LBB2_3:
0x62: {  	s11 =	simm.s32 $0x0  }
0x63: {  	p1 =	sne.s32 s10, $0xFE00;
	v2 =	vld [tilespmem:s2+$0x20];
	s11 =	simm.s32 @!p2 $0x7FFF38  }
0x64: {  	s11 =	sadd.s32 s0, s11;
	[tilespmem:s17+$0x8040] =	vst.add.f32.msk $0xffff, v1  }
0x65: {  	s11 =	sshll.u32 s11, $0x9;
	v1 =	vld [tilespmem:s5+$0x50]  }
0x66: {  	s11 =	sshra.s32 s11, $0x2;
	[tilespmem:s8+$0x8070] =	vst.add.f32.msk $0xffff, v0;
	s8 =	smov.u32 s17;
	s17 =	smov.u32 s3  }
0x67: {  	v0 =	vld [tilespmem:s11+$0x0]  }
0x68: {  	[tilespmem:s17+$0x8020] =	vst.add.f32.msk $0xffff, v2  }
0x69: {  	v2 =	vld [tilespmem:s2+$0x30]  }
0x6a: {  	[tilespmem:s8+$0x8050] =	vst.add.f32.msk $0xffff, v1  }
0x6b: {  	s3 =	sshra.s32 s7, $0x2;
	s7 =	smov.u32 s10;
	v3 =	vld [tilespmem:s5+$0x60]  }
0x6c: {  	[tilespmem:s3+$0x8000] =	vst.add.f32.msk $0xffff, v0  }
0x6d: {  	v4 =	vld [tilespmem:s11+$0x10]  }
.Ltmp0:
0x6e: {  	[tilespmem:s17+$0x8030] =	vst.add.f32.msk $0xffff, v2;
	(pc) =	sbr.rel @p1 .LBB2_3-.Ltmp0, $4  }
0x6f: {  	v1 =	vld [tilespmem:s2+$0x40]  }
0x70: {  	[tilespmem:s8+$0x8060] =	vst.add.f32.msk $0xffff, v3  }
0x71: {  	s0 =	sadd.s32 $0x1, s0;
	v0 =	vld [tilespmem:s5+$0x70];
	s5 =	smov.u32 s2;
	s2 =	smov.u32 s11  }
0x72: {  	p2 =	slt.u32 s0, $0xC8;
	s10 =	sadd.s32 $0x200, s10;
	[tilespmem:s3+$0x8010] =	vst.add.f32.msk $0xffff, v4  }
0x73: {  	s10 =	simm.s32 $0x0  }
0x74: {  	s10 =	simm.s32 @!p2 $0x7FFF38  }
0x75: {  	s0 =	sadd.s32 s0, s10  }
0x76: {  	s0 =	sshll.u32 s0, $0x9  }
0x77: {  	s0 =	sshra.s32 s0, $0x2  }
0x78: {  	v2 =	vld [tilespmem:s0+$0x0];
	_ =	sdelay $0x3  }
0x79: {  	s7 =	sshra.s32 s7, $0x2  }
0x7a: {  	[tilespmem:s7+$0x8000] =	vst.add.f32.msk $0xffff, v2  }
0x7b: {  	v2 =	vld [tilespmem:s0+$0x10];
	_ =	sdelay $0x3  }
0x7c: {  	v3 =	vld [tilespmem:s2+$0x20]  }
0x7d: {  	[tilespmem:s7+$0x8010] =	vst.add.f32.msk $0xffff, v2  }
0x7e: {  	v2 =	vld [tilespmem:s0+$0x20];
	_ =	sdelay $0x2  }
0x7f: {  	[tilespmem:s3+$0x8020] =	vst.add.f32.msk $0xffff, v3  }
0x80: {  	v3 =	vld [tilespmem:s2+$0x30]  }
0x81: {  	[tilespmem:s7+$0x8020] =	vst.add.f32.msk $0xffff, v2  }
0x82: {  	v2 =	vld [tilespmem:s0+$0x30];
	_ =	sdelay $0x2  }
0x83: {  	[tilespmem:s3+$0x8030] =	vst.add.f32.msk $0xffff, v3  }
0x84: {  	v3 =	vld [tilespmem:s2+$0x40]  }
0x85: {  	[tilespmem:s7+$0x8030] =	vst.add.f32.msk $0xffff, v2  }
0x86: {  	v2 =	vld [tilespmem:s0+$0x40]  }
0x87: {  	[tilespmem:s17+$0x8040] =	vst.add.f32.msk $0xffff, v1  }
0x88: {  	v1 =	vld [tilespmem:s5+$0x50]  }
0x89: {  	[tilespmem:s3+$0x8040] =	vst.add.f32.msk $0xffff, v3  }
0x8a: {  	v3 =	vld [tilespmem:s2+$0x50]  }
0x8b: {  	[tilespmem:s7+$0x8040] =	vst.add.f32.msk $0xffff, v2  }
0x8c: {  	v2 =	vld [tilespmem:s0+$0x50]  }
0x8d: {  	[tilespmem:s17+$0x8050] =	vst.add.f32.msk $0xffff, v1  }
0x8e: {  	v1 =	vld [tilespmem:s5+$0x60]  }
0x8f: {  	[tilespmem:s3+$0x8050] =	vst.add.f32.msk $0xffff, v3  }
0x90: {  	v3 =	vld [tilespmem:s2+$0x60]  }
0x91: {  	[tilespmem:s7+$0x8050] =	vst.add.f32.msk $0xffff, v2  }
0x92: {  	v2 =	vld [tilespmem:s0+$0x60]  }
0x93: {  	[tilespmem:s17+$0x8060] =	vst.add.f32.msk $0xffff, v1  }
0x94: {  	v1 =	vld [tilespmem:s5+$0x70]  }
0x95: {  	[tilespmem:s3+$0x8060] =	vst.add.f32.msk $0xffff, v3  }
0x96: {  	v3 =	vld [tilespmem:s2+$0x70]  }
0x97: {  	[tilespmem:s7+$0x8060] =	vst.add.f32.msk $0xffff, v2  }
0x98: {  	v2 =	vld [tilespmem:s0+$0x70];
	_ =	sdelay $0x1  }
0x99: {  	[tilespmem:s8+$0x8070] =	vst.add.f32.msk $0xffff, v0  }
0x9a: {  	[tilespmem:s17+$0x8070] =	vst.add.f32.msk $0xffff, v1  }
0x9b: {  	s11 =	sshll.u32 s31, $0xB;
	[tilespmem:s3+$0x8070] =	vst.add.f32.msk $0xffff, v3  }
0x9c: {  	s17 =	simm.s32 $0x8000;
	s0 =	sadd.s32 s4, s11;
	[tilespmem:s7+$0x8070] =	vst.add.f32.msk $0xffff, v2  }
0x9d: {  	[hbm4b:s0+s12] =	stream.linear.scatter [tilespmem:s17], [sflag:$0x6], $0x4000, $0x38;
	[tilespmem:$0x1C000] =	vst v63  }
0x9e: {  	s0 =	simm.s32 @!p0 $0xA  }
0x9f: {  	s17 =	sadd.s32 $0x4, s19;
	_ =	swait.ge @!p0 [sflag:s0], $0x4000  }
0xa0: {  	s3 =	sshll.u32 s17, $0x7;
	[sflag:s0] =	ssyncset.done @!p0 $0x0  }
0xa1: {  	s7 =	simm.s32 $0x18000;
	s2 =	sand.u32 $0x3FFFFF80, s3;
	[sflag:s0] =	ssyncadd.s32 @!p0 $0xFFFFC000  }
0xa2: {  	s5 =	sadd.s32 $0x6400, s2;
	p0 =	slt.u32 s30, $0xC8;
	s0 =	simm.s32 $0x0  }
0xa3: {  	[tilespmem:s7], [sflag:$0x5] =	stream.indirect.gather [hbm4b:s1+s29], $0x80, s5, s29, $0xb8;
	[tilespmem:$0x1C000] =	vst v63  }
0xa4: {  	s8 =	simm.s32 $0x2;
	s0 =	simm.s32 @!p0 $0x7FFF38  }
0xa5: {  	_ =	swait.ge [sflag:s8], $0x4000;
	s0 =	sadd.s32 s30, s0  }
0xa6: {  	[sflag:s8] =	ssyncset.done $0x0;
	s0 =	sshll.u32 s0, $0x9  }
0xa7: {  	[sflag:s8] =	ssyncadd.s32 $0xFFFFC000;
	s7 =	sshra.s32 s0, $0x2  }
0xa8: {  	v0 =	vld [tilespmem:s7+$0x0];
	_ =	sdelay $0x3  }
0xa9: {  	s5 =	simm.s32 $0x0  }
0xaa: {  	[tilespmem:s5+$0xC000] =	vst.add.f32.msk $0xffff, v0  }
0xab: {  	v0 =	vld [tilespmem:s7+$0x10];
	_ =	sdelay $0x3  }
0xac: {  	s10 =	sadd.s32 $0x1, s30  }
0xad: {  	s2 =	simm.s32 $0x0;
	p0 =	slt.u32 s10, $0xC8;
	[tilespmem:s5+$0xC010] =	vst.add.f32.msk $0xffff, v0  }
0xae: {  	s2 =	simm.s32 @!p0 $0x7FFF38;
	v0 =	vld [tilespmem:s7+$0x20]  }
0xaf: {  	s2 =	sadd.s32 s10, s2  }
0xb0: {  	s2 =	sshll.u32 s2, $0x9  }
0xb1: {  	s30 =	sshra.s32 s2, $0x2  }
0xb2: {  	v1 =	vld [tilespmem:s30+$0x0]  }
0xb3: {  	[tilespmem:s5+$0xC020] =	vst.add.f32.msk $0xffff, v0  }
0xb4: {  	v0 =	vld [tilespmem:s7+$0x30];
	_ =	sdelay $0x1  }
0xb5: {  	s8 =	simm.s32 $0x80  }
0xb6: {  	[tilespmem:s8+$0xC000] =	vst.add.f32.msk $0xffff, v1  }
0xb7: {  	v1 =	vld [tilespmem:s30+$0x10]  }
0xb8: {  	[tilespmem:s5+$0xC030] =	vst.add.f32.msk $0xffff, v0  }
0xb9: {  	v0 =	vld [tilespmem:s7+$0x40];
	_ =	sdelay $0x1  }
0xba: {  	s0 =	sadd.s32 $0x1, s10  }
0xbb: {  	p0 =	slt.u32 s0, $0xC8;
	s2 =	simm.s32 $0x0;
	[tilespmem:s8+$0xC010] =	vst.add.f32.msk $0xffff, v1  }
0xbc: {  	s2 =	simm.s32 @!p0 $0x7FFF38;
	v1 =	vld [tilespmem:s30+$0x20]  }
0xbd: {  	s2 =	sadd.s32 s0, s2;
	[tilespmem:s5+$0xC040] =	vst.add.f32.msk $0xffff, v0  }
0xbe: {  	s2 =	sshll.u32 s2, $0x9;
	v0 =	vld [tilespmem:s7+$0x50]  }
0xbf: {  	s2 =	sshra.s32 s2, $0x2  }
0xc0: {  	v2 =	vld [tilespmem:s2+$0x0]  }
0xc1: {  	[tilespmem:s8+$0xC020] =	vst.add.f32.msk $0xffff, v1  }
0xc2: {  	v1 =	vld [tilespmem:s30+$0x30]  }
0xc3: {  	[tilespmem:s5+$0xC050] =	vst.add.f32.msk $0xffff, v0  }
0xc4: {  	s31 =	simm.s32 $0x100;
	v0 =	vld [tilespmem:s7+$0x60]  }
0xc5: {  	[tilespmem:s31+$0xC000] =	vst.add.f32.msk $0xffff, v2  }
0xc6: {  	v2 =	vld [tilespmem:s2+$0x10]  }
0xc7: {  	[tilespmem:s8+$0xC030] =	vst.add.f32.msk $0xffff, v1  }
0xc8: {  	v1 =	vld [tilespmem:s30+$0x40]  }
0xc9: {  	s12 =	simm.s32 $0x8000;
	[tilespmem:s5+$0xC060] =	vst.add.f32.msk $0xffff, v0  }
0xca: {  	s10 =	simm.s32 $0x800;
	s0 =	sadd.s32 $0x1, s0;
	s11 =	rddreg [dreg:$0x6];
	v0 =	vld [tilespmem:s7+$0x70]  }
0xcb: {  	p1 =	slt.u32 s0, $0xC8;
	s7 =	simm.s32 $0x600;
	[tilespmem:s31+$0xC010] =	vst.add.f32.msk $0xffff, v2;
	s3 =	sadd.s32 s19, s11  }
.LBB2_5:
0xcc: {  	s11 =	simm.s32 $0x0  }
0xcd: {  	p0 =	sne.s32 s10, $0xFE00;
	v2 =	vld [tilespmem:s2+$0x20];
	s11 =	simm.s32 @!p1 $0x7FFF38  }
0xce: {  	s11 =	sadd.s32 s0, s11;
	[tilespmem:s8+$0xC040] =	vst.add.f32.msk $0xffff, v1  }
0xcf: {  	s11 =	sshll.u32 s11, $0x9;
	v1 =	vld [tilespmem:s30+$0x50]  }
0xd0: {  	s11 =	sshra.s32 s11, $0x2;
	[tilespmem:s5+$0xC070] =	vst.add.f32.msk $0xffff, v0;
	s5 =	smov.u32 s8;
	s8 =	smov.u32 s31  }
0xd1: {  	v0 =	vld [tilespmem:s11+$0x0]  }
0xd2: {  	[tilespmem:s8+$0xC020] =	vst.add.f32.msk $0xffff, v2  }
0xd3: {  	v2 =	vld [tilespmem:s2+$0x30]  }
0xd4: {  	[tilespmem:s5+$0xC050] =	vst.add.f32.msk $0xffff, v1  }
0xd5: {  	s31 =	sshra.s32 s7, $0x2;
	s7 =	smov.u32 s10;
	v3 =	vld [tilespmem:s30+$0x60]  }
0xd6: {  	[tilespmem:s31+$0xC000] =	vst.add.f32.msk $0xffff, v0  }
0xd7: {  	v4 =	vld [tilespmem:s11+$0x10]  }
.Ltmp1:
0xd8: {  	[tilespmem:s8+$0xC030] =	vst.add.f32.msk $0xffff, v2;
	(pc) =	sbr.rel @p0 .LBB2_5-.Ltmp1, $4  }
0xd9: {  	v1 =	vld [tilespmem:s2+$0x40]  }
0xda: {  	[tilespmem:s5+$0xC060] =	vst.add.f32.msk $0xffff, v3  }
0xdb: {  	s0 =	sadd.s32 $0x1, s0;
	v0 =	vld [tilespmem:s30+$0x70];
	s30 =	smov.u32 s2;
	s2 =	smov.u32 s11  }
0xdc: {  	p1 =	slt.u32 s0, $0xC8;
	s10 =	sadd.s32 $0x200, s10;
	[tilespmem:s31+$0xC010] =	vst.add.f32.msk $0xffff, v4  }
0xdd: {  	s10 =	simm.s32 $0x0  }
0xde: {  	s10 =	simm.s32 @!p1 $0x7FFF38  }
0xdf: {  	s0 =	sadd.s32 s0, s10  }
0xe0: {  	s0 =	sshll.u32 s0, $0x9  }
0xe1: {  	s0 =	sshra.s32 s0, $0x2  }
0xe2: {  	v2 =	vld [tilespmem:s0+$0x0];
	_ =	sdelay $0x3  }
0xe3: {  	s7 =	sshra.s32 s7, $0x2  }
0xe4: {  	[tilespmem:s7+$0xC000] =	vst.add.f32.msk $0xffff, v2  }
0xe5: {  	v2 =	vld [tilespmem:s0+$0x10];
	_ =	sdelay $0x3  }
0xe6: {  	v3 =	vld [tilespmem:s2+$0x20]  }
0xe7: {  	[tilespmem:s7+$0xC010] =	vst.add.f32.msk $0xffff, v2  }
0xe8: {  	v2 =	vld [tilespmem:s0+$0x20];
	_ =	sdelay $0x2  }
0xe9: {  	[tilespmem:s31+$0xC020] =	vst.add.f32.msk $0xffff, v3  }
0xea: {  	v3 =	vld [tilespmem:s2+$0x30]  }
0xeb: {  	[tilespmem:s7+$0xC020] =	vst.add.f32.msk $0xffff, v2  }
0xec: {  	v2 =	vld [tilespmem:s0+$0x30];
	_ =	sdelay $0x2  }
0xed: {  	[tilespmem:s31+$0xC030] =	vst.add.f32.msk $0xffff, v3  }
0xee: {  	v3 =	vld [tilespmem:s2+$0x40]  }
0xef: {  	[tilespmem:s7+$0xC030] =	vst.add.f32.msk $0xffff, v2  }
0xf0: {  	v2 =	vld [tilespmem:s0+$0x40]  }
0xf1: {  	[tilespmem:s8+$0xC040] =	vst.add.f32.msk $0xffff, v1  }
0xf2: {  	v1 =	vld [tilespmem:s30+$0x50]  }
0xf3: {  	[tilespmem:s31+$0xC040] =	vst.add.f32.msk $0xffff, v3  }
0xf4: {  	v3 =	vld [tilespmem:s2+$0x50]  }
0xf5: {  	[tilespmem:s7+$0xC040] =	vst.add.f32.msk $0xffff, v2  }
0xf6: {  	v2 =	vld [tilespmem:s0+$0x50]  }
0xf7: {  	[tilespmem:s8+$0xC050] =	vst.add.f32.msk $0xffff, v1  }
0xf8: {  	v1 =	vld [tilespmem:s30+$0x60]  }
0xf9: {  	[tilespmem:s31+$0xC050] =	vst.add.f32.msk $0xffff, v3  }
0xfa: {  	v3 =	vld [tilespmem:s2+$0x60]  }
0xfb: {  	[tilespmem:s7+$0xC050] =	vst.add.f32.msk $0xffff, v2  }
0xfc: {  	v2 =	vld [tilespmem:s0+$0x60]  }
0xfd: {  	[tilespmem:s8+$0xC060] =	vst.add.f32.msk $0xffff, v1  }
0xfe: {  	v1 =	vld [tilespmem:s30+$0x70]  }
0xff: {  	[tilespmem:s31+$0xC060] =	vst.add.f32.msk $0xffff, v3  }
0x100: {  	v3 =	vld [tilespmem:s2+$0x70]  }
0x101: {  	[tilespmem:s7+$0xC060] =	vst.add.f32.msk $0xffff, v2  }
0x102: {  	v2 =	vld [tilespmem:s0+$0x70];
	_ =	sdelay $0x1  }
0x103: {  	[tilespmem:s5+$0xC070] =	vst.add.f32.msk $0xffff, v0  }
0x104: {  	[tilespmem:s8+$0xC070] =	vst.add.f32.msk $0xffff, v1;
	s8 =	sshll.u32 s3, $0xB  }
0x105: {  	s11 =	simm.s32 $0xC000;
	s10 =	simm.s32 $0x0;
	[tilespmem:s31+$0xC070] =	vst.add.f32.msk $0xffff, v3;
	s0 =	sand.u32 $0x1FFFF800, s8  }
0x106: {  	s5 =	simm.s32 $0x6;
	s3 =	smul.u32 $0xA00, s23;
	s0 =	sadd.s32 s4, s0;
	[tilespmem:s7+$0xC070] =	vst.add.f32.msk $0xffff, v2  }
0x107: {  	[hbm4b:s0+s10] =	stream.linear.scatter [tilespmem:s11], [sflag:$0x7], $0x4000, $0x38;
	[tilespmem:$0x1C000] =	vst v63  }
0x108: {  	_ =	swait.ge [sflag:s5], $0x4000  }
0x109: {  	s8 =	sshra.s32 s3, $0x2;
	[sflag:s5] =	ssyncset.done $0x0  }
0x10a: {  	s0 =	sadd.s32 $0x6680, s8;
	[sflag:s5] =	ssyncadd.s32 $0xFFFFC000  }
0x10b: {  	[tilespmem:s12], [sflag:$0x1] =	stream.indirect.gather [hbm4b:s1+s29], $0x80, s0, s29, $0xb8;
	[tilespmem:$0x1C000] =	vst v63  }
0x10c: {  	p0 =	slt.u32 s9, $0xC8;
	s0 =	simm.s32 $0x0  }
0x10d: {  	s7 =	simm.s32 $0x3;
	s0 =	simm.s32 @!p0 $0x7FFF38  }
0x10e: {  	_ =	swait.ge [sflag:s7], $0x4000;
	s0 =	sadd.s32 s9, s0  }
0x10f: {  	[sflag:s7] =	ssyncset.done $0x0;
	s0 =	sshll.u32 s0, $0x9  }
0x110: {  	[sflag:s7] =	ssyncadd.s32 $0xFFFFC000;
	s7 =	sshra.s32 s0, $0x2  }
0x111: {  	v0 =	vld [tilespmem:s7+$0x0];
	_ =	sdelay $0x3  }
0x112: {  	s5 =	simm.s32 $0x0  }
0x113: {  	[tilespmem:s5+$0x10000] =	vst.add.f32.msk $0xffff, v0  }
0x114: {  	v0 =	vld [tilespmem:s7+$0x10];
	_ =	sdelay $0x3  }
0x115: {  	s10 =	sadd.s32 $0x1, s9  }
0x116: {  	s2 =	simm.s32 $0x0;
	p0 =	slt.u32 s10, $0xC8;
	[tilespmem:s5+$0x10010] =	vst.add.f32.msk $0xffff, v0  }
0x117: {  	s2 =	simm.s32 @!p0 $0x7FFF38;
	v0 =	vld [tilespmem:s7+$0x20]  }
0x118: {  	s2 =	sadd.s32 s10, s2  }
0x119: {  	s2 =	sshll.u32 s2, $0x9  }
0x11a: {  	s30 =	sshra.s32 s2, $0x2  }
0x11b: {  	v1 =	vld [tilespmem:s30+$0x0]  }
0x11c: {  	[tilespmem:s5+$0x10020] =	vst.add.f32.msk $0xffff, v0  }
0x11d: {  	v0 =	vld [tilespmem:s7+$0x30];
	_ =	sdelay $0x1  }
0x11e: {  	s9 =	simm.s32 $0x80  }
0x11f: {  	[tilespmem:s9+$0x10000] =	vst.add.f32.msk $0xffff, v1  }
0x120: {  	v1 =	vld [tilespmem:s30+$0x10]  }
0x121: {  	[tilespmem:s5+$0x10030] =	vst.add.f32.msk $0xffff, v0  }
0x122: {  	v0 =	vld [tilespmem:s7+$0x40];
	_ =	sdelay $0x1  }
0x123: {  	s0 =	sadd.s32 $0x1, s10  }
0x124: {  	p0 =	slt.u32 s0, $0xC8;
	s2 =	simm.s32 $0x0;
	[tilespmem:s9+$0x10010] =	vst.add.f32.msk $0xffff, v1  }
0x125: {  	s2 =	simm.s32 @!p0 $0x7FFF38;
	v1 =	vld [tilespmem:s30+$0x20]  }
0x126: {  	s2 =	sadd.s32 s0, s2;
	[tilespmem:s5+$0x10040] =	vst.add.f32.msk $0xffff, v0  }
0x127: {  	s2 =	sshll.u32 s2, $0x9;
	v0 =	vld [tilespmem:s7+$0x50]  }
0x128: {  	s2 =	sshra.s32 s2, $0x2  }
0x129: {  	v2 =	vld [tilespmem:s2+$0x0]  }
0x12a: {  	[tilespmem:s9+$0x10020] =	vst.add.f32.msk $0xffff, v1  }
0x12b: {  	v1 =	vld [tilespmem:s30+$0x30]  }
0x12c: {  	[tilespmem:s5+$0x10050] =	vst.add.f32.msk $0xffff, v0  }
0x12d: {  	s31 =	simm.s32 $0x100;
	v0 =	vld [tilespmem:s7+$0x60]  }
0x12e: {  	[tilespmem:s31+$0x10000] =	vst.add.f32.msk $0xffff, v2  }
0x12f: {  	v2 =	vld [tilespmem:s2+$0x10]  }
0x130: {  	[tilespmem:s9+$0x10030] =	vst.add.f32.msk $0xffff, v1  }
0x131: {  	v1 =	vld [tilespmem:s30+$0x40]  }
0x132: {  	[tilespmem:s5+$0x10060] =	vst.add.f32.msk $0xffff, v0  }
0x133: {  	s10 =	simm.s32 $0x800;
	s0 =	sadd.s32 $0x1, s0;
	s11 =	rddreg [dreg:$0x7];
	v0 =	vld [tilespmem:s7+$0x70]  }
0x134: {  	p1 =	slt.u32 s0, $0xC8;
	s7 =	simm.s32 $0x600;
	[tilespmem:s31+$0x10010] =	vst.add.f32.msk $0xffff, v2;
	s3 =	sadd.s32 s19, s11  }
.LBB2_7:
0x135: {  	s11 =	simm.s32 $0x0  }
0x136: {  	p0 =	sne.s32 s10, $0xFE00;
	v2 =	vld [tilespmem:s2+$0x20];
	s11 =	simm.s32 @!p1 $0x7FFF38  }
0x137: {  	s11 =	sadd.s32 s0, s11;
	[tilespmem:s9+$0x10040] =	vst.add.f32.msk $0xffff, v1  }
0x138: {  	s11 =	sshll.u32 s11, $0x9;
	v1 =	vld [tilespmem:s30+$0x50]  }
0x139: {  	s11 =	sshra.s32 s11, $0x2;
	[tilespmem:s5+$0x10070] =	vst.add.f32.msk $0xffff, v0;
	s5 =	smov.u32 s9;
	s9 =	smov.u32 s31  }
0x13a: {  	v0 =	vld [tilespmem:s11+$0x0]  }
0x13b: {  	[tilespmem:s9+$0x10020] =	vst.add.f32.msk $0xffff, v2  }
0x13c: {  	v2 =	vld [tilespmem:s2+$0x30]  }
0x13d: {  	[tilespmem:s5+$0x10050] =	vst.add.f32.msk $0xffff, v1  }
0x13e: {  	s31 =	sshra.s32 s7, $0x2;
	s7 =	smov.u32 s10;
	v3 =	vld [tilespmem:s30+$0x60]  }
0x13f: {  	[tilespmem:s31+$0x10000] =	vst.add.f32.msk $0xffff, v0  }
0x140: {  	v4 =	vld [tilespmem:s11+$0x10]  }
.Ltmp2:
0x141: {  	[tilespmem:s9+$0x10030] =	vst.add.f32.msk $0xffff, v2;
	(pc) =	sbr.rel @p0 .LBB2_7-.Ltmp2, $4  }
0x142: {  	v1 =	vld [tilespmem:s2+$0x40]  }
0x143: {  	[tilespmem:s5+$0x10060] =	vst.add.f32.msk $0xffff, v3  }
0x144: {  	s0 =	sadd.s32 $0x1, s0;
	v0 =	vld [tilespmem:s30+$0x70];
	s30 =	smov.u32 s2;
	s2 =	smov.u32 s11  }
0x145: {  	p1 =	slt.u32 s0, $0xC8;
	s10 =	sadd.s32 $0x200, s10;
	[tilespmem:s31+$0x10010] =	vst.add.f32.msk $0xffff, v4  }
0x146: {  	s10 =	simm.s32 $0x0  }
0x147: {  	s10 =	simm.s32 @!p1 $0x7FFF38  }
0x148: {  	s0 =	sadd.s32 s0, s10  }
0x149: {  	s0 =	sshll.u32 s0, $0x9  }
0x14a: {  	s0 =	sshra.s32 s0, $0x2  }
0x14b: {  	v2 =	vld [tilespmem:s0+$0x0];
	_ =	sdelay $0x3  }
0x14c: {  	s7 =	sshra.s32 s7, $0x2  }
0x14d: {  	[tilespmem:s7+$0x10000] =	vst.add.f32.msk $0xffff, v2  }
0x14e: {  	v2 =	vld [tilespmem:s0+$0x10];
	_ =	sdelay $0x3  }
0x14f: {  	v3 =	vld [tilespmem:s2+$0x20]  }
0x150: {  	[tilespmem:s7+$0x10010] =	vst.add.f32.msk $0xffff, v2  }
0x151: {  	v2 =	vld [tilespmem:s0+$0x20];
	_ =	sdelay $0x2  }
0x152: {  	[tilespmem:s31+$0x10020] =	vst.add.f32.msk $0xffff, v3  }
0x153: {  	v3 =	vld [tilespmem:s2+$0x30]  }
0x154: {  	[tilespmem:s7+$0x10020] =	vst.add.f32.msk $0xffff, v2  }
0x155: {  	v2 =	vld [tilespmem:s0+$0x30];
	_ =	sdelay $0x2  }
0x156: {  	[tilespmem:s31+$0x10030] =	vst.add.f32.msk $0xffff, v3  }
0x157: {  	v3 =	vld [tilespmem:s2+$0x40]  }
0x158: {  	[tilespmem:s7+$0x10030] =	vst.add.f32.msk $0xffff, v2  }
0x159: {  	v2 =	vld [tilespmem:s0+$0x40]  }
0x15a: {  	[tilespmem:s9+$0x10040] =	vst.add.f32.msk $0xffff, v1  }
0x15b: {  	v1 =	vld [tilespmem:s30+$0x50]  }
0x15c: {  	[tilespmem:s31+$0x10040] =	vst.add.f32.msk $0xffff, v3  }
0x15d: {  	v3 =	vld [tilespmem:s2+$0x50]  }
0x15e: {  	[tilespmem:s7+$0x10040] =	vst.add.f32.msk $0xffff, v2  }
0x15f: {  	v2 =	vld [tilespmem:s0+$0x50]  }
0x160: {  	[tilespmem:s9+$0x10050] =	vst.add.f32.msk $0xffff, v1  }
0x161: {  	v1 =	vld [tilespmem:s30+$0x60]  }
0x162: {  	[tilespmem:s31+$0x10050] =	vst.add.f32.msk $0xffff, v3  }
0x163: {  	v3 =	vld [tilespmem:s2+$0x60]  }
0x164: {  	[tilespmem:s7+$0x10050] =	vst.add.f32.msk $0xffff, v2  }
0x165: {  	v2 =	vld [tilespmem:s0+$0x60]  }
0x166: {  	[tilespmem:s9+$0x10060] =	vst.add.f32.msk $0xffff, v1  }
0x167: {  	v1 =	vld [tilespmem:s30+$0x70]  }
0x168: {  	[tilespmem:s31+$0x10060] =	vst.add.f32.msk $0xffff, v3  }
0x169: {  	v3 =	vld [tilespmem:s2+$0x70]  }
0x16a: {  	[tilespmem:s7+$0x10060] =	vst.add.f32.msk $0xffff, v2  }
0x16b: {  	v2 =	vld [tilespmem:s0+$0x70];
	_ =	sdelay $0x1  }
0x16c: {  	[tilespmem:s5+$0x10070] =	vst.add.f32.msk $0xffff, v0  }
0x16d: {  	s5 =	sshll.u32 s3, $0xB;
	[tilespmem:s9+$0x10070] =	vst.add.f32.msk $0xffff, v1  }
0x16e: {  	[tilespmem:s31+$0x10070] =	vst.add.f32.msk $0xffff, v3;
	s0 =	sand.u32 $0x1FFFF800, s5  }
0x16f: {  	s30 =	simm.s32 $0x10000;
	s0 =	sadd.s32 s4, s0;
	[tilespmem:s7+$0x10070] =	vst.add.f32.msk $0xffff, v2;
	s7 =	simm.s32 $0x0  }
0x170: {  	[hbm4b:s0+s7] =	stream.linear.scatter [tilespmem:s30], [sflag:$0x8], $0x4000, $0x38;
	[tilespmem:$0x1C000] =	vst v63  }
0x171: {  	p0 =	slt.u32 s18, $0xC8;
	_ =	swait.ge [sflag:s13], $0x4000  }
0x172: {  	s10 =	simm.s32 $0xC000;
	s0 =	simm.s32 $0x0;
	[sflag:s13] =	ssyncset.done $0x0  }
0x173: {  	s9 =	sadd.s32 $0x6700, s8;
	s0 =	simm.s32 @!p0 $0x7FFF38;
	[sflag:s13] =	ssyncadd.s32 $0xFFFFC000  }
0x174: {  	[tilespmem:s10], [sflag:$0x2] =	stream.indirect.gather [hbm4b:s1+s29], $0x80, s9, s29, $0xb8;
	[tilespmem:$0x1C000] =	vst v63  }
0x175: {  	s0 =	sadd.s32 s18, s0;
	_ =	swait.ge [sflag:s14], $0x4000  }
0x176: {  	s0 =	sshll.u32 s0, $0x9;
	[sflag:s14] =	ssyncset.done $0x0  }
0x177: {  	s11 =	sshra.s32 s0, $0x2;
	[sflag:s14] =	ssyncadd.s32 $0xFFFFC000  }
0x178: {  	v0 =	vld [tilespmem:s11+$0x0];
	_ =	sdelay $0x3  }
0x179: {  	s5 =	simm.s32 $0x0  }
0x17a: {  	[tilespmem:s5+$0x14000] =	vst.add.f32.msk $0xffff, v0  }
0x17b: {  	v0 =	vld [tilespmem:s11+$0x10];
	_ =	sdelay $0x3  }
0x17c: {  	s31 =	sadd.s32 $0x1, s18  }
0x17d: {  	s2 =	simm.s32 $0x0;
	p0 =	slt.u32 s31, $0xC8;
	[tilespmem:s5+$0x14010] =	vst.add.f32.msk $0xffff, v0  }
0x17e: {  	s2 =	simm.s32 @!p0 $0x7FFF38;
	v0 =	vld [tilespmem:s11+$0x20]  }
0x17f: {  	s2 =	sadd.s32 s31, s2  }
0x180: {  	s2 =	sshll.u32 s2, $0x9  }
0x181: {  	s18 =	sshra.s32 s2, $0x2  }
0x182: {  	v1 =	vld [tilespmem:s18+$0x0]  }
0x183: {  	[tilespmem:s5+$0x14020] =	vst.add.f32.msk $0xffff, v0  }
0x184: {  	v0 =	vld [tilespmem:s11+$0x30];
	_ =	sdelay $0x1  }
0x185: {  	s9 =	simm.s32 $0x80;
	s0 =	sadd.s32 $0x1, s31  }
0x186: {  	p0 =	slt.u32 s0, $0xC8;
	s2 =	simm.s32 $0x0;
	[tilespmem:s9+$0x14000] =	vst.add.f32.msk $0xffff, v1  }
0x187: {  	s2 =	simm.s32 @!p0 $0x7FFF38;
	v1 =	vld [tilespmem:s18+$0x10]  }
0x188: {  	s2 =	sadd.s32 s0, s2;
	[tilespmem:s5+$0x14030] =	vst.add.f32.msk $0xffff, v0  }
0x189: {  	s2 =	sshll.u32 s2, $0x9;
	v0 =	vld [tilespmem:s11+$0x40]  }
0x18a: {  	s2 =	sshra.s32 s2, $0x2  }
0x18b: {  	v2 =	vld [tilespmem:s2+$0x0]  }
0x18c: {  	[tilespmem:s9+$0x14010] =	vst.add.f32.msk $0xffff, v1  }
0x18d: {  	v1 =	vld [tilespmem:s18+$0x20]  }
0x18e: {  	[tilespmem:s5+$0x14040] =	vst.add.f32.msk $0xffff, v0  }
0x18f: {  	s19 =	simm.s32 $0x100;
	v0 =	vld [tilespmem:s11+$0x50]  }
0x190: {  	[tilespmem:s19+$0x14000] =	vst.add.f32.msk $0xffff, v2  }
0x191: {  	v2 =	vld [tilespmem:s2+$0x10]  }
0x192: {  	[tilespmem:s9+$0x14020] =	vst.add.f32.msk $0xffff, v1  }
0x193: {  	v1 =	vld [tilespmem:s18+$0x30]  }
0x194: {  	[tilespmem:s5+$0x14050] =	vst.add.f32.msk $0xffff, v0  }
0x195: {  	v0 =	vld [tilespmem:s11+$0x60];
	_ =	sdelay $0x1  }
0x196: {  	[tilespmem:s19+$0x14010] =	vst.add.f32.msk $0xffff, v2  }
0x197: {  	[tilespmem:s9+$0x14030] =	vst.add.f32.msk $0xffff, v1  }
0x198: {  	v1 =	vld [tilespmem:s18+$0x40]  }
0x199: {  	s3 =	sadd.s32 s6, s25;
	s0 =	sadd.s32 $0x1, s0;
	[tilespmem:s5+$0x14060] =	vst.add.f32.msk $0xffff, v0  }
0x19a: {  	s7 =	simm.s32 $0x600;
	s10 =	simm.s32 $0x800;
	p1 =	slt.u32 s0, $0xC8;
	v0 =	vld [tilespmem:s11+$0x70]  }
.LBB2_9:
0x19b: {  	s11 =	simm.s32 $0x0  }
0x19c: {  	p0 =	sne.s32 s10, $0xFE00;
	v2 =	vld [tilespmem:s2+$0x20];
	s11 =	simm.s32 @!p1 $0x7FFF38  }
0x19d: {  	s11 =	sadd.s32 s0, s11;
	[tilespmem:s9+$0x14040] =	vst.add.f32.msk $0xffff, v1  }
0x19e: {  	s11 =	sshll.u32 s11, $0x9;
	v1 =	vld [tilespmem:s18+$0x50]  }
0x19f: {  	s11 =	sshra.s32 s11, $0x2;
	[tilespmem:s5+$0x14070] =	vst.add.f32.msk $0xffff, v0;
	s5 =	smov.u32 s9;
	s9 =	smov.u32 s19  }
0x1a0: {  	v0 =	vld [tilespmem:s11+$0x0]  }
0x1a1: {  	[tilespmem:s9+$0x14020] =	vst.add.f32.msk $0xffff, v2  }
0x1a2: {  	v2 =	vld [tilespmem:s2+$0x30]  }
0x1a3: {  	[tilespmem:s5+$0x14050] =	vst.add.f32.msk $0xffff, v1  }
0x1a4: {  	s19 =	sshra.s32 s7, $0x2;
	s7 =	smov.u32 s10;
	v3 =	vld [tilespmem:s18+$0x60]  }
0x1a5: {  	[tilespmem:s19+$0x14000] =	vst.add.f32.msk $0xffff, v0  }
0x1a6: {  	v4 =	vld [tilespmem:s11+$0x10]  }
.Ltmp3:
0x1a7: {  	[tilespmem:s9+$0x14030] =	vst.add.f32.msk $0xffff, v2;
	(pc) =	sbr.rel @p0 .LBB2_9-.Ltmp3, $4  }
0x1a8: {  	v1 =	vld [tilespmem:s2+$0x40]  }
0x1a9: {  	[tilespmem:s5+$0x14060] =	vst.add.f32.msk $0xffff, v3  }
0x1aa: {  	s0 =	sadd.s32 $0x1, s0;
	v0 =	vld [tilespmem:s18+$0x70];
	s18 =	smov.u32 s2;
	s2 =	smov.u32 s11  }
0x1ab: {  	p1 =	slt.u32 s0, $0xC8;
	s10 =	sadd.s32 $0x200, s10;
	[tilespmem:s19+$0x14010] =	vst.add.f32.msk $0xffff, v4  }
0x1ac: {  	s10 =	simm.s32 $0x0  }
0x1ad: {  	s10 =	simm.s32 @!p1 $0x7FFF38  }
0x1ae: {  	s0 =	sadd.s32 s0, s10  }
0x1af: {  	s0 =	sshll.u32 s0, $0x9  }
0x1b0: {  	s0 =	sshra.s32 s0, $0x2  }
0x1b1: {  	v2 =	vld [tilespmem:s0+$0x0];
	_ =	sdelay $0x3  }
0x1b2: {  	s7 =	sshra.s32 s7, $0x2  }
0x1b3: {  	[tilespmem:s7+$0x14000] =	vst.add.f32.msk $0xffff, v2  }
0x1b4: {  	v2 =	vld [tilespmem:s0+$0x10];
	_ =	sdelay $0x3  }
0x1b5: {  	v3 =	vld [tilespmem:s2+$0x20]  }
0x1b6: {  	[tilespmem:s7+$0x14010] =	vst.add.f32.msk $0xffff, v2  }
0x1b7: {  	v2 =	vld [tilespmem:s0+$0x20];
	_ =	sdelay $0x2  }
0x1b8: {  	[tilespmem:s19+$0x14020] =	vst.add.f32.msk $0xffff, v3  }
0x1b9: {  	v3 =	vld [tilespmem:s2+$0x30]  }
0x1ba: {  	[tilespmem:s7+$0x14020] =	vst.add.f32.msk $0xffff, v2  }
0x1bb: {  	v2 =	vld [tilespmem:s0+$0x30];
	_ =	sdelay $0x2  }
0x1bc: {  	[tilespmem:s19+$0x14030] =	vst.add.f32.msk $0xffff, v3  }
0x1bd: {  	v3 =	vld [tilespmem:s2+$0x40]  }
0x1be: {  	[tilespmem:s7+$0x14030] =	vst.add.f32.msk $0xffff, v2  }
0x1bf: {  	v2 =	vld [tilespmem:s0+$0x40]  }
0x1c0: {  	[tilespmem:s9+$0x14040] =	vst.add.f32.msk $0xffff, v1  }
0x1c1: {  	v1 =	vld [tilespmem:s18+$0x50]  }
0x1c2: {  	[tilespmem:s19+$0x14040] =	vst.add.f32.msk $0xffff, v3  }
0x1c3: {  	v3 =	vld [tilespmem:s2+$0x50]  }
0x1c4: {  	[tilespmem:s7+$0x14040] =	vst.add.f32.msk $0xffff, v2  }
0x1c5: {  	v2 =	vld [tilespmem:s0+$0x50]  }
0x1c6: {  	[tilespmem:s9+$0x14050] =	vst.add.f32.msk $0xffff, v1  }
0x1c7: {  	v1 =	vld [tilespmem:s18+$0x60]  }
0x1c8: {  	[tilespmem:s19+$0x14050] =	vst.add.f32.msk $0xffff, v3  }
0x1c9: {  	v3 =	vld [tilespmem:s2+$0x60]  }
0x1ca: {  	[tilespmem:s7+$0x14050] =	vst.add.f32.msk $0xffff, v2  }
0x1cb: {  	v2 =	vld [tilespmem:s0+$0x60]  }
0x1cc: {  	[tilespmem:s9+$0x14060] =	vst.add.f32.msk $0xffff, v1  }
0x1cd: {  	v1 =	vld [tilespmem:s18+$0x70]  }
0x1ce: {  	[tilespmem:s19+$0x14060] =	vst.add.f32.msk $0xffff, v3  }
0x1cf: {  	v3 =	vld [tilespmem:s2+$0x70]  }
0x1d0: {  	[tilespmem:s7+$0x14060] =	vst.add.f32.msk $0xffff, v2  }
0x1d1: {  	v2 =	vld [tilespmem:s0+$0x70];
	_ =	sdelay $0x1  }
0x1d2: {  	[tilespmem:s5+$0x14070] =	vst.add.f32.msk $0xffff, v0  }
0x1d3: {  	s10 =	sshll.u32 s3, $0xB;
	[tilespmem:s9+$0x14070] =	vst.add.f32.msk $0xffff, v1  }
0x1d4: {  	[tilespmem:s19+$0x14070] =	vst.add.f32.msk $0xffff, v3;
	s0 =	sand.u32 $0x1FFFF800, s10  }
0x1d5: {  	s11 =	simm.s32 $0x0;
	s31 =	simm.s32 $0x14000;
	s0 =	sadd.s32 s4, s0;
	[tilespmem:s7+$0x14070] =	vst.add.f32.msk $0xffff, v2  }
0x1d6: {  	[hbm4b:s0+s11] =	stream.linear.scatter [tilespmem:s31], [sflag:$0x9], $0x4000, $0x38;
	[tilespmem:$0x1C000] =	vst v63  }
0x1d7: {  	_ =	swait.ge [sflag:s28], $0x4000  }
0x1d8: {  	p0 =	slt.u32 s24, $0xC8;
	s0 =	simm.s32 $0x0;
	[sflag:s28] =	ssyncset.done $0x0  }
0x1d9: {  	s18 =	sadd.s32 $0x6780, s8;
	s0 =	simm.s32 @!p0 $0x7FFF38;
	[sflag:s28] =	ssyncadd.s32 $0xFFFFC000  }
0x1da: {  	[tilespmem:s30], [sflag:$0x3] =	stream.indirect.gather [hbm4b:s1+s29], $0x80, s18, s29, $0xb8;
	[tilespmem:$0x1C000] =	vst v63  }
0x1db: {  	s0 =	sadd.s32 s24, s0;
	_ =	swait.ge [sflag:s15], $0x4000  }
0x1dc: {  	s0 =	sshll.u32 s0, $0x9;
	[sflag:s15] =	ssyncset.done $0x0  }
0x1dd: {  	s19 =	sshra.s32 s0, $0x2;
	[sflag:s15] =	ssyncadd.s32 $0xFFFFC000  }
0x1de: {  	v0 =	vld [tilespmem:s19+$0x0];
	_ =	sdelay $0x3  }
0x1df: {  	s5 =	simm.s32 $0x0  }
0x1e0: {  	[tilespmem:s5+$0x18000] =	vst.add.f32.msk $0xffff, v0  }
0x1e1: {  	v0 =	vld [tilespmem:s19+$0x10];
	_ =	sdelay $0x3  }
0x1e2: {  	s25 =	sadd.s32 $0x1, s24  }
0x1e3: {  	s2 =	simm.s32 $0x0;
	p0 =	slt.u32 s25, $0xC8;
	[tilespmem:s5+$0x18010] =	vst.add.f32.msk $0xffff, v0  }
0x1e4: {  	s2 =	simm.s32 @!p0 $0x7FFF38;
	v0 =	vld [tilespmem:s19+$0x20]  }
0x1e5: {  	s2 =	sadd.s32 s25, s2  }
0x1e6: {  	s2 =	sshll.u32 s2, $0x9  }
0x1e7: {  	s9 =	sshra.s32 s2, $0x2  }
0x1e8: {  	v1 =	vld [tilespmem:s9+$0x0]  }
0x1e9: {  	[tilespmem:s5+$0x18020] =	vst.add.f32.msk $0xffff, v0  }
0x1ea: {  	v0 =	vld [tilespmem:s19+$0x30];
	_ =	sdelay $0x1  }
0x1eb: {  	s8 =	simm.s32 $0x80;
	s0 =	sadd.s32 $0x1, s25  }
0x1ec: {  	p0 =	slt.u32 s0, $0xC8;
	s2 =	simm.s32 $0x0;
	[tilespmem:s8+$0x18000] =	vst.add.f32.msk $0xffff, v1  }
0x1ed: {  	s2 =	simm.s32 @!p0 $0x7FFF38;
	v1 =	vld [tilespmem:s9+$0x10]  }
0x1ee: {  	s2 =	sadd.s32 s0, s2;
	[tilespmem:s5+$0x18030] =	vst.add.f32.msk $0xffff, v0  }
0x1ef: {  	s2 =	sshll.u32 s2, $0x9;
	v0 =	vld [tilespmem:s19+$0x40]  }
0x1f0: {  	s2 =	sshra.s32 s2, $0x2  }
0x1f1: {  	v2 =	vld [tilespmem:s2+$0x0]  }
0x1f2: {  	[tilespmem:s8+$0x18010] =	vst.add.f32.msk $0xffff, v1  }
0x1f3: {  	v1 =	vld [tilespmem:s9+$0x20]  }
0x1f4: {  	[tilespmem:s5+$0x18040] =	vst.add.f32.msk $0xffff, v0  }
0x1f5: {  	s18 =	simm.s32 $0x100;
	v0 =	vld [tilespmem:s19+$0x50]  }
0x1f6: {  	[tilespmem:s18+$0x18000] =	vst.add.f32.msk $0xffff, v2  }
0x1f7: {  	v2 =	vld [tilespmem:s2+$0x10]  }
0x1f8: {  	[tilespmem:s8+$0x18020] =	vst.add.f32.msk $0xffff, v1  }
0x1f9: {  	v1 =	vld [tilespmem:s9+$0x30]  }
0x1fa: {  	[tilespmem:s5+$0x18050] =	vst.add.f32.msk $0xffff, v0  }
0x1fb: {  	v0 =	vld [tilespmem:s19+$0x60];
	_ =	sdelay $0x1  }
0x1fc: {  	[tilespmem:s18+$0x18010] =	vst.add.f32.msk $0xffff, v2  }
0x1fd: {  	[tilespmem:s8+$0x18030] =	vst.add.f32.msk $0xffff, v1  }
0x1fe: {  	v1 =	vld [tilespmem:s9+$0x40]  }
0x1ff: {  	s3 =	sadd.s32 s6, s17;
	s0 =	sadd.s32 $0x1, s0;
	[tilespmem:s5+$0x18060] =	vst.add.f32.msk $0xffff, v0  }
0x200: {  	s10 =	simm.s32 $0x800;
	s7 =	simm.s32 $0x600;
	p1 =	slt.u32 s0, $0xC8;
	v0 =	vld [tilespmem:s19+$0x70]  }
.LBB2_11:
0x201: {  	s11 =	simm.s32 $0x0  }
0x202: {  	p0 =	sne.s32 s10, $0xFE00;
	v2 =	vld [tilespmem:s2+$0x20];
	s11 =	simm.s32 @!p1 $0x7FFF38  }
0x203: {  	s11 =	sadd.s32 s0, s11;
	[tilespmem:s8+$0x18040] =	vst.add.f32.msk $0xffff, v1  }
0x204: {  	s11 =	sshll.u32 s11, $0x9;
	v1 =	vld [tilespmem:s9+$0x50]  }
0x205: {  	s11 =	sshra.s32 s11, $0x2;
	[tilespmem:s5+$0x18070] =	vst.add.f32.msk $0xffff, v0;
	s5 =	smov.u32 s8;
	s8 =	smov.u32 s18  }
0x206: {  	v0 =	vld [tilespmem:s11+$0x0]  }
0x207: {  	[tilespmem:s8+$0x18020] =	vst.add.f32.msk $0xffff, v2  }
0x208: {  	v2 =	vld [tilespmem:s2+$0x30]  }
0x209: {  	[tilespmem:s5+$0x18050] =	vst.add.f32.msk $0xffff, v1  }
0x20a: {  	s18 =	sshra.s32 s7, $0x2;
	s7 =	smov.u32 s10;
	v3 =	vld [tilespmem:s9+$0x60]  }
0x20b: {  	[tilespmem:s18+$0x18000] =	vst.add.f32.msk $0xffff, v0  }
0x20c: {  	v4 =	vld [tilespmem:s11+$0x10]  }
.Ltmp4:
0x20d: {  	[tilespmem:s8+$0x18030] =	vst.add.f32.msk $0xffff, v2;
	(pc) =	sbr.rel @p0 .LBB2_11-.Ltmp4, $4  }
0x20e: {  	v1 =	vld [tilespmem:s2+$0x40]  }
0x20f: {  	[tilespmem:s5+$0x18060] =	vst.add.f32.msk $0xffff, v3  }
0x210: {  	s0 =	sadd.s32 $0x1, s0;
	v0 =	vld [tilespmem:s9+$0x70];
	s9 =	smov.u32 s2;
	s2 =	smov.u32 s11  }
0x211: {  	p1 =	slt.u32 s0, $0xC8;
	s10 =	sadd.s32 $0x200, s10;
	[tilespmem:s18+$0x18010] =	vst.add.f32.msk $0xffff, v4  }
0x212: {  	s10 =	simm.s32 $0x0  }
0x213: {  	s10 =	simm.s32 @!p1 $0x7FFF38  }
0x214: {  	s0 =	sadd.s32 s0, s10  }
0x215: {  	s0 =	sshll.u32 s0, $0x9  }
0x216: {  	s0 =	sshra.s32 s0, $0x2  }
0x217: {  	v2 =	vld [tilespmem:s0+$0x0];
	_ =	sdelay $0x3  }
0x218: {  	s7 =	sshra.s32 s7, $0x2  }
0x219: {  	[tilespmem:s7+$0x18000] =	vst.add.f32.msk $0xffff, v2  }
0x21a: {  	v2 =	vld [tilespmem:s0+$0x10];
	_ =	sdelay $0x3  }
0x21b: {  	v3 =	vld [tilespmem:s2+$0x20]  }
0x21c: {  	[tilespmem:s7+$0x18010] =	vst.add.f32.msk $0xffff, v2  }
0x21d: {  	v2 =	vld [tilespmem:s0+$0x20];
	_ =	sdelay $0x2  }
0x21e: {  	[tilespmem:s18+$0x18020] =	vst.add.f32.msk $0xffff, v3  }
0x21f: {  	v3 =	vld [tilespmem:s2+$0x30]  }
0x220: {  	[tilespmem:s7+$0x18020] =	vst.add.f32.msk $0xffff, v2  }
0x221: {  	v2 =	vld [tilespmem:s0+$0x30];
	_ =	sdelay $0x2  }
0x222: {  	[tilespmem:s18+$0x18030] =	vst.add.f32.msk $0xffff, v3  }
0x223: {  	v3 =	vld [tilespmem:s2+$0x40]  }
0x224: {  	[tilespmem:s7+$0x18030] =	vst.add.f32.msk $0xffff, v2  }
0x225: {  	v2 =	vld [tilespmem:s0+$0x40]  }
0x226: {  	[tilespmem:s8+$0x18040] =	vst.add.f32.msk $0xffff, v1  }
0x227: {  	v1 =	vld [tilespmem:s9+$0x50]  }
0x228: {  	[tilespmem:s18+$0x18040] =	vst.add.f32.msk $0xffff, v3  }
0x229: {  	v3 =	vld [tilespmem:s2+$0x50]  }
0x22a: {  	[tilespmem:s7+$0x18040] =	vst.add.f32.msk $0xffff, v2  }
0x22b: {  	v2 =	vld [tilespmem:s0+$0x50]  }
0x22c: {  	[tilespmem:s8+$0x18050] =	vst.add.f32.msk $0xffff, v1  }
0x22d: {  	v1 =	vld [tilespmem:s9+$0x60]  }
0x22e: {  	[tilespmem:s18+$0x18050] =	vst.add.f32.msk $0xffff, v3  }
0x22f: {  	v3 =	vld [tilespmem:s2+$0x60]  }
0x230: {  	[tilespmem:s7+$0x18050] =	vst.add.f32.msk $0xffff, v2  }
0x231: {  	v2 =	vld [tilespmem:s0+$0x60]  }
0x232: {  	[tilespmem:s8+$0x18060] =	vst.add.f32.msk $0xffff, v1  }
0x233: {  	v1 =	vld [tilespmem:s9+$0x70]  }
0x234: {  	[tilespmem:s18+$0x18060] =	vst.add.f32.msk $0xffff, v3  }
0x235: {  	v3 =	vld [tilespmem:s2+$0x70]  }
0x236: {  	[tilespmem:s7+$0x18060] =	vst.add.f32.msk $0xffff, v2  }
0x237: {  	s23 =	sadd.s32 $0x1, s23;
	v2 =	vld [tilespmem:s0+$0x70]  }
0x238: {  	p0 =	sne.s32 s23, $0x9  }
.Ltmp5:
0x239: {  	s24 =	sshll.u32 s3, $0xB;
	[tilespmem:s5+$0x18070] =	vst.add.f32.msk $0xffff, v0;
	(pc) =	sbr.rel @p0 .LBB2_2-.Ltmp5, $4  }
0x23a: {  	s17 =	simm.s32 $0x0;
	s25 =	simm.s32 $0x18000;
	s22 =	sadd.s32 $0x280, s22;
	[tilespmem:s8+$0x18070] =	vst.add.f32.msk $0xffff, v1  }
0x23b: {  	s26 =	sadd.s32 $0x280, s26;
	s21 =	sadd.s32 $0x280, s21;
	[tilespmem:s18+$0x18070] =	vst.add.f32.msk $0xffff, v3;
	s0 =	sand.u32 $0x1FFFF800, s24  }
0x23c: {  	s16 =	sadd.s32 $0x280, s16;
	s20 =	sadd.s32 $0x280, s20;
	s0 =	sadd.s32 s4, s0;
	[tilespmem:s7+$0x18070] =	vst.add.f32.msk $0xffff, v2  }
0x23d: {  	[hbm4b:s0+s17] =	stream.linear.scatter [tilespmem:s25], [sflag:$0xA], $0x4000, $0x38;
	[tilespmem:$0x1C000] =	vst v63  }
0x23e: {  	s16 =	simm.s32 $0x9  }
0x23f: {  	_ =	swait.ge [sflag:s16], $0x4000  }
0x240: {  	[sflag:s16] =	ssyncset.done $0x0  }
0x241: {  	s0 =	simm.s32 $0x7C00;
	s2 =	rddreg [dreg:$0x13];
	[sflag:s16] =	ssyncadd.s32 $0xFFFFC000  }
0x242: {  	[tilespmem:s31], [sflag:$0x4] =	stream.indirect.gather [hbm4b:s1+s29], $0x80, s0, s29, $0xb8;
	[tilespmem:$0x1C000] =	vst v63  }
0x243: {  	p0 =	slt.u32 s2, $0xC8;
	s0 =	simm.s32 $0x0  }
0x244: {  	s3 =	simm.s32 $0x1;
	s0 =	simm.s32 @!p0 $0x7FFF38  }
0x245: {  	_ =	swait.ge [sflag:s3], $0x4000;
	s0 =	sadd.s32 s2, s0  }
0x246: {  	[sflag:s3] =	ssyncset.done $0x0;
	s0 =	sshll.u32 s0, $0x9  }
0x247: {  	[sflag:s3] =	ssyncadd.s32 $0xFFFFC000;
	s7 =	sshra.s32 s0, $0x2  }
0x248: {  	v0 =	vld [tilespmem:s7+$0x0];
	_ =	sdelay $0x3  }
0x249: {  	s5 =	simm.s32 $0x0  }
0x24a: {  	[tilespmem:s5+$0x8000] =	vst.add.f32.msk $0xffff, v0  }
0x24b: {  	v0 =	vld [tilespmem:s7+$0x10];
	_ =	sdelay $0x3  }
0x24c: {  	s26 =	sadd.s32 $0x1, s2  }
0x24d: {  	p0 =	slt.u32 s26, $0xC8;
	s2 =	simm.s32 $0x0;
	[tilespmem:s5+$0x8010] =	vst.add.f32.msk $0xffff, v0  }
0x24e: {  	s2 =	simm.s32 @!p0 $0x7FFF38;
	v0 =	vld [tilespmem:s7+$0x20]  }
0x24f: {  	s2 =	sadd.s32 s26, s2  }
0x250: {  	s2 =	sshll.u32 s2, $0x9  }
0x251: {  	s9 =	sshra.s32 s2, $0x2  }
0x252: {  	v1 =	vld [tilespmem:s9+$0x0]  }
0x253: {  	[tilespmem:s5+$0x8020] =	vst.add.f32.msk $0xffff, v0  }
0x254: {  	v0 =	vld [tilespmem:s7+$0x30];
	_ =	sdelay $0x1  }
0x255: {  	s8 =	simm.s32 $0x80;
	s0 =	sadd.s32 $0x1, s26  }
0x256: {  	p0 =	slt.u32 s0, $0xC8;
	s2 =	simm.s32 $0x0;
	[tilespmem:s8+$0x8000] =	vst.add.f32.msk $0xffff, v1  }
0x257: {  	s2 =	simm.s32 @!p0 $0x7FFF38;
	v1 =	vld [tilespmem:s9+$0x10]  }
0x258: {  	s2 =	sadd.s32 s0, s2;
	[tilespmem:s5+$0x8030] =	vst.add.f32.msk $0xffff, v0  }
0x259: {  	s2 =	sshll.u32 s2, $0x9;
	v0 =	vld [tilespmem:s7+$0x40]  }
0x25a: {  	s2 =	sshra.s32 s2, $0x2  }
0x25b: {  	v2 =	vld [tilespmem:s2+$0x0]  }
0x25c: {  	[tilespmem:s8+$0x8010] =	vst.add.f32.msk $0xffff, v1  }
0x25d: {  	v1 =	vld [tilespmem:s9+$0x20]  }
0x25e: {  	[tilespmem:s5+$0x8040] =	vst.add.f32.msk $0xffff, v0  }
0x25f: {  	s3 =	simm.s32 $0x100;
	v0 =	vld [tilespmem:s7+$0x50]  }
0x260: {  	[tilespmem:s3+$0x8000] =	vst.add.f32.msk $0xffff, v2  }
0x261: {  	v2 =	vld [tilespmem:s2+$0x10]  }
0x262: {  	[tilespmem:s8+$0x8020] =	vst.add.f32.msk $0xffff, v1  }
0x263: {  	v1 =	vld [tilespmem:s9+$0x30]  }
0x264: {  	[tilespmem:s5+$0x8050] =	vst.add.f32.msk $0xffff, v0  }
0x265: {  	v0 =	vld [tilespmem:s7+$0x60];
	_ =	sdelay $0x1  }
0x266: {  	[tilespmem:s3+$0x8010] =	vst.add.f32.msk $0xffff, v2  }
0x267: {  	[tilespmem:s8+$0x8030] =	vst.add.f32.msk $0xffff, v1  }
0x268: {  	v1 =	vld [tilespmem:s9+$0x40]  }
0x269: {  	s0 =	sadd.s32 $0x1, s0;
	[tilespmem:s5+$0x8060] =	vst.add.f32.msk $0xffff, v0  }
0x26a: {  	s10 =	simm.s32 $0x800;
	p1 =	slt.u32 s0, $0xC8;
	v0 =	vld [tilespmem:s7+$0x70];
	s7 =	simm.s32 $0x600  }
.LBB2_14:
0x26b: {  	s11 =	simm.s32 $0x0  }
0x26c: {  	p0 =	sne.s32 s10, $0xFE00;
	v2 =	vld [tilespmem:s2+$0x20];
	s11 =	simm.s32 @!p1 $0x7FFF38  }
0x26d: {  	s11 =	sadd.s32 s0, s11;
	[tilespmem:s8+$0x8040] =	vst.add.f32.msk $0xffff, v1  }
0x26e: {  	s11 =	sshll.u32 s11, $0x9;
	v1 =	vld [tilespmem:s9+$0x50]  }
0x26f: {  	s11 =	sshra.s32 s11, $0x2;
	[tilespmem:s5+$0x8070] =	vst.add.f32.msk $0xffff, v0;
	s5 =	smov.u32 s8;
	s8 =	smov.u32 s3  }
0x270: {  	v0 =	vld [tilespmem:s11+$0x0]  }
0x271: {  	[tilespmem:s8+$0x8020] =	vst.add.f32.msk $0xffff, v2  }
0x272: {  	v2 =	vld [tilespmem:s2+$0x30]  }
0x273: {  	[tilespmem:s5+$0x8050] =	vst.add.f32.msk $0xffff, v1  }
0x274: {  	s3 =	sshra.s32 s7, $0x2;
	s7 =	smov.u32 s10;
	v3 =	vld [tilespmem:s9+$0x60]  }
0x275: {  	[tilespmem:s3+$0x8000] =	vst.add.f32.msk $0xffff, v0  }
0x276: {  	v4 =	vld [tilespmem:s11+$0x10]  }
.Ltmp6:
0x277: {  	[tilespmem:s8+$0x8030] =	vst.add.f32.msk $0xffff, v2;
	(pc) =	sbr.rel @p0 .LBB2_14-.Ltmp6, $4  }
0x278: {  	v1 =	vld [tilespmem:s2+$0x40]  }
0x279: {  	[tilespmem:s5+$0x8060] =	vst.add.f32.msk $0xffff, v3  }
0x27a: {  	s0 =	sadd.s32 $0x1, s0;
	v0 =	vld [tilespmem:s9+$0x70];
	s9 =	smov.u32 s2;
	s2 =	smov.u32 s11  }
0x27b: {  	p1 =	slt.u32 s0, $0xC8;
	s10 =	sadd.s32 $0x200, s10;
	[tilespmem:s3+$0x8010] =	vst.add.f32.msk $0xffff, v4  }
0x27c: {  	s10 =	simm.s32 $0x0  }
0x27d: {  	s10 =	simm.s32 @!p1 $0x7FFF38  }
0x27e: {  	s0 =	sadd.s32 s0, s10  }
0x27f: {  	s0 =	sshll.u32 s0, $0x9  }
0x280: {  	s0 =	sshra.s32 s0, $0x2  }
0x281: {  	v2 =	vld [tilespmem:s0+$0x0];
	_ =	sdelay $0x3  }
0x282: {  	s7 =	sshra.s32 s7, $0x2  }
0x283: {  	[tilespmem:s7+$0x8000] =	vst.add.f32.msk $0xffff, v2  }
0x284: {  	v2 =	vld [tilespmem:s0+$0x10];
	_ =	sdelay $0x3  }
0x285: {  	v3 =	vld [tilespmem:s2+$0x20]  }
0x286: {  	[tilespmem:s7+$0x8010] =	vst.add.f32.msk $0xffff, v2  }
0x287: {  	v2 =	vld [tilespmem:s0+$0x20];
	_ =	sdelay $0x2  }
0x288: {  	[tilespmem:s3+$0x8020] =	vst.add.f32.msk $0xffff, v3  }
0x289: {  	v3 =	vld [tilespmem:s2+$0x30]  }
0x28a: {  	[tilespmem:s7+$0x8020] =	vst.add.f32.msk $0xffff, v2  }
0x28b: {  	v2 =	vld [tilespmem:s0+$0x30];
	_ =	sdelay $0x2  }
0x28c: {  	[tilespmem:s3+$0x8030] =	vst.add.f32.msk $0xffff, v3  }
0x28d: {  	v3 =	vld [tilespmem:s2+$0x40]  }
0x28e: {  	[tilespmem:s7+$0x8030] =	vst.add.f32.msk $0xffff, v2  }
0x28f: {  	v2 =	vld [tilespmem:s0+$0x40]  }
0x290: {  	[tilespmem:s8+$0x8040] =	vst.add.f32.msk $0xffff, v1  }
0x291: {  	v1 =	vld [tilespmem:s9+$0x50]  }
0x292: {  	[tilespmem:s3+$0x8040] =	vst.add.f32.msk $0xffff, v3  }
0x293: {  	v3 =	vld [tilespmem:s2+$0x50]  }
0x294: {  	[tilespmem:s7+$0x8040] =	vst.add.f32.msk $0xffff, v2  }
0x295: {  	v2 =	vld [tilespmem:s0+$0x50]  }
0x296: {  	[tilespmem:s8+$0x8050] =	vst.add.f32.msk $0xffff, v1  }
0x297: {  	v1 =	vld [tilespmem:s9+$0x60]  }
0x298: {  	[tilespmem:s3+$0x8050] =	vst.add.f32.msk $0xffff, v3  }
0x299: {  	v3 =	vld [tilespmem:s2+$0x60]  }
0x29a: {  	[tilespmem:s7+$0x8050] =	vst.add.f32.msk $0xffff, v2  }
0x29b: {  	v2 =	vld [tilespmem:s0+$0x60]  }
0x29c: {  	[tilespmem:s8+$0x8060] =	vst.add.f32.msk $0xffff, v1  }
0x29d: {  	v1 =	vld [tilespmem:s9+$0x70]  }
0x29e: {  	[tilespmem:s3+$0x8060] =	vst.add.f32.msk $0xffff, v3  }
0x29f: {  	v3 =	vld [tilespmem:s2+$0x70]  }
0x2a0: {  	[tilespmem:s7+$0x8060] =	vst.add.f32.msk $0xffff, v2  }
0x2a1: {  	v2 =	vld [tilespmem:s0+$0x70];
	_ =	sdelay $0x1  }
0x2a2: {  	[tilespmem:s5+$0x8070] =	vst.add.f32.msk $0xffff, v0  }
0x2a3: {  	[tilespmem:s8+$0x8070] =	vst.add.f32.msk $0xffff, v1  }
0x2a4: {  	[tilespmem:s3+$0x8070] =	vst.add.f32.msk $0xffff, v3  }
0x2a5: {  	[tilespmem:s7+$0x8070] =	vst.add.f32.msk $0xffff, v2  }
0x2a6: {  	s19 =	simm.s32 $0x0;
	s18 =	simm.s32 $0xA;
	s20 =	rddreg [dreg:$0x8]  }
0x2a7: {  	[hbm4b:s20+s19] =	stream.linear.scatter [tilespmem:s12], [sflag:$0x6], $0x4000, $0x38;
	[tilespmem:$0x1C000] =	vst v63  }
0x2a8: {  	s21 =	simm.s32 $0x18000;
	_ =	swait.ge [sflag:s18], $0x4000  }
0x2a9: {  	s22 =	simm.s32 $0x7C80;
	[sflag:s18] =	ssyncset.done $0x0;
	s23 =	rddreg [dreg:$0x14]  }
0x2aa: {  	s0 =	simm.s32 $0x0;
	[sflag:s18] =	ssyncadd.s32 $0xFFFFC000;
	p0 =	slt.u32 s23, $0xC8  }
0x2ab: {  	[tilespmem:s21], [sflag:$0x5] =	stream.indirect.gather [hbm4b:s1+s29], $0x80, s22, s29, $0xb8;
	[tilespmem:$0x1C000] =	vst v63  }
0x2ac: {  	s24 =	simm.s32 $0x2;
	s0 =	simm.s32 @!p0 $0x7FFF38  }
0x2ad: {  	_ =	swait.ge [sflag:s24], $0x4000;
	s0 =	sadd.s32 s23, s0  }
0x2ae: {  	[sflag:s24] =	ssyncset.done $0x0;
	s0 =	sshll.u32 s0, $0x9  }
0x2af: {  	[sflag:s24] =	ssyncadd.s32 $0xFFFFC000;
	s25 =	sshra.s32 s0, $0x2  }
0x2b0: {  	v0 =	vld [tilespmem:s25+$0x0];
	_ =	sdelay $0x3  }
0x2b1: {  	s5 =	simm.s32 $0x0  }
0x2b2: {  	[tilespmem:s5+$0xC000] =	vst.add.f32.msk $0xffff, v0  }
0x2b3: {  	v0 =	vld [tilespmem:s25+$0x10];
	_ =	sdelay $0x3  }
0x2b4: {  	s26 =	sadd.s32 $0x1, s23  }
0x2b5: {  	s2 =	simm.s32 $0x0;
	p0 =	slt.u32 s26, $0xC8;
	[tilespmem:s5+$0xC010] =	vst.add.f32.msk $0xffff, v0  }
0x2b6: {  	s2 =	simm.s32 @!p0 $0x7FFF38;
	v0 =	vld [tilespmem:s25+$0x20]  }
0x2b7: {  	s2 =	sadd.s32 s26, s2  }
0x2b8: {  	s2 =	sshll.u32 s2, $0x9  }
0x2b9: {  	s9 =	sshra.s32 s2, $0x2  }
0x2ba: {  	v1 =	vld [tilespmem:s9+$0x0]  }
0x2bb: {  	[tilespmem:s5+$0xC020] =	vst.add.f32.msk $0xffff, v0  }
0x2bc: {  	v0 =	vld [tilespmem:s25+$0x30];
	_ =	sdelay $0x1  }
0x2bd: {  	s8 =	simm.s32 $0x80;
	s0 =	sadd.s32 $0x1, s26  }
0x2be: {  	p0 =	slt.u32 s0, $0xC8;
	s2 =	simm.s32 $0x0;
	[tilespmem:s8+$0xC000] =	vst.add.f32.msk $0xffff, v1  }
0x2bf: {  	s2 =	simm.s32 @!p0 $0x7FFF38;
	v1 =	vld [tilespmem:s9+$0x10]  }
0x2c0: {  	s2 =	sadd.s32 s0, s2;
	[tilespmem:s5+$0xC030] =	vst.add.f32.msk $0xffff, v0  }
0x2c1: {  	s2 =	sshll.u32 s2, $0x9;
	v0 =	vld [tilespmem:s25+$0x40]  }
0x2c2: {  	s2 =	sshra.s32 s2, $0x2  }
0x2c3: {  	v2 =	vld [tilespmem:s2+$0x0]  }
0x2c4: {  	[tilespmem:s8+$0xC010] =	vst.add.f32.msk $0xffff, v1  }
0x2c5: {  	v1 =	vld [tilespmem:s9+$0x20]  }
0x2c6: {  	[tilespmem:s5+$0xC040] =	vst.add.f32.msk $0xffff, v0  }
0x2c7: {  	s3 =	simm.s32 $0x100;
	v0 =	vld [tilespmem:s25+$0x50]  }
0x2c8: {  	[tilespmem:s3+$0xC000] =	vst.add.f32.msk $0xffff, v2  }
0x2c9: {  	v2 =	vld [tilespmem:s2+$0x10]  }
0x2ca: {  	[tilespmem:s8+$0xC020] =	vst.add.f32.msk $0xffff, v1  }
0x2cb: {  	v1 =	vld [tilespmem:s9+$0x30]  }
0x2cc: {  	[tilespmem:s5+$0xC050] =	vst.add.f32.msk $0xffff, v0  }
0x2cd: {  	v0 =	vld [tilespmem:s25+$0x60];
	_ =	sdelay $0x1  }
0x2ce: {  	[tilespmem:s3+$0xC010] =	vst.add.f32.msk $0xffff, v2  }
0x2cf: {  	[tilespmem:s8+$0xC030] =	vst.add.f32.msk $0xffff, v1  }
0x2d0: {  	v1 =	vld [tilespmem:s9+$0x40]  }
0x2d1: {  	s0 =	sadd.s32 $0x1, s0;
	[tilespmem:s5+$0xC060] =	vst.add.f32.msk $0xffff, v0  }
0x2d2: {  	s10 =	simm.s32 $0x800;
	s7 =	simm.s32 $0x600;
	p1 =	slt.u32 s0, $0xC8;
	v0 =	vld [tilespmem:s25+$0x70]  }
.LBB2_16:
0x2d3: {  	s11 =	simm.s32 $0x0  }
0x2d4: {  	p0 =	sne.s32 s10, $0xFE00;
	v2 =	vld [tilespmem:s2+$0x20];
	s11 =	simm.s32 @!p1 $0x7FFF38  }
0x2d5: {  	s11 =	sadd.s32 s0, s11;
	[tilespmem:s8+$0xC040] =	vst.add.f32.msk $0xffff, v1  }
0x2d6: {  	s11 =	sshll.u32 s11, $0x9;
	v1 =	vld [tilespmem:s9+$0x50]  }
0x2d7: {  	s11 =	sshra.s32 s11, $0x2;
	[tilespmem:s5+$0xC070] =	vst.add.f32.msk $0xffff, v0;
	s5 =	smov.u32 s8;
	s8 =	smov.u32 s3  }
0x2d8: {  	v0 =	vld [tilespmem:s11+$0x0]  }
0x2d9: {  	[tilespmem:s8+$0xC020] =	vst.add.f32.msk $0xffff, v2  }
0x2da: {  	v2 =	vld [tilespmem:s2+$0x30]  }
0x2db: {  	[tilespmem:s5+$0xC050] =	vst.add.f32.msk $0xffff, v1  }
0x2dc: {  	s3 =	sshra.s32 s7, $0x2;
	s7 =	smov.u32 s10;
	v3 =	vld [tilespmem:s9+$0x60]  }
0x2dd: {  	[tilespmem:s3+$0xC000] =	vst.add.f32.msk $0xffff, v0  }
0x2de: {  	v4 =	vld [tilespmem:s11+$0x10]  }
.Ltmp7:
0x2df: {  	[tilespmem:s8+$0xC030] =	vst.add.f32.msk $0xffff, v2;
	(pc) =	sbr.rel @p0 .LBB2_16-.Ltmp7, $4  }
0x2e0: {  	v1 =	vld [tilespmem:s2+$0x40]  }
0x2e1: {  	[tilespmem:s5+$0xC060] =	vst.add.f32.msk $0xffff, v3  }
0x2e2: {  	s0 =	sadd.s32 $0x1, s0;
	v0 =	vld [tilespmem:s9+$0x70];
	s9 =	smov.u32 s2;
	s2 =	smov.u32 s11  }
0x2e3: {  	p1 =	slt.u32 s0, $0xC8;
	s10 =	sadd.s32 $0x200, s10;
	[tilespmem:s3+$0xC010] =	vst.add.f32.msk $0xffff, v4  }
0x2e4: {  	s10 =	simm.s32 $0x0  }
0x2e5: {  	s10 =	simm.s32 @!p1 $0x7FFF38  }
0x2e6: {  	s0 =	sadd.s32 s0, s10  }
0x2e7: {  	s0 =	sshll.u32 s0, $0x9  }
0x2e8: {  	s0 =	sshra.s32 s0, $0x2  }
0x2e9: {  	v2 =	vld [tilespmem:s0+$0x0];
	_ =	sdelay $0x3  }
0x2ea: {  	s7 =	sshra.s32 s7, $0x2  }
0x2eb: {  	[tilespmem:s7+$0xC000] =	vst.add.f32.msk $0xffff, v2  }
0x2ec: {  	v2 =	vld [tilespmem:s0+$0x10];
	_ =	sdelay $0x3  }
0x2ed: {  	v3 =	vld [tilespmem:s2+$0x20]  }
0x2ee: {  	[tilespmem:s7+$0xC010] =	vst.add.f32.msk $0xffff, v2  }
0x2ef: {  	v2 =	vld [tilespmem:s0+$0x20];
	_ =	sdelay $0x2  }
0x2f0: {  	[tilespmem:s3+$0xC020] =	vst.add.f32.msk $0xffff, v3  }
0x2f1: {  	v3 =	vld [tilespmem:s2+$0x30]  }
0x2f2: {  	[tilespmem:s7+$0xC020] =	vst.add.f32.msk $0xffff, v2  }
0x2f3: {  	v2 =	vld [tilespmem:s0+$0x30];
	_ =	sdelay $0x2  }
0x2f4: {  	[tilespmem:s3+$0xC030] =	vst.add.f32.msk $0xffff, v3  }
0x2f5: {  	v3 =	vld [tilespmem:s2+$0x40]  }
0x2f6: {  	[tilespmem:s7+$0xC030] =	vst.add.f32.msk $0xffff, v2  }
0x2f7: {  	v2 =	vld [tilespmem:s0+$0x40]  }
0x2f8: {  	[tilespmem:s8+$0xC040] =	vst.add.f32.msk $0xffff, v1  }
0x2f9: {  	v1 =	vld [tilespmem:s9+$0x50]  }
0x2fa: {  	[tilespmem:s3+$0xC040] =	vst.add.f32.msk $0xffff, v3  }
0x2fb: {  	v3 =	vld [tilespmem:s2+$0x50]  }
0x2fc: {  	[tilespmem:s7+$0xC040] =	vst.add.f32.msk $0xffff, v2  }
0x2fd: {  	v2 =	vld [tilespmem:s0+$0x50]  }
0x2fe: {  	[tilespmem:s8+$0xC050] =	vst.add.f32.msk $0xffff, v1  }
0x2ff: {  	v1 =	vld [tilespmem:s9+$0x60]  }
0x300: {  	[tilespmem:s3+$0xC050] =	vst.add.f32.msk $0xffff, v3  }
0x301: {  	v3 =	vld [tilespmem:s2+$0x60]  }
0x302: {  	[tilespmem:s7+$0xC050] =	vst.add.f32.msk $0xffff, v2  }
0x303: {  	v2 =	vld [tilespmem:s0+$0x60]  }
0x304: {  	[tilespmem:s8+$0xC060] =	vst.add.f32.msk $0xffff, v1  }
0x305: {  	v1 =	vld [tilespmem:s9+$0x70]  }
0x306: {  	[tilespmem:s3+$0xC060] =	vst.add.f32.msk $0xffff, v3  }
0x307: {  	v3 =	vld [tilespmem:s2+$0x70]  }
0x308: {  	[tilespmem:s7+$0xC060] =	vst.add.f32.msk $0xffff, v2  }
0x309: {  	v2 =	vld [tilespmem:s0+$0x70];
	_ =	sdelay $0x1  }
0x30a: {  	[tilespmem:s5+$0xC070] =	vst.add.f32.msk $0xffff, v0  }
0x30b: {  	[tilespmem:s8+$0xC070] =	vst.add.f32.msk $0xffff, v1  }
0x30c: {  	[tilespmem:s3+$0xC070] =	vst.add.f32.msk $0xffff, v3  }
0x30d: {  	[tilespmem:s7+$0xC070] =	vst.add.f32.msk $0xffff, v2  }
0x30e: {  	s21 =	rddreg [dreg:$0x9]  }
0x30f: {  	s20 =	simm.s32 $0x0;
	s22 =	simm.s32 $0xC000;
	s23 =	rddreg [dreg:$0x15]  }
0x310: {  	[hbm4b:s21+s20] =	stream.linear.scatter [tilespmem:s22], [sflag:$0x7], $0x4000, $0x38;
	[tilespmem:$0x1C000] =	vst v63  }
0x311: {  	s0 =	simm.s32 $0x0;
	p0 =	slt.u32 s23, $0xC8  }
0x312: {  	s24 =	simm.s32 $0x3;
	s0 =	simm.s32 @!p0 $0x7FFF38  }
0x313: {  	_ =	swait.ge [sflag:s24], $0x4000;
	s0 =	sadd.s32 s23, s0  }
0x314: {  	[sflag:s24] =	ssyncset.done $0x0;
	s0 =	sshll.u32 s0, $0x9  }
0x315: {  	[sflag:s24] =	ssyncadd.s32 $0xFFFFC000;
	s25 =	sshra.s32 s0, $0x2  }
0x316: {  	v0 =	vld [tilespmem:s25+$0x0];
	_ =	sdelay $0x3  }
0x317: {  	s5 =	simm.s32 $0x0  }
0x318: {  	[tilespmem:s5+$0x10000] =	vst.add.f32.msk $0xffff, v0  }
0x319: {  	v0 =	vld [tilespmem:s25+$0x10];
	_ =	sdelay $0x3  }
0x31a: {  	s26 =	sadd.s32 $0x1, s23  }
0x31b: {  	s2 =	simm.s32 $0x0;
	p0 =	slt.u32 s26, $0xC8;
	[tilespmem:s5+$0x10010] =	vst.add.f32.msk $0xffff, v0  }
0x31c: {  	s2 =	simm.s32 @!p0 $0x7FFF38;
	v0 =	vld [tilespmem:s25+$0x20]  }
0x31d: {  	s2 =	sadd.s32 s26, s2  }
0x31e: {  	s2 =	sshll.u32 s2, $0x9  }
0x31f: {  	s9 =	sshra.s32 s2, $0x2  }
0x320: {  	v1 =	vld [tilespmem:s9+$0x0]  }
0x321: {  	[tilespmem:s5+$0x10020] =	vst.add.f32.msk $0xffff, v0  }
0x322: {  	v0 =	vld [tilespmem:s25+$0x30];
	_ =	sdelay $0x1  }
0x323: {  	s8 =	simm.s32 $0x80;
	s0 =	sadd.s32 $0x1, s26  }
0x324: {  	p0 =	slt.u32 s0, $0xC8;
	s2 =	simm.s32 $0x0;
	[tilespmem:s8+$0x10000] =	vst.add.f32.msk $0xffff, v1  }
0x325: {  	s2 =	simm.s32 @!p0 $0x7FFF38;
	v1 =	vld [tilespmem:s9+$0x10]  }
0x326: {  	s2 =	sadd.s32 s0, s2;
	[tilespmem:s5+$0x10030] =	vst.add.f32.msk $0xffff, v0  }
0x327: {  	s2 =	sshll.u32 s2, $0x9;
	v0 =	vld [tilespmem:s25+$0x40]  }
0x328: {  	s2 =	sshra.s32 s2, $0x2  }
0x329: {  	v2 =	vld [tilespmem:s2+$0x0]  }
0x32a: {  	[tilespmem:s8+$0x10010] =	vst.add.f32.msk $0xffff, v1  }
0x32b: {  	v1 =	vld [tilespmem:s9+$0x20]  }
0x32c: {  	[tilespmem:s5+$0x10040] =	vst.add.f32.msk $0xffff, v0  }
0x32d: {  	s3 =	simm.s32 $0x100;
	v0 =	vld [tilespmem:s25+$0x50]  }
0x32e: {  	[tilespmem:s3+$0x10000] =	vst.add.f32.msk $0xffff, v2  }
0x32f: {  	v2 =	vld [tilespmem:s2+$0x10]  }
0x330: {  	[tilespmem:s8+$0x10020] =	vst.add.f32.msk $0xffff, v1  }
0x331: {  	v1 =	vld [tilespmem:s9+$0x30]  }
0x332: {  	[tilespmem:s5+$0x10050] =	vst.add.f32.msk $0xffff, v0  }
0x333: {  	v0 =	vld [tilespmem:s25+$0x60];
	_ =	sdelay $0x1  }
0x334: {  	[tilespmem:s3+$0x10010] =	vst.add.f32.msk $0xffff, v2  }
0x335: {  	[tilespmem:s8+$0x10030] =	vst.add.f32.msk $0xffff, v1  }
0x336: {  	v1 =	vld [tilespmem:s9+$0x40]  }
0x337: {  	s0 =	sadd.s32 $0x1, s0;
	[tilespmem:s5+$0x10060] =	vst.add.f32.msk $0xffff, v0  }
0x338: {  	s10 =	simm.s32 $0x800;
	s7 =	simm.s32 $0x600;
	p1 =	slt.u32 s0, $0xC8;
	v0 =	vld [tilespmem:s25+$0x70]  }
.LBB2_18:
0x339: {  	s11 =	simm.s32 $0x0  }
0x33a: {  	p0 =	sne.s32 s10, $0xFE00;
	v2 =	vld [tilespmem:s2+$0x20];
	s11 =	simm.s32 @!p1 $0x7FFF38  }
0x33b: {  	s11 =	sadd.s32 s0, s11;
	[tilespmem:s8+$0x10040] =	vst.add.f32.msk $0xffff, v1  }
0x33c: {  	s11 =	sshll.u32 s11, $0x9;
	v1 =	vld [tilespmem:s9+$0x50]  }
0x33d: {  	s11 =	sshra.s32 s11, $0x2;
	[tilespmem:s5+$0x10070] =	vst.add.f32.msk $0xffff, v0;
	s5 =	smov.u32 s8;
	s8 =	smov.u32 s3  }
0x33e: {  	v0 =	vld [tilespmem:s11+$0x0]  }
0x33f: {  	[tilespmem:s8+$0x10020] =	vst.add.f32.msk $0xffff, v2  }
0x340: {  	v2 =	vld [tilespmem:s2+$0x30]  }
0x341: {  	[tilespmem:s5+$0x10050] =	vst.add.f32.msk $0xffff, v1  }
0x342: {  	s3 =	sshra.s32 s7, $0x2;
	s7 =	smov.u32 s10;
	v3 =	vld [tilespmem:s9+$0x60]  }
0x343: {  	[tilespmem:s3+$0x10000] =	vst.add.f32.msk $0xffff, v0  }
0x344: {  	v4 =	vld [tilespmem:s11+$0x10]  }
.Ltmp8:
0x345: {  	[tilespmem:s8+$0x10030] =	vst.add.f32.msk $0xffff, v2;
	(pc) =	sbr.rel @p0 .LBB2_18-.Ltmp8, $4  }
0x346: {  	v1 =	vld [tilespmem:s2+$0x40]  }
0x347: {  	[tilespmem:s5+$0x10060] =	vst.add.f32.msk $0xffff, v3  }
0x348: {  	s0 =	sadd.s32 $0x1, s0;
	v0 =	vld [tilespmem:s9+$0x70];
	s9 =	smov.u32 s2;
	s2 =	smov.u32 s11  }
0x349: {  	p1 =	slt.u32 s0, $0xC8;
	s10 =	sadd.s32 $0x200, s10;
	[tilespmem:s3+$0x10010] =	vst.add.f32.msk $0xffff, v4  }
0x34a: {  	s10 =	simm.s32 $0x0  }
0x34b: {  	s10 =	simm.s32 @!p1 $0x7FFF38  }
0x34c: {  	s0 =	sadd.s32 s0, s10  }
0x34d: {  	s0 =	sshll.u32 s0, $0x9  }
0x34e: {  	s0 =	sshra.s32 s0, $0x2  }
0x34f: {  	v2 =	vld [tilespmem:s0+$0x0];
	_ =	sdelay $0x3  }
0x350: {  	s7 =	sshra.s32 s7, $0x2  }
0x351: {  	[tilespmem:s7+$0x10000] =	vst.add.f32.msk $0xffff, v2  }
0x352: {  	v2 =	vld [tilespmem:s0+$0x10];
	_ =	sdelay $0x3  }
0x353: {  	v3 =	vld [tilespmem:s2+$0x20]  }
0x354: {  	[tilespmem:s7+$0x10010] =	vst.add.f32.msk $0xffff, v2  }
0x355: {  	v2 =	vld [tilespmem:s0+$0x20];
	_ =	sdelay $0x2  }
0x356: {  	[tilespmem:s3+$0x10020] =	vst.add.f32.msk $0xffff, v3  }
0x357: {  	v3 =	vld [tilespmem:s2+$0x30]  }
0x358: {  	[tilespmem:s7+$0x10020] =	vst.add.f32.msk $0xffff, v2  }
0x359: {  	v2 =	vld [tilespmem:s0+$0x30];
	_ =	sdelay $0x2  }
0x35a: {  	[tilespmem:s3+$0x10030] =	vst.add.f32.msk $0xffff, v3  }
0x35b: {  	v3 =	vld [tilespmem:s2+$0x40]  }
0x35c: {  	[tilespmem:s7+$0x10030] =	vst.add.f32.msk $0xffff, v2  }
0x35d: {  	v2 =	vld [tilespmem:s0+$0x40]  }
0x35e: {  	[tilespmem:s8+$0x10040] =	vst.add.f32.msk $0xffff, v1  }
0x35f: {  	v1 =	vld [tilespmem:s9+$0x50]  }
0x360: {  	[tilespmem:s3+$0x10040] =	vst.add.f32.msk $0xffff, v3  }
0x361: {  	v3 =	vld [tilespmem:s2+$0x50]  }
0x362: {  	[tilespmem:s7+$0x10040] =	vst.add.f32.msk $0xffff, v2  }
0x363: {  	v2 =	vld [tilespmem:s0+$0x50]  }
0x364: {  	[tilespmem:s8+$0x10050] =	vst.add.f32.msk $0xffff, v1  }
0x365: {  	v1 =	vld [tilespmem:s9+$0x60]  }
0x366: {  	[tilespmem:s3+$0x10050] =	vst.add.f32.msk $0xffff, v3  }
0x367: {  	v3 =	vld [tilespmem:s2+$0x60]  }
0x368: {  	[tilespmem:s7+$0x10050] =	vst.add.f32.msk $0xffff, v2  }
0x369: {  	v2 =	vld [tilespmem:s0+$0x60]  }
0x36a: {  	[tilespmem:s8+$0x10060] =	vst.add.f32.msk $0xffff, v1  }
0x36b: {  	v1 =	vld [tilespmem:s9+$0x70]  }
0x36c: {  	[tilespmem:s3+$0x10060] =	vst.add.f32.msk $0xffff, v3  }
0x36d: {  	v3 =	vld [tilespmem:s2+$0x70]  }
0x36e: {  	[tilespmem:s7+$0x10060] =	vst.add.f32.msk $0xffff, v2  }
0x36f: {  	v2 =	vld [tilespmem:s0+$0x70];
	_ =	sdelay $0x1  }
0x370: {  	[tilespmem:s5+$0x10070] =	vst.add.f32.msk $0xffff, v0  }
0x371: {  	[tilespmem:s8+$0x10070] =	vst.add.f32.msk $0xffff, v1  }
0x372: {  	[tilespmem:s3+$0x10070] =	vst.add.f32.msk $0xffff, v3  }
0x373: {  	[tilespmem:s7+$0x10070] =	vst.add.f32.msk $0xffff, v2  }
0x374: {  	s23 =	rddreg [dreg:$0xa]  }
0x375: {  	s22 =	simm.s32 $0x0;
	s24 =	rddreg [dreg:$0x16]  }
0x376: {  	[hbm4b:s23+s22] =	stream.linear.scatter [tilespmem:s30], [sflag:$0x8], $0x4000, $0x38;
	[tilespmem:$0x1C000] =	vst v63  }
0x377: {  	s0 =	simm.s32 $0x0;
	p0 =	slt.u32 s24, $0xC8  }
0x378: {  	s0 =	simm.s32 @!p0 $0x7FFF38  }
0x379: {  	_ =	swait.ge [sflag:s14], $0x4000;
	s0 =	sadd.s32 s24, s0  }
0x37a: {  	[sflag:s14] =	ssyncset.done $0x0;
	s0 =	sshll.u32 s0, $0x9  }
0x37b: {  	[sflag:s14] =	ssyncadd.s32 $0xFFFFC000;
	s25 =	sshra.s32 s0, $0x2  }
0x37c: {  	v0 =	vld [tilespmem:s25+$0x0];
	_ =	sdelay $0x3  }
0x37d: {  	s5 =	simm.s32 $0x0  }
0x37e: {  	[tilespmem:s5+$0x14000] =	vst.add.f32.msk $0xffff, v0  }
0x37f: {  	v0 =	vld [tilespmem:s25+$0x10];
	_ =	sdelay $0x3  }
0x380: {  	s26 =	sadd.s32 $0x1, s24  }
0x381: {  	s2 =	simm.s32 $0x0;
	p0 =	slt.u32 s26, $0xC8;
	[tilespmem:s5+$0x14010] =	vst.add.f32.msk $0xffff, v0  }
0x382: {  	s2 =	simm.s32 @!p0 $0x7FFF38;
	v0 =	vld [tilespmem:s25+$0x20]  }
0x383: {  	s2 =	sadd.s32 s26, s2  }
0x384: {  	s2 =	sshll.u32 s2, $0x9  }
0x385: {  	s9 =	sshra.s32 s2, $0x2  }
0x386: {  	v1 =	vld [tilespmem:s9+$0x0]  }
0x387: {  	[tilespmem:s5+$0x14020] =	vst.add.f32.msk $0xffff, v0  }
0x388: {  	v0 =	vld [tilespmem:s25+$0x30];
	_ =	sdelay $0x1  }
0x389: {  	s8 =	simm.s32 $0x80;
	s0 =	sadd.s32 $0x1, s26  }
0x38a: {  	p0 =	slt.u32 s0, $0xC8;
	s2 =	simm.s32 $0x0;
	[tilespmem:s8+$0x14000] =	vst.add.f32.msk $0xffff, v1  }
0x38b: {  	s2 =	simm.s32 @!p0 $0x7FFF38;
	v1 =	vld [tilespmem:s9+$0x10]  }
0x38c: {  	s2 =	sadd.s32 s0, s2;
	[tilespmem:s5+$0x14030] =	vst.add.f32.msk $0xffff, v0  }
0x38d: {  	s2 =	sshll.u32 s2, $0x9;
	v0 =	vld [tilespmem:s25+$0x40]  }
0x38e: {  	s2 =	sshra.s32 s2, $0x2  }
0x38f: {  	v2 =	vld [tilespmem:s2+$0x0]  }
0x390: {  	[tilespmem:s8+$0x14010] =	vst.add.f32.msk $0xffff, v1  }
0x391: {  	v1 =	vld [tilespmem:s9+$0x20]  }
0x392: {  	[tilespmem:s5+$0x14040] =	vst.add.f32.msk $0xffff, v0  }
0x393: {  	s3 =	simm.s32 $0x100;
	v0 =	vld [tilespmem:s25+$0x50]  }
0x394: {  	[tilespmem:s3+$0x14000] =	vst.add.f32.msk $0xffff, v2  }
0x395: {  	v2 =	vld [tilespmem:s2+$0x10]  }
0x396: {  	[tilespmem:s8+$0x14020] =	vst.add.f32.msk $0xffff, v1  }
0x397: {  	v1 =	vld [tilespmem:s9+$0x30]  }
0x398: {  	[tilespmem:s5+$0x14050] =	vst.add.f32.msk $0xffff, v0  }
0x399: {  	v0 =	vld [tilespmem:s25+$0x60];
	_ =	sdelay $0x1  }
0x39a: {  	[tilespmem:s3+$0x14010] =	vst.add.f32.msk $0xffff, v2  }
0x39b: {  	[tilespmem:s8+$0x14030] =	vst.add.f32.msk $0xffff, v1  }
0x39c: {  	v1 =	vld [tilespmem:s9+$0x40]  }
0x39d: {  	s0 =	sadd.s32 $0x1, s0;
	[tilespmem:s5+$0x14060] =	vst.add.f32.msk $0xffff, v0  }
0x39e: {  	s10 =	simm.s32 $0x800;
	s7 =	simm.s32 $0x600;
	p1 =	slt.u32 s0, $0xC8;
	v0 =	vld [tilespmem:s25+$0x70]  }
.LBB2_20:
0x39f: {  	s11 =	simm.s32 $0x0  }
0x3a0: {  	p0 =	sne.s32 s10, $0xFE00;
	v2 =	vld [tilespmem:s2+$0x20];
	s11 =	simm.s32 @!p1 $0x7FFF38  }
0x3a1: {  	s11 =	sadd.s32 s0, s11;
	[tilespmem:s8+$0x14040] =	vst.add.f32.msk $0xffff, v1  }
0x3a2: {  	s11 =	sshll.u32 s11, $0x9;
	v1 =	vld [tilespmem:s9+$0x50]  }
0x3a3: {  	s11 =	sshra.s32 s11, $0x2;
	[tilespmem:s5+$0x14070] =	vst.add.f32.msk $0xffff, v0;
	s5 =	smov.u32 s8;
	s8 =	smov.u32 s3  }
0x3a4: {  	v0 =	vld [tilespmem:s11+$0x0]  }
0x3a5: {  	[tilespmem:s8+$0x14020] =	vst.add.f32.msk $0xffff, v2  }
0x3a6: {  	v2 =	vld [tilespmem:s2+$0x30]  }
0x3a7: {  	[tilespmem:s5+$0x14050] =	vst.add.f32.msk $0xffff, v1  }
0x3a8: {  	s3 =	sshra.s32 s7, $0x2;
	s7 =	smov.u32 s10;
	v3 =	vld [tilespmem:s9+$0x60]  }
0x3a9: {  	[tilespmem:s3+$0x14000] =	vst.add.f32.msk $0xffff, v0  }
0x3aa: {  	v4 =	vld [tilespmem:s11+$0x10]  }
.Ltmp9:
0x3ab: {  	[tilespmem:s8+$0x14030] =	vst.add.f32.msk $0xffff, v2;
	(pc) =	sbr.rel @p0 .LBB2_20-.Ltmp9, $4  }
0x3ac: {  	v1 =	vld [tilespmem:s2+$0x40]  }
0x3ad: {  	[tilespmem:s5+$0x14060] =	vst.add.f32.msk $0xffff, v3  }
0x3ae: {  	s0 =	sadd.s32 $0x1, s0;
	v0 =	vld [tilespmem:s9+$0x70];
	s9 =	smov.u32 s2;
	s2 =	smov.u32 s11  }
0x3af: {  	p1 =	slt.u32 s0, $0xC8;
	s10 =	sadd.s32 $0x200, s10;
	[tilespmem:s3+$0x14010] =	vst.add.f32.msk $0xffff, v4  }
0x3b0: {  	s10 =	simm.s32 $0x0  }
0x3b1: {  	s10 =	simm.s32 @!p1 $0x7FFF38  }
0x3b2: {  	s0 =	sadd.s32 s0, s10  }
0x3b3: {  	s0 =	sshll.u32 s0, $0x9  }
0x3b4: {  	s0 =	sshra.s32 s0, $0x2  }
0x3b5: {  	v2 =	vld [tilespmem:s0+$0x0];
	_ =	sdelay $0x3  }
0x3b6: {  	s7 =	sshra.s32 s7, $0x2  }
0x3b7: {  	[tilespmem:s7+$0x14000] =	vst.add.f32.msk $0xffff, v2  }
0x3b8: {  	v2 =	vld [tilespmem:s0+$0x10];
	_ =	sdelay $0x3  }
0x3b9: {  	v3 =	vld [tilespmem:s2+$0x20]  }
0x3ba: {  	[tilespmem:s7+$0x14010] =	vst.add.f32.msk $0xffff, v2  }
0x3bb: {  	v2 =	vld [tilespmem:s0+$0x20];
	_ =	sdelay $0x2  }
0x3bc: {  	[tilespmem:s3+$0x14020] =	vst.add.f32.msk $0xffff, v3  }
0x3bd: {  	v3 =	vld [tilespmem:s2+$0x30]  }
0x3be: {  	[tilespmem:s7+$0x14020] =	vst.add.f32.msk $0xffff, v2  }
0x3bf: {  	v2 =	vld [tilespmem:s0+$0x30];
	_ =	sdelay $0x2  }
0x3c0: {  	[tilespmem:s3+$0x14030] =	vst.add.f32.msk $0xffff, v3  }
0x3c1: {  	v3 =	vld [tilespmem:s2+$0x40]  }
0x3c2: {  	[tilespmem:s7+$0x14030] =	vst.add.f32.msk $0xffff, v2  }
0x3c3: {  	v2 =	vld [tilespmem:s0+$0x40]  }
0x3c4: {  	[tilespmem:s8+$0x14040] =	vst.add.f32.msk $0xffff, v1  }
0x3c5: {  	v1 =	vld [tilespmem:s9+$0x50]  }
0x3c6: {  	[tilespmem:s3+$0x14040] =	vst.add.f32.msk $0xffff, v3  }
0x3c7: {  	v3 =	vld [tilespmem:s2+$0x50]  }
0x3c8: {  	[tilespmem:s7+$0x14040] =	vst.add.f32.msk $0xffff, v2  }
0x3c9: {  	v2 =	vld [tilespmem:s0+$0x50]  }
0x3ca: {  	[tilespmem:s8+$0x14050] =	vst.add.f32.msk $0xffff, v1  }
0x3cb: {  	v1 =	vld [tilespmem:s9+$0x60]  }
0x3cc: {  	[tilespmem:s3+$0x14050] =	vst.add.f32.msk $0xffff, v3  }
0x3cd: {  	v3 =	vld [tilespmem:s2+$0x60]  }
0x3ce: {  	[tilespmem:s7+$0x14050] =	vst.add.f32.msk $0xffff, v2  }
0x3cf: {  	v2 =	vld [tilespmem:s0+$0x60]  }
0x3d0: {  	[tilespmem:s8+$0x14060] =	vst.add.f32.msk $0xffff, v1  }
0x3d1: {  	v1 =	vld [tilespmem:s9+$0x70]  }
0x3d2: {  	[tilespmem:s3+$0x14060] =	vst.add.f32.msk $0xffff, v3  }
0x3d3: {  	v3 =	vld [tilespmem:s2+$0x70]  }
0x3d4: {  	[tilespmem:s7+$0x14060] =	vst.add.f32.msk $0xffff, v2  }
0x3d5: {  	v2 =	vld [tilespmem:s0+$0x70];
	_ =	sdelay $0x1  }
0x3d6: {  	[tilespmem:s5+$0x14070] =	vst.add.f32.msk $0xffff, v0  }
0x3d7: {  	[tilespmem:s8+$0x14070] =	vst.add.f32.msk $0xffff, v1  }
0x3d8: {  	[tilespmem:s3+$0x14070] =	vst.add.f32.msk $0xffff, v3  }
0x3d9: {  	[tilespmem:s7+$0x14070] =	vst.add.f32.msk $0xffff, v2  }
0x3da: {  	s23 =	rddreg [dreg:$0xb]  }
0x3db: {  	s22 =	simm.s32 $0x0;
	s24 =	rddreg [dreg:$0x17]  }
0x3dc: {  	[hbm4b:s23+s22] =	stream.linear.scatter [tilespmem:s31], [sflag:$0x9], $0x4000, $0x38;
	[tilespmem:$0x1C000] =	vst v63  }
0x3dd: {  	s0 =	simm.s32 $0x0;
	p0 =	slt.u32 s24, $0xC8  }
0x3de: {  	s0 =	simm.s32 @!p0 $0x7FFF38  }
0x3df: {  	_ =	swait.ge [sflag:s15], $0x4000;
	s0 =	sadd.s32 s24, s0  }
0x3e0: {  	[sflag:s15] =	ssyncset.done $0x0;
	s0 =	sshll.u32 s0, $0x9  }
0x3e1: {  	[sflag:s15] =	ssyncadd.s32 $0xFFFFC000;
	s25 =	sshra.s32 s0, $0x2  }
0x3e2: {  	v0 =	vld [tilespmem:s25+$0x0];
	_ =	sdelay $0x3  }
0x3e3: {  	s5 =	simm.s32 $0x0  }
0x3e4: {  	[tilespmem:s5+$0x18000] =	vst.add.f32.msk $0xffff, v0  }
0x3e5: {  	v0 =	vld [tilespmem:s25+$0x10];
	_ =	sdelay $0x3  }
0x3e6: {  	s26 =	sadd.s32 $0x1, s24  }
0x3e7: {  	s2 =	simm.s32 $0x0;
	p0 =	slt.u32 s26, $0xC8;
	[tilespmem:s5+$0x18010] =	vst.add.f32.msk $0xffff, v0  }
0x3e8: {  	s2 =	simm.s32 @!p0 $0x7FFF38;
	v0 =	vld [tilespmem:s25+$0x20]  }
0x3e9: {  	s2 =	sadd.s32 s26, s2  }
0x3ea: {  	s2 =	sshll.u32 s2, $0x9  }
0x3eb: {  	s9 =	sshra.s32 s2, $0x2  }
0x3ec: {  	v1 =	vld [tilespmem:s9+$0x0]  }
0x3ed: {  	[tilespmem:s5+$0x18020] =	vst.add.f32.msk $0xffff, v0  }
0x3ee: {  	v0 =	vld [tilespmem:s25+$0x30];
	_ =	sdelay $0x1  }
0x3ef: {  	s8 =	simm.s32 $0x80;
	s0 =	sadd.s32 $0x1, s26  }
0x3f0: {  	p0 =	slt.u32 s0, $0xC8;
	s2 =	simm.s32 $0x0;
	[tilespmem:s8+$0x18000] =	vst.add.f32.msk $0xffff, v1  }
0x3f1: {  	s2 =	simm.s32 @!p0 $0x7FFF38;
	v1 =	vld [tilespmem:s9+$0x10]  }
0x3f2: {  	s2 =	sadd.s32 s0, s2;
	[tilespmem:s5+$0x18030] =	vst.add.f32.msk $0xffff, v0  }
0x3f3: {  	s2 =	sshll.u32 s2, $0x9;
	v0 =	vld [tilespmem:s25+$0x40]  }
0x3f4: {  	s2 =	sshra.s32 s2, $0x2  }
0x3f5: {  	v2 =	vld [tilespmem:s2+$0x0]  }
0x3f6: {  	[tilespmem:s8+$0x18010] =	vst.add.f32.msk $0xffff, v1  }
0x3f7: {  	v1 =	vld [tilespmem:s9+$0x20]  }
0x3f8: {  	[tilespmem:s5+$0x18040] =	vst.add.f32.msk $0xffff, v0  }
0x3f9: {  	s3 =	simm.s32 $0x100;
	v0 =	vld [tilespmem:s25+$0x50]  }
0x3fa: {  	[tilespmem:s3+$0x18000] =	vst.add.f32.msk $0xffff, v2  }
0x3fb: {  	v2 =	vld [tilespmem:s2+$0x10]  }
0x3fc: {  	[tilespmem:s8+$0x18020] =	vst.add.f32.msk $0xffff, v1  }
0x3fd: {  	v1 =	vld [tilespmem:s9+$0x30]  }
0x3fe: {  	[tilespmem:s5+$0x18050] =	vst.add.f32.msk $0xffff, v0  }
0x3ff: {  	v0 =	vld [tilespmem:s25+$0x60];
	_ =	sdelay $0x1  }
0x400: {  	[tilespmem:s3+$0x18010] =	vst.add.f32.msk $0xffff, v2  }
0x401: {  	[tilespmem:s8+$0x18030] =	vst.add.f32.msk $0xffff, v1  }
0x402: {  	v1 =	vld [tilespmem:s9+$0x40]  }
0x403: {  	s0 =	sadd.s32 $0x1, s0;
	[tilespmem:s5+$0x18060] =	vst.add.f32.msk $0xffff, v0  }
0x404: {  	s10 =	simm.s32 $0x800;
	s7 =	simm.s32 $0x600;
	p1 =	slt.u32 s0, $0xC8;
	v0 =	vld [tilespmem:s25+$0x70]  }
.LBB2_22:
0x405: {  	s11 =	simm.s32 $0x0  }
0x406: {  	p0 =	sne.s32 s10, $0xFE00;
	v2 =	vld [tilespmem:s2+$0x20];
	s11 =	simm.s32 @!p1 $0x7FFF38  }
0x407: {  	s11 =	sadd.s32 s0, s11;
	[tilespmem:s8+$0x18040] =	vst.add.f32.msk $0xffff, v1  }
0x408: {  	s11 =	sshll.u32 s11, $0x9;
	v1 =	vld [tilespmem:s9+$0x50]  }
0x409: {  	s11 =	sshra.s32 s11, $0x2;
	[tilespmem:s5+$0x18070] =	vst.add.f32.msk $0xffff, v0;
	s5 =	smov.u32 s8;
	s8 =	smov.u32 s3  }
0x40a: {  	v0 =	vld [tilespmem:s11+$0x0]  }
0x40b: {  	[tilespmem:s8+$0x18020] =	vst.add.f32.msk $0xffff, v2  }
0x40c: {  	v2 =	vld [tilespmem:s2+$0x30]  }
0x40d: {  	[tilespmem:s5+$0x18050] =	vst.add.f32.msk $0xffff, v1  }
0x40e: {  	s3 =	sshra.s32 s7, $0x2;
	s7 =	smov.u32 s10;
	v3 =	vld [tilespmem:s9+$0x60]  }
0x40f: {  	[tilespmem:s3+$0x18000] =	vst.add.f32.msk $0xffff, v0  }
0x410: {  	v4 =	vld [tilespmem:s11+$0x10]  }
.Ltmp10:
0x411: {  	[tilespmem:s8+$0x18030] =	vst.add.f32.msk $0xffff, v2;
	(pc) =	sbr.rel @p0 .LBB2_22-.Ltmp10, $4  }
0x412: {  	v1 =	vld [tilespmem:s2+$0x40]  }
0x413: {  	[tilespmem:s5+$0x18060] =	vst.add.f32.msk $0xffff, v3  }
0x414: {  	s0 =	sadd.s32 $0x1, s0;
	v0 =	vld [tilespmem:s9+$0x70];
	s9 =	smov.u32 s2;
	s2 =	smov.u32 s11  }
0x415: {  	p1 =	slt.u32 s0, $0xC8;
	s10 =	sadd.s32 $0x200, s10;
	[tilespmem:s3+$0x18010] =	vst.add.f32.msk $0xffff, v4  }
0x416: {  	s10 =	simm.s32 $0x0  }
0x417: {  	s10 =	simm.s32 @!p1 $0x7FFF38  }
0x418: {  	s0 =	sadd.s32 s0, s10  }
0x419: {  	s0 =	sshll.u32 s0, $0x9  }
0x41a: {  	s0 =	sshra.s32 s0, $0x2  }
0x41b: {  	v2 =	vld [tilespmem:s0+$0x0];
	_ =	sdelay $0x3  }
0x41c: {  	s7 =	sshra.s32 s7, $0x2  }
0x41d: {  	[tilespmem:s7+$0x18000] =	vst.add.f32.msk $0xffff, v2  }
0x41e: {  	v2 =	vld [tilespmem:s0+$0x10];
	_ =	sdelay $0x3  }
0x41f: {  	v3 =	vld [tilespmem:s2+$0x20]  }
0x420: {  	[tilespmem:s7+$0x18010] =	vst.add.f32.msk $0xffff, v2  }
0x421: {  	v2 =	vld [tilespmem:s0+$0x20];
	_ =	sdelay $0x2  }
0x422: {  	[tilespmem:s3+$0x18020] =	vst.add.f32.msk $0xffff, v3  }
0x423: {  	v3 =	vld [tilespmem:s2+$0x30]  }
0x424: {  	[tilespmem:s7+$0x18020] =	vst.add.f32.msk $0xffff, v2  }
0x425: {  	v2 =	vld [tilespmem:s0+$0x30];
	_ =	sdelay $0x2  }
0x426: {  	[tilespmem:s3+$0x18030] =	vst.add.f32.msk $0xffff, v3  }
0x427: {  	v3 =	vld [tilespmem:s2+$0x40]  }
0x428: {  	[tilespmem:s7+$0x18030] =	vst.add.f32.msk $0xffff, v2  }
0x429: {  	v2 =	vld [tilespmem:s0+$0x40]  }
0x42a: {  	[tilespmem:s8+$0x18040] =	vst.add.f32.msk $0xffff, v1  }
0x42b: {  	v1 =	vld [tilespmem:s9+$0x50]  }
0x42c: {  	[tilespmem:s3+$0x18040] =	vst.add.f32.msk $0xffff, v3  }
0x42d: {  	v3 =	vld [tilespmem:s2+$0x50]  }
0x42e: {  	[tilespmem:s7+$0x18040] =	vst.add.f32.msk $0xffff, v2  }
0x42f: {  	v2 =	vld [tilespmem:s0+$0x50]  }
0x430: {  	[tilespmem:s8+$0x18050] =	vst.add.f32.msk $0xffff, v1  }
0x431: {  	v1 =	vld [tilespmem:s9+$0x60]  }
0x432: {  	[tilespmem:s3+$0x18050] =	vst.add.f32.msk $0xffff, v3  }
0x433: {  	v3 =	vld [tilespmem:s2+$0x60]  }
0x434: {  	[tilespmem:s7+$0x18050] =	vst.add.f32.msk $0xffff, v2  }
0x435: {  	v2 =	vld [tilespmem:s0+$0x60]  }
0x436: {  	[tilespmem:s8+$0x18060] =	vst.add.f32.msk $0xffff, v1  }
0x437: {  	v1 =	vld [tilespmem:s9+$0x70]  }
0x438: {  	[tilespmem:s3+$0x18060] =	vst.add.f32.msk $0xffff, v3  }
0x439: {  	v3 =	vld [tilespmem:s2+$0x70]  }
0x43a: {  	[tilespmem:s7+$0x18060] =	vst.add.f32.msk $0xffff, v2  }
0x43b: {  	v2 =	vld [tilespmem:s0+$0x70];
	_ =	sdelay $0x1  }
0x43c: {  	[tilespmem:s5+$0x18070] =	vst.add.f32.msk $0xffff, v0  }
0x43d: {  	[tilespmem:s8+$0x18070] =	vst.add.f32.msk $0xffff, v1  }
0x43e: {  	[tilespmem:s3+$0x18070] =	vst.add.f32.msk $0xffff, v3  }
0x43f: {  	[tilespmem:s7+$0x18070] =	vst.add.f32.msk $0xffff, v2  }
0x440: {  	s23 =	simm.s32 $0x18000;
	s24 =	simm.s32 $0x6;
	s22 =	rddreg [dreg:$0xc]  }
0x441: {  	[hbm4b:s22+s17] =	stream.linear.scatter [tilespmem:s23], [sflag:$0xA], $0x4000, $0x38;
	[tilespmem:$0x1C000] =	vst v63  }
0x442: {  	_ =	swait.ge [sflag:s24], $0x4000  }
0x443: {  	[sflag:s24] =	ssyncset.done $0x0  }
0x444: {  	[sflag:s24] =	ssyncadd.s32 $0xFFFFC000  }
0x445: {  	_ =	swait.ge [sflag:s13], $0x4000  }
0x446: {  	[sflag:s13] =	ssyncset.done $0x0  }
0x447: {  	[sflag:s13] =	ssyncadd.s32 $0xFFFFC000  }
0x448: {  	_ =	swait.ge [sflag:s28], $0x4000  }
0x449: {  	[sflag:s28] =	ssyncset.done $0x0  }
0x44a: {  	[sflag:s28] =	ssyncadd.s32 $0xFFFFC000  }
0x44b: {  	_ =	swait.ge [sflag:s16], $0x4000  }
0x44c: {  	[sflag:s16] =	ssyncset.done $0x0  }
0x44d: {  	[sflag:s16] =	ssyncadd.s32 $0xFFFFC000  }
0x44e: {  	_ =	swait.ge [sflag:s18], $0x4000  }
0x44f: {  	s25 =	rddreg [dreg:$0x18]  }
0x450: {  	s26 =	rddreg [dreg:$0xd];
	s2 =	sadd.s32 $0x1, s25  }
0x451: {  	p0 =	sne.s32 s2, s26  }
.Ltmp11:
0x452: {  	_ = 	snop;
	(pc) =	sbr.rel @p0 .LBB2_1-.Ltmp11, $3  }
0x453: {  	_ =	sdelay $0x1  }
0x454: {  	[sflag:s18] =	ssyncset.done $0x0  }
0x455: {  	[sflag:s18] =	ssyncadd.s32 $0xFFFFC000  }
0x456: {  	_ =	sfence.sel $0x180000  }
0x457: {  	[bflag:$0x0] =	sbarrier.arrive $0xFFFF  }
0x458: {  	_ =	strace $0x90000047  }
0x459: {  	s0 =	stileid.u32;
	[bflag:$0x2] =	sbarrier.arrive $0xFFFF  }
0x45a: {  	p0 =	sne.s32 s0, $0x0;
	s0 =	rddreg [dreg:$0x4]  }
0x45b: {  	s0 =	sadd.s32 @!p0 $0x100000, s0  }
0x45c: {  	[sflag:s0] =	ssyncadd.tile.s32 @!p0 $0x1;
	_ =	shalt  }
.Lfunc_end2:
_tile_overlayer_lowered:
.L_overlay_start_2:
0x45d: {  	(tag) =	ssettag $0x2  }
0x45e: {  	s0 =	rddreg [dreg:$0x0];
	s2 =	stileid.u32  }
0x45f: {  	s1 =	rddreg [dreg:$0x1];
	p0 =	sne.s32 s2, $0x0  }
0x460: {  	s3 =	rddreg [dreg:$0x2];
	[bflag:$0x3] =	sbarrier.arrive $0xFFFF;
	s2 =	simm.s32 @!p0 $0x1C0B  }
0x461: {  	[timem:s3], [sflag:s2] =	dma.local @!p0 [hbm:s0], s1  }
0x462: {  	s0 =	simm.s32 @!p0 $0xB  }
0x463: {  	_ =	swait.ge @!p0 [sflag:s0], s1  }
0x464: {  	s1 =	ssub.s32 @!p0 $0x0, s1;
	[sflag:s0] =	ssyncset.done @!p0 $0x0  }
0x465: {  	[sflag:s0] =	ssyncadd.s32 @!p0 s1  }
0x466: {  	[bflag:$0x3] =	sbarrier.arrive $0xFFFF  }
0x467: {  	_ =	shalt  }

</sc_bundles>
